<compile_context>
chip_gen: v7x
topology: tpu7x:2x2x1
jax: 0.10.2.dev20260603
libtpu: 0.0.44.dev20260713+nightly
codegen_flags: <defaults>
</compile_context>

<pallas_src>
import functools

import jax
import jax.numpy as jnp
from jax import lax
from jax.experimental import pallas as pl
from jax.experimental.pallas import tpu as pltpu
from jax.experimental.pallas import tpu_sc as plsc

SLABS = 4
SLAB_W = 128
CHUNK = 128


def _sc_mesh():
    return plsc.VectorSubcoreMesh(core_axis_name="c", subcore_axis_name="s")


def _sc_layer_pass(init, table, src4, dst3, nacc, nchunk):
    rows_per_tile = nacc // 16

    @functools.partial(
        pl.kernel,
        out_type=jax.ShapeDtypeStruct((SLABS, nacc, SLAB_W), jnp.float32),
        mesh=_sc_mesh(),
        scratch_types=[
            pltpu.VMEM((CHUNK,), jnp.int32),
            pltpu.VMEM((CHUNK,), jnp.int32),
            pltpu.VMEM((CHUNK, SLAB_W), jnp.float32),
            pltpu.VMEM_SHARED((nacc, SLAB_W), jnp.float32),
            pltpu.SemaphoreType.DMA,
        ],
    )
    def k(init_h, table_h, src_h, dst_h, out_h, sidx, didx, gbuf, acc, sem):
        cid = lax.axis_index("c")
        sid = lax.axis_index("s")
        row0 = sid * rows_per_tile
        for t in range(2):
            slab = cid * 2 + t
            pltpu.sync_copy(init_h.at[slab, pl.ds(row0, rows_per_tile)],
                            acc.at[pl.ds(row0, rows_per_tile)])
            plsc.subcore_barrier()

            def body(j, _):
                pltpu.sync_copy(src_h.at[slab, sid, j], sidx)
                pltpu.sync_copy(dst_h.at[sid, j], didx)
                pltpu.async_copy(table_h.at[sidx], gbuf, sem).wait()
                pltpu.sync_copy(gbuf, acc.at[didx], add=True)
                return 0

            lax.fori_loop(0, nchunk, body, 0)
            plsc.subcore_barrier()
            pltpu.sync_copy(acc.at[pl.ds(row0, rows_per_tile)],
                            out_h.at[slab, pl.ds(row0, rows_per_tile)])
            plsc.subcore_barrier()

    return k(init, table, src4, dst3)


def _sc_rel_pass(init, table, rel4, dsto3, dsts3, nacc, nchunk):
    rows_per_tile = nacc // 16

    @functools.partial(
        pl.kernel,
        out_type=jax.ShapeDtypeStruct((SLABS, nacc, SLAB_W), jnp.float32),
        mesh=_sc_mesh(),
        scratch_types=[
            pltpu.VMEM((CHUNK,), jnp.int32),
            pltpu.VMEM((CHUNK,), jnp.int32),
            pltpu.VMEM((CHUNK,), jnp.int32),
            pltpu.VMEM((CHUNK, SLAB_W), jnp.float32),
            pltpu.VMEM_SHARED((nacc, SLAB_W), jnp.float32),
            pltpu.SemaphoreType.DMA,
        ],
    )
    def k(init_h, table_h, rel_h, dsto_h, dsts_h, out_h,
          sidx, didxo, didxs, gbuf, acc, sem):
        cid = lax.axis_index("c")
        sid = lax.axis_index("s")
        row0 = sid * rows_per_tile
        for t in range(2):
            slab = cid * 2 + t
            pltpu.sync_copy(init_h.at[slab, pl.ds(row0, rows_per_tile)],
                            acc.at[pl.ds(row0, rows_per_tile)])
            plsc.subcore_barrier()

            def body(j, _):
                pltpu.sync_copy(rel_h.at[slab, sid, j], sidx)
                pltpu.sync_copy(dsto_h.at[sid, j], didxo)
                pltpu.sync_copy(dsts_h.at[sid, j], didxs)
                pltpu.async_copy(table_h.at[sidx], gbuf, sem).wait()
                pltpu.sync_copy(gbuf, acc.at[didxo], add=True)
                pltpu.sync_copy(gbuf, acc.at[didxs], add=True)
                return 0

            lax.fori_loop(0, nchunk, body, 0)
            plsc.subcore_barrier()
            pltpu.sync_copy(acc.at[pl.ds(row0, rows_per_tile)],
                            out_h.at[slab, pl.ds(row0, rows_per_tile)])
            plsc.subcore_barrier()

    return k(init, table, rel4, dsto3, dsts3)


def _proj(x, w, b, bm):
    m, d = x.shape
    h = w.shape[1]

    def kern(x_ref, w_ref, b_ref, o_ref):
        o_ref[...] = (jnp.dot(x_ref[...], w_ref[...],
                              preferred_element_type=jnp.float32) + b_ref[...])

    return pl.pallas_call(
        kern,
        grid=(m // bm,),
        in_specs=[pl.BlockSpec((bm, d), lambda i: (i, 0)),
                  pl.BlockSpec((d, h), lambda i: (0, 0)),
                  pl.BlockSpec((1, h), lambda i: (0, 0))],
        out_specs=pl.BlockSpec((bm, h), lambda i: (i, 0)),
        out_shape=jax.ShapeDtypeStruct((m, h), jnp.float32),
    )(x, w, b.reshape(1, h))


def _layer_update(ns, agg, wt, wb, bp, bm):
    m, h = ns.shape

    def kern(ns_ref, agg_ref, wt_ref, wb_ref, bp_ref, o_ref):
        acc = jnp.dot(ns_ref[...], wt_ref[...],
                      preferred_element_type=jnp.float32)
        for s in range(SLABS):
            acc += jnp.dot(agg_ref[s], wb_ref[s],
                           preferred_element_type=jnp.float32)
        acc += bp_ref[...]
        o_ref[...] = ns_ref[...] + acc * jax.nn.sigmoid(acc)

    return pl.pallas_call(
        kern,
        grid=(m // bm,),
        in_specs=[pl.BlockSpec((bm, h), lambda i: (i, 0)),
                  pl.BlockSpec((SLABS, bm, SLAB_W), lambda i: (0, i, 0)),
                  pl.BlockSpec((h, h), lambda i: (0, 0)),
                  pl.BlockSpec((SLABS, SLAB_W, h), lambda i: (0, 0, 0)),
                  pl.BlockSpec((1, h), lambda i: (0, 0))],
        out_specs=pl.BlockSpec((bm, h), lambda i: (i, 0)),
        out_shape=jax.ShapeDtypeStruct((m, h), jnp.float32),
    )(ns, agg, wt, wb, bp.reshape(1, h))


def _finalize(ns, img3, g, b, nimg, bm):
    m, h = ns.shape
    grid = m // bm

    def kern(ns_ref, img_ref, g_ref, b_ref, ln_ref, glob_ref, acc_s, acc_c):
        i = pl.program_id(0)
        x = ns_ref[...]
        mu = jnp.mean(x, axis=1, keepdims=True)
        var = jnp.mean((x - mu) ** 2, axis=1, keepdims=True)
        ln = (x - mu) / jnp.sqrt(var + 1e-5) * g_ref[...] + b_ref[...]
        ln_ref[...] = ln
        ids = img_ref[0, 0, :]
        onehot = (ids[None, :] ==
                  lax.broadcasted_iota(jnp.int32, (nimg, bm), 0)
                  ).astype(jnp.float32)

        @pl.when(i == 0)
        def _():
            acc_s[...] = jnp.zeros_like(acc_s)
            acc_c[...] = jnp.zeros_like(acc_c)

        acc_s[...] += jnp.dot(onehot, ln, preferred_element_type=jnp.float32)
        acc_c[...] += jnp.dot(onehot, jnp.ones((bm, h), jnp.float32),
                              preferred_element_type=jnp.float32)
        glob_ref[...] = acc_s[...] / jnp.maximum(acc_c[...], 1.0)

    return pl.pallas_call(
        kern,
        grid=(grid,),
        in_specs=[pl.BlockSpec((bm, h), lambda i: (i, 0)),
                  pl.BlockSpec((1, 1, bm), lambda i: (i, 0, 0)),
                  pl.BlockSpec((1, h), lambda i: (0, 0)),
                  pl.BlockSpec((1, h), lambda i: (0, 0))],
        out_specs=[pl.BlockSpec((bm, h), lambda i: (i, 0)),
                   pl.BlockSpec((nimg, h), lambda i: (0, 0))],
        out_shape=[jax.ShapeDtypeStruct((m, h), jnp.float32),
                   jax.ShapeDtypeStruct((nimg, h), jnp.float32)],
        scratch_shapes=[pltpu.VMEM((nimg, h), jnp.float32),
                        pltpu.VMEM((nimg, h), jnp.float32)],
    )(ns, img3, g.reshape(1, h), b.reshape(1, h))


def _to_slab_major(x):
    n, h = x.shape
    return jnp.reshape(jnp.transpose(jnp.reshape(x, (n, SLABS, SLAB_W)),
                                     (1, 0, 2)), (SLABS * n, SLAB_W))


def _pad_tiles(x, cap, fill):
    return jnp.concatenate(
        [x, jnp.full((cap - x.shape[0],), fill, jnp.int32)]
    ).reshape(16, -1, CHUNK)


def kernel(node_feats, rel_feats, triples, obj_to_img,
           W_node_in, b_node_in, W_rel_in, b_rel_in,
           Wp0, bp0, Wp1, bp1, Wp2, bp2,
           g_node, b_node, g_rel, b_rel):
    n, d = node_feats.shape
    r = rel_feats.shape[0]
    h = W_node_in.shape[1]
    e = triples.shape[0]
    nimg = 64
    bm = 400
    assert h == SLABS * SLAB_W and n % bm == 0

    subj, rel, obj = triples[:, 0], triples[:, 1], triples[:, 2]
    src = jnp.concatenate([subj, obj])
    dst = jnp.concatenate([obj, subj])

    m = 2 * e
    nchunk = -(-(-(-m // 16)) // CHUNK)
    mp = 16 * nchunk * CHUNK
    nchunk_e = -(-(-(-e // 16)) // CHUNK)
    ep = 16 * nchunk_e * CHUNK
    nacc = -(-(n + 1) // 128) * 128
    offs = jnp.arange(SLABS, dtype=jnp.int32)[:, None, None, None]

    dst3 = _pad_tiles(dst, mp, n)
    src4 = _pad_tiles(src, mp, 0)[None] + offs * n
    rel4 = _pad_tiles(rel, ep, 0)[None] + offs * r
    dsto3 = _pad_tiles(obj, ep, n)
    dsts3 = _pad_tiles(subj, ep, n)

    ns = _proj(node_feats, W_node_in, b_node_in, bm)
    rs = _proj(rel_feats, W_rel_in, b_rel_in, bm)

    zeros_init = jnp.zeros((SLABS, nacc, SLAB_W), jnp.float32)
    kagg = _sc_rel_pass(zeros_init, _to_slab_major(rs), rel4, dsto3, dsts3,
                        nacc, nchunk_e)

    for wp, bp in ((Wp0, bp0), (Wp1, bp1), (Wp2, bp2)):
        agg = _sc_layer_pass(kagg, _to_slab_major(ns), src4, dst3,
                             nacc, nchunk)
        wt = wp[:h]
        wb = wp[h:].reshape(SLABS, SLAB_W, h)
        ns = _layer_update(ns, agg, wt, wb, bp, bm)

    img3 = obj_to_img.astype(jnp.int32).reshape(n // bm, 1, bm)
    ln_ns, glob = _finalize(ns, img3, g_node, b_node, nimg, bm)
    return (ln_ns, glob)

# --- scband reference (transcript-rebuilt; emitter-appended) ---
"""Pipeline reference for scband-graph-triplet-gcn-18631568130416 (READ-ONLY COPY).

The authoritative reference and input builder live on the scoring server;
editing this copy changes nothing except your own understanding.
"""

import jax, jax.numpy as jnp
import numpy as np

def silu(x):
    return x * jax.nn.sigmoid(x)

def layer_norm(x, g, b, eps=1e-5):
    m = jnp.mean(x, axis=-1, keepdims=True)
    v = jnp.var(x, axis=-1, keepdims=True)
    return (x - m) / jnp.sqrt(v + eps) * g + b

def setup_inputs(seed: int = 0):
    key = jax.random.key(seed)
    ks = jax.random.split(key, 16)
    N, E, R, D, H, B = 10000, 160000, 10000, 256, 512, 64
    node_feats = jax.random.normal(ks[0], (N, D), dtype=jnp.float32)
    rel_feats = jax.random.normal(ks[1], (R, D), dtype=jnp.float32)
    triples = jax.random.randint(ks[2], (E, 3), 0, N, dtype=jnp.int32)
    obj_to_img = jnp.sort(jax.random.randint(ks[3], (N,), 0, B, dtype=jnp.int32))
    obj_to_img = obj_to_img.at[-1].set(B - 1)
    s = 0.02
    W_node_in = jax.random.normal(ks[4], (D, H), dtype=jnp.float32) * s
    b_node_in = jnp.zeros((H,), jnp.float32)
    W_rel_in = jax.random.normal(ks[5], (D, H), dtype=jnp.float32) * s
    b_rel_in = jnp.zeros((H,), jnp.float32)
    Wp0 = jax.random.normal(ks[6], (2 * H, H), dtype=jnp.float32) * s
    bp0 = jnp.zeros((H,), jnp.float32)
    Wp1 = jax.random.normal(ks[7], (2 * H, H), dtype=jnp.float32) * s
    bp1 = jnp.zeros((H,), jnp.float32)
    Wp2 = jax.random.normal(ks[8], (2 * H, H), dtype=jnp.float32) * s
    bp2 = jnp.zeros((H,), jnp.float32)
    g_node = jnp.ones((H,), jnp.float32)
    b_node = jnp.zeros((H,), jnp.float32)
    g_rel = jnp.ones((H,), jnp.float32)
    b_rel = jnp.zeros((H,), jnp.float32)
    return {
        'node_feats': node_feats, 'rel_feats': rel_feats, 'triples': triples,
        'obj_to_img': obj_to_img,
        'W_node_in': W_node_in, 'b_node_in': b_node_in,
        'W_rel_in': W_rel_in, 'b_rel_in': b_rel_in,
        'Wp0': Wp0, 'bp0': bp0, 'Wp1': Wp1, 'bp1': bp1, 'Wp2': Wp2, 'bp2': bp2,
        'g_node': g_node, 'b_node': b_node, 'g_rel': g_rel, 'b_rel': b_rel,
    }

def reference(node_feats, rel_feats, triples, obj_to_img,
              W_node_in, b_node_in, W_rel_in, b_rel_in,
              Wp0, bp0, Wp1, bp1, Wp2, bp2,
              g_node, b_node, g_rel, b_rel):
    ns = node_feats @ W_node_in + b_node_in
    rs = rel_feats @ W_rel_in + b_rel_in
    subj = triples[:, 0]
    rel = triples[:, 1]
    obj = triples[:, 2]
    for Wp, bp in ((Wp0, bp0), (Wp1, bp1), (Wp2, bp2)):
        msg_s2o = ns[subj] + rs[rel]
        msg_o2s = ns[obj] + rs[rel]
        agg = jnp.zeros_like(ns)
        agg = agg.at[obj].add(msg_s2o)
        agg = agg.at[subj].add(msg_o2s)
        h = jnp.concatenate([ns, agg], axis=-1) @ Wp + bp
        ns = ns + silu(h)
    ns = layer_norm(ns, g_node, b_node)
    rs = layer_norm(rs, g_rel, b_rel)
    batch = 64
    gsum = jax.ops.segment_sum(ns, obj_to_img, num_segments=batch)
    counts = jax.ops.segment_sum(jnp.ones((ns.shape[0],), ns.dtype), obj_to_img, num_segments=batch)
    global_states = gsum / jnp.maximum(counts, 1.0)[:, None]
    return (ns, global_states)

if __name__ == "__main__":
    import jax
    _d = setup_inputs()
    print(jax.jit(kernel)(*tuple(_d.values())))

</pallas_src>

<mosaic_0001>
#map = affine_map<(d0, d1) -> (0, 0, 0)>
#map1 = affine_map<(d0, d1) -> (0, 0)>
#map2 = affine_map<(d0, d1) -> (0, 0, 0, 0)>
module attributes {stable_mosaic.version = 14 : i64} {
  func.func @k(%arg0: i32, %arg1: i32, %arg2: memref<4x10112x128xf32, #tpu.memory_space<hbm>>, %arg3: memref<40000x128xf32, #tpu.memory_space<hbm>>, %arg4: memref<4x16x157x128xi32, #tpu.memory_space<hbm>>, %arg5: memref<16x157x128xi32, #tpu.memory_space<hbm>>, %arg6: memref<4x10112x128xf32, #tpu.memory_space<hbm>>, %arg7: memref<128xi32, #tpu.memory_space<vmem>>, %arg8: memref<128xi32, #tpu.memory_space<vmem>>, %arg9: memref<128x128xf32, #tpu.memory_space<vmem>>, %arg10: memref<10112x128xf32, #tpu.memory_space<vmem_shared>>, %arg11: memref<!tpu.dma_semaphore, #tpu.memory_space<semaphore_mem>>) attributes {dimension_semantics = [#tpu.dimension_semantics<core_parallel>, #tpu.dimension_semantics<subcore_parallel>], iteration_bounds = array<i64: 2, 16>, scalar_prefetch = 0 : i64, scratch_operands = 5 : i64, tpu.core_type = #tpu.core_type<sc_vector_subcore>, window_params = [{transform_indices = #map}, {transform_indices = #map1}, {transform_indices = #map2}, {transform_indices = #map}, {transform_indices = #map}]} {
    %mul3A = arith.constant 632 : i32
    %mul3A_0 = arith.muli %arg1, %mul3A : i32
    %mul3A_1 = arith.constant 2 : i32
    %mul3A_2 = arith.muli %arg0, %mul3A_1 : i32
    %add3A = arith.constant 0 : i32
    %add3A_3 = arith.addi %mul3A_2, %add3A : i32
    "tpu.region"() ({
      %run_scoped3A = tpu.sem_alloc : memref<!tpu.dma_semaphore, #tpu.memory_space<semaphore_mem>>
      %dma_start3A = arith.constant 0 : i32
      %dma_start3A_26 = tpu.memref_slice %arg10[%mul3A_0, %dma_start3A] : memref<10112x128xf32, #tpu.memory_space<vmem_shared>> -> memref<632x128xf32, #tpu.memory_space<vmem_shared>>
      %dma_start3A_27 = arith.constant 0 : i32
      %dma_start3A_28 = tpu.memref_slice %arg2[%add3A_3, %mul3A_0, %dma_start3A_27] : memref<4x10112x128xf32, #tpu.memory_space<hbm>> -> memref<1x632x128xf32, #tpu.memory_space<hbm>>
      %dma_start3A_29 = tpu.memref_squeeze %dma_start3A_28 : memref<1x632x128xf32, #tpu.memory_space<hbm>> -> memref<632x128xf32, #tpu.memory_space<hbm>>
      tpu.enqueue_dma source(%dma_start3A_29 : memref<632x128xf32, #tpu.memory_space<hbm>>) target(%dma_start3A_26 : memref<632x128xf32, #tpu.memory_space<vmem_shared>>) target_semaphore(%run_scoped3A : memref<!tpu.dma_semaphore, #tpu.memory_space<semaphore_mem>>)
      %dma_wait3A = arith.constant 0 : i32
      %dma_wait3A_30 = tpu.memref_slice %arg10[%mul3A_0, %dma_wait3A] : memref<10112x128xf32, #tpu.memory_space<vmem_shared>> -> memref<632x128xf32, #tpu.memory_space<vmem_shared>>
      %dma_wait3A_31 = arith.constant 0 : i32
      %dma_wait3A_32 = tpu.memref_slice %arg2[%add3A_3, %mul3A_0, %dma_wait3A_31] : memref<4x10112x128xf32, #tpu.memory_space<hbm>> -> memref<1x632x128xf32, #tpu.memory_space<hbm>>
      %dma_wait3A_33 = tpu.memref_squeeze %dma_wait3A_32 : memref<1x632x128xf32, #tpu.memory_space<hbm>> -> memref<632x128xf32, #tpu.memory_space<hbm>>
      tpu.wait_dma2 semaphore(%run_scoped3A : memref<!tpu.dma_semaphore, #tpu.memory_space<semaphore_mem>>) src(%dma_wait3A_33 : memref<632x128xf32, #tpu.memory_space<hbm>>) dst(%dma_wait3A_30 : memref<632x128xf32, #tpu.memory_space<vmem_shared>>)
      tpu.yield
    }) : () -> ()
    %barrier3A = arith.constant 0 : index
    tpu.barrier barrier_id(%barrier3A)
    %scan3A = arith.constant 0 : i32
    %scan3A_4 = arith.constant 0 : i32
    %scan3A_5 = arith.constant 157 : i32
    %scan3A_6 = arith.addi %scan3A_4, %scan3A_5 : i32
    %scan3A_7 = arith.constant 1 : i32
    %scan3A_8 = scf.for %scan3A_26 = %scan3A_4 to %scan3A_6 step %scan3A_7 iter_args(%scan3A_27 = %scan3A) -> (i32)  : i32 {
      "tpu.region"() ({
        %run_scoped3A = tpu.sem_alloc : memref<!tpu.dma_semaphore, #tpu.memory_space<semaphore_mem>>
        %dma_start3A_33 = arith.constant 0 : i32
        %dma_start3A_34 = tpu.memref_slice %arg4[%add3A_3, %arg1, %scan3A_26, %dma_start3A_33] : memref<4x16x157x128xi32, #tpu.memory_space<hbm>> -> memref<1x1x1x128xi32, #tpu.memory_space<hbm>>
        %dma_start3A_35 = tpu.memref_squeeze %dma_start3A_34 : memref<1x1x1x128xi32, #tpu.memory_space<hbm>> -> memref<128xi32, #tpu.memory_space<hbm>>
        %dma_start3A_36 = arith.constant 0 : i32
        %dma_start3A_37 = tpu.memref_slice %arg4[%add3A_3, %arg1, %scan3A_26, %dma_start3A_36] : memref<4x16x157x128xi32, #tpu.memory_space<hbm>> -> memref<1x1x1x128xi32, #tpu.memory_space<hbm>>
        %dma_start3A_38 = tpu.memref_squeeze %dma_start3A_37 : memref<1x1x1x128xi32, #tpu.memory_space<hbm>> -> memref<128xi32, #tpu.memory_space<hbm>>
        tpu.enqueue_dma source(%dma_start3A_38 : memref<128xi32, #tpu.memory_space<hbm>>) target(%arg7 : memref<128xi32, #tpu.memory_space<vmem>>) target_semaphore(%run_scoped3A : memref<!tpu.dma_semaphore, #tpu.memory_space<semaphore_mem>>)
        %dma_wait3A_39 = arith.constant 0 : i32
        %dma_wait3A_40 = tpu.memref_slice %arg4[%add3A_3, %arg1, %scan3A_26, %dma_wait3A_39] : memref<4x16x157x128xi32, #tpu.memory_space<hbm>> -> memref<1x1x1x128xi32, #tpu.memory_space<hbm>>
        %dma_wait3A_41 = tpu.memref_squeeze %dma_wait3A_40 : memref<1x1x1x128xi32, #tpu.memory_space<hbm>> -> memref<128xi32, #tpu.memory_space<hbm>>
        %dma_wait3A_42 = arith.constant 0 : i32
        %dma_wait3A_43 = tpu.memref_slice %arg4[%add3A_3, %arg1, %scan3A_26, %dma_wait3A_42] : memref<4x16x157x128xi32, #tpu.memory_space<hbm>> -> memref<1x1x1x128xi32, #tpu.memory_space<hbm>>
        %dma_wait3A_44 = tpu.memref_squeeze %dma_wait3A_43 : memref<1x1x1x128xi32, #tpu.memory_space<hbm>> -> memref<128xi32, #tpu.memory_space<hbm>>
        tpu.wait_dma2 semaphore(%run_scoped3A : memref<!tpu.dma_semaphore, #tpu.memory_space<semaphore_mem>>) src(%dma_wait3A_44 : memref<128xi32, #tpu.memory_space<hbm>>) dst(%arg7 : memref<128xi32, #tpu.memory_space<vmem>>)
        tpu.yield
      }) : () -> ()
      "tpu.region"() ({
        %run_scoped3A = tpu.sem_alloc : memref<!tpu.dma_semaphore, #tpu.memory_space<semaphore_mem>>
        %dma_start3A_33 = arith.constant 0 : i32
        %dma_start3A_34 = tpu.memref_slice %arg5[%arg1, %scan3A_26, %dma_start3A_33] : memref<16x157x128xi32, #tpu.memory_space<hbm>> -> memref<1x1x128xi32, #tpu.memory_space<hbm>>
        %dma_start3A_35 = tpu.memref_squeeze %dma_start3A_34 : memref<1x1x128xi32, #tpu.memory_space<hbm>> -> memref<128xi32, #tpu.memory_space<hbm>>
        %dma_start3A_36 = arith.constant 0 : i32
        %dma_start3A_37 = tpu.memref_slice %arg5[%arg1, %scan3A_26, %dma_start3A_36] : memref<16x157x128xi32, #tpu.memory_space<hbm>> -> memref<1x1x128xi32, #tpu.memory_space<hbm>>
        %dma_start3A_38 = tpu.memref_squeeze %dma_start3A_37 : memref<1x1x128xi32, #tpu.memory_space<hbm>> -> memref<128xi32, #tpu.memory_space<hbm>>
        tpu.enqueue_dma source(%dma_start3A_38 : memref<128xi32, #tpu.memory_space<hbm>>) target(%arg8 : memref<128xi32, #tpu.memory_space<vmem>>) target_semaphore(%run_scoped3A : memref<!tpu.dma_semaphore, #tpu.memory_space<semaphore_mem>>)
        %dma_wait3A_39 = arith.constant 0 : i32
        %dma_wait3A_40 = tpu.memref_slice %arg5[%arg1, %scan3A_26, %dma_wait3A_39] : memref<16x157x128xi32, #tpu.memory_space<hbm>> -> memref<1x1x128xi32, #tpu.memory_space<hbm>>
        %dma_wait3A_41 = tpu.memref_squeeze %dma_wait3A_40 : memref<1x1x128xi32, #tpu.memory_space<hbm>> -> memref<128xi32, #tpu.memory_space<hbm>>
        %dma_wait3A_42 = arith.constant 0 : i32
        %dma_wait3A_43 = tpu.memref_slice %arg5[%arg1, %scan3A_26, %dma_wait3A_42] : memref<16x157x128xi32, #tpu.memory_space<hbm>> -> memref<1x1x128xi32, #tpu.memory_space<hbm>>
        %dma_wait3A_44 = tpu.memref_squeeze %dma_wait3A_43 : memref<1x1x128xi32, #tpu.memory_space<hbm>> -> memref<128xi32, #tpu.memory_space<hbm>>
        tpu.wait_dma2 semaphore(%run_scoped3A : memref<!tpu.dma_semaphore, #tpu.memory_space<semaphore_mem>>) src(%dma_wait3A_44 : memref<128xi32, #tpu.memory_space<hbm>>) dst(%arg8 : memref<128xi32, #tpu.memory_space<vmem>>)
        tpu.yield
      }) : () -> ()
      %dma_start3A = arith.constant 0 : i32
      %dma_start3A_28 = arith.constant 0 : i32
      %dma_start3A_29 = tpu.memref_slice %arg3[%dma_start3A, %dma_start3A_28] : memref<40000x128xf32, #tpu.memory_space<hbm>> -> memref<40000x128xf32, #tpu.memory_space<hbm>>
      tpu.enqueue_indirect_dma source(%dma_start3A_29 : memref<40000x128xf32, #tpu.memory_space<hbm>>) target(%arg9 : memref<128x128xf32, #tpu.memory_space<vmem>>) offsets(%arg7 : memref<128xi32, #tpu.memory_space<vmem>>) semaphore(%arg11 : memref<!tpu.dma_semaphore, #tpu.memory_space<semaphore_mem>>)
      %dma_wait3A = arith.constant 0 : i32
      %dma_wait3A_30 = arith.constant 0 : i32
      %dma_wait3A_31 = tpu.memref_slice %arg3[%dma_wait3A, %dma_wait3A_30] : memref<40000x128xf32, #tpu.memory_space<hbm>> -> memref<40000x128xf32, #tpu.memory_space<hbm>>
      tpu.wait_indirect_dma semaphore(%arg11 : memref<!tpu.dma_semaphore, #tpu.memory_space<semaphore_mem>>) src(%dma_wait3A_31 : memref<40000x128xf32, #tpu.memory_space<hbm>>) dst(%arg9 : memref<128x128xf32, #tpu.memory_space<vmem>>)
      "tpu.region"() ({
        %run_scoped3A = tpu.sem_alloc : memref<!tpu.dma_semaphore, #tpu.memory_space<semaphore_mem>>
        %dma_start3A_33 = arith.constant 0 : i32
        %dma_start3A_34 = arith.constant 0 : i32
        %dma_start3A_35 = tpu.memref_slice %arg10[%dma_start3A_33, %dma_start3A_34] : memref<10112x128xf32, #tpu.memory_space<vmem_shared>> -> memref<10112x128xf32, #tpu.memory_space<vmem_shared>>
        tpu.enqueue_indirect_dma source(%arg9 : memref<128x128xf32, #tpu.memory_space<vmem>>) target(%dma_start3A_35 : memref<10112x128xf32, #tpu.memory_space<vmem_shared>>) offsets(%arg8 : memref<128xi32, #tpu.memory_space<vmem>>) semaphore(%run_scoped3A : memref<!tpu.dma_semaphore, #tpu.memory_space<semaphore_mem>>) {add = true}
        %dma_wait3A_36 = arith.constant 0 : i32
        %dma_wait3A_37 = arith.constant 0 : i32
        %dma_wait3A_38 = tpu.memref_slice %arg10[%dma_wait3A_36, %dma_wait3A_37] : memref<10112x128xf32, #tpu.memory_space<vmem_shared>> -> memref<10112x128xf32, #tpu.memory_space<vmem_shared>>
        tpu.wait_indirect_dma semaphore(%run_scoped3A : memref<!tpu.dma_semaphore, #tpu.memory_space<semaphore_mem>>) src(%arg9 : memref<128x128xf32, #tpu.memory_space<vmem>>) dst(%dma_wait3A_38 : memref<10112x128xf32, #tpu.memory_space<vmem_shared>>)
        tpu.yield
      }) : () -> ()
      %scan3A_32 = arith.constant 0 : i32
      scf.yield %scan3A_32 : i32
    }
    %scan3A_9 = arith.constant 157 : i32
    %barrier3A_10 = arith.constant 0 : index
    tpu.barrier barrier_id(%barrier3A_10)
    "tpu.region"() ({
      %run_scoped3A = tpu.sem_alloc : memref<!tpu.dma_semaphore, #tpu.memory_space<semaphore_mem>>
      %dma_start3A = arith.constant 0 : i32
      %dma_start3A_26 = tpu.memref_slice %arg6[%add3A_3, %mul3A_0, %dma_start3A] : memref<4x10112x128xf32, #tpu.memory_space<hbm>> -> memref<1x632x128xf32, #tpu.memory_space<hbm>>
      %dma_start3A_27 = tpu.memref_squeeze %dma_start3A_26 : memref<1x632x128xf32, #tpu.memory_space<hbm>> -> memref<632x128xf32, #tpu.memory_space<hbm>>
      %dma_start3A_28 = arith.constant 0 : i32
      %dma_start3A_29 = tpu.memref_slice %arg10[%mul3A_0, %dma_start3A_28] : memref<10112x128xf32, #tpu.memory_space<vmem_shared>> -> memref<632x128xf32, #tpu.memory_space<vmem_shared>>
      tpu.enqueue_dma source(%dma_start3A_29 : memref<632x128xf32, #tpu.memory_space<vmem_shared>>) target(%dma_start3A_27 : memref<632x128xf32, #tpu.memory_space<hbm>>) target_semaphore(%run_scoped3A : memref<!tpu.dma_semaphore, #tpu.memory_space<semaphore_mem>>)
      %dma_wait3A = arith.constant 0 : i32
      %dma_wait3A_30 = tpu.memref_slice %arg6[%add3A_3, %mul3A_0, %dma_wait3A] : memref<4x10112x128xf32, #tpu.memory_space<hbm>> -> memref<1x632x128xf32, #tpu.memory_space<hbm>>
      %dma_wait3A_31 = tpu.memref_squeeze %dma_wait3A_30 : memref<1x632x128xf32, #tpu.memory_space<hbm>> -> memref<632x128xf32, #tpu.memory_space<hbm>>
      %dma_wait3A_32 = arith.constant 0 : i32
      %dma_wait3A_33 = tpu.memref_slice %arg10[%mul3A_0, %dma_wait3A_32] : memref<10112x128xf32, #tpu.memory_space<vmem_shared>> -> memref<632x128xf32, #tpu.memory_space<vmem_shared>>
      tpu.wait_dma2 semaphore(%run_scoped3A : memref<!tpu.dma_semaphore, #tpu.memory_space<semaphore_mem>>) src(%dma_wait3A_33 : memref<632x128xf32, #tpu.memory_space<vmem_shared>>) dst(%dma_wait3A_31 : memref<632x128xf32, #tpu.memory_space<hbm>>)
      tpu.yield
    }) : () -> ()
    %barrier3A_11 = arith.constant 0 : index
    tpu.barrier barrier_id(%barrier3A_11)
    %mul3A_12 = arith.constant 2 : i32
    %mul3A_13 = arith.muli %arg0, %mul3A_12 : i32
    %add3A_14 = arith.constant 1 : i32
    %add3A_15 = arith.addi %mul3A_13, %add3A_14 : i32
    "tpu.region"() ({
      %run_scoped3A = tpu.sem_alloc : memref<!tpu.dma_semaphore, #tpu.memory_space<semaphore_mem>>
      %dma_start3A = arith.constant 0 : i32
      %dma_start3A_26 = tpu.memref_slice %arg10[%mul3A_0, %dma_start3A] : memref<10112x128xf32, #tpu.memory_space<vmem_shared>> -> memref<632x128xf32, #tpu.memory_space<vmem_shared>>
      %dma_start3A_27 = arith.constant 0 : i32
      %dma_start3A_28 = tpu.memref_slice %arg2[%add3A_15, %mul3A_0, %dma_start3A_27] : memref<4x10112x128xf32, #tpu.memory_space<hbm>> -> memref<1x632x128xf32, #tpu.memory_space<hbm>>
      %dma_start3A_29 = tpu.memref_squeeze %dma_start3A_28 : memref<1x632x128xf32, #tpu.memory_space<hbm>> -> memref<632x128xf32, #tpu.memory_space<hbm>>
      tpu.enqueue_dma source(%dma_start3A_29 : memref<632x128xf32, #tpu.memory_space<hbm>>) target(%dma_start3A_26 : memref<632x128xf32, #tpu.memory_space<vmem_shared>>) target_semaphore(%run_scoped3A : memref<!tpu.dma_semaphore, #tpu.memory_space<semaphore_mem>>)
      %dma_wait3A = arith.constant 0 : i32
      %dma_wait3A_30 = tpu.memref_slice %arg10[%mul3A_0, %dma_wait3A] : memref<10112x128xf32, #tpu.memory_space<vmem_shared>> -> memref<632x128xf32, #tpu.memory_space<vmem_shared>>
      %dma_wait3A_31 = arith.constant 0 : i32
      %dma_wait3A_32 = tpu.memref_slice %arg2[%add3A_15, %mul3A_0, %dma_wait3A_31] : memref<4x10112x128xf32, #tpu.memory_space<hbm>> -> memref<1x632x128xf32, #tpu.memory_space<hbm>>
      %dma_wait3A_33 = tpu.memref_squeeze %dma_wait3A_32 : memref<1x632x128xf32, #tpu.memory_space<hbm>> -> memref<632x128xf32, #tpu.memory_space<hbm>>
      tpu.wait_dma2 semaphore(%run_scoped3A : memref<!tpu.dma_semaphore, #tpu.memory_space<semaphore_mem>>) src(%dma_wait3A_33 : memref<632x128xf32, #tpu.memory_space<hbm>>) dst(%dma_wait3A_30 : memref<632x128xf32, #tpu.memory_space<vmem_shared>>)
      tpu.yield
    }) : () -> ()
    %barrier3A_16 = arith.constant 0 : index
    tpu.barrier barrier_id(%barrier3A_16)
    %scan3A_17 = arith.constant 0 : i32
    %scan3A_18 = arith.constant 0 : i32
    %scan3A_19 = arith.constant 157 : i32
    %scan3A_20 = arith.addi %scan3A_18, %scan3A_19 : i32
    %scan3A_21 = arith.constant 1 : i32
    %scan3A_22 = scf.for %scan3A_26 = %scan3A_18 to %scan3A_20 step %scan3A_21 iter_args(%scan3A_27 = %scan3A_17) -> (i32)  : i32 {
      "tpu.region"() ({
        %run_scoped3A = tpu.sem_alloc : memref<!tpu.dma_semaphore, #tpu.memory_space<semaphore_mem>>
        %dma_start3A_33 = arith.constant 0 : i32
        %dma_start3A_34 = tpu.memref_slice %arg4[%add3A_15, %arg1, %scan3A_26, %dma_start3A_33] : memref<4x16x157x128xi32, #tpu.memory_space<hbm>> -> memref<1x1x1x128xi32, #tpu.memory_space<hbm>>
        %dma_start3A_35 = tpu.memref_squeeze %dma_start3A_34 : memref<1x1x1x128xi32, #tpu.memory_space<hbm>> -> memref<128xi32, #tpu.memory_space<hbm>>
        %dma_start3A_36 = arith.constant 0 : i32
        %dma_start3A_37 = tpu.memref_slice %arg4[%add3A_15, %arg1, %scan3A_26, %dma_start3A_36] : memref<4x16x157x128xi32, #tpu.memory_space<hbm>> -> memref<1x1x1x128xi32, #tpu.memory_space<hbm>>
        %dma_start3A_38 = tpu.memref_squeeze %dma_start3A_37 : memref<1x1x1x128xi32, #tpu.memory_space<hbm>> -> memref<128xi32, #tpu.memory_space<hbm>>
        tpu.enqueue_dma source(%dma_start3A_38 : memref<128xi32, #tpu.memory_space<hbm>>) target(%arg7 : memref<128xi32, #tpu.memory_space<vmem>>) target_semaphore(%run_scoped3A : memref<!tpu.dma_semaphore, #tpu.memory_space<semaphore_mem>>)
        %dma_wait3A_39 = arith.constant 0 : i32
        %dma_wait3A_40 = tpu.memref_slice %arg4[%add3A_15, %arg1, %scan3A_26, %dma_wait3A_39] : memref<4x16x157x128xi32, #tpu.memory_space<hbm>> -> memref<1x1x1x128xi32, #tpu.memory_space<hbm>>
        %dma_wait3A_41 = tpu.memref_squeeze %dma_wait3A_40 : memref<1x1x1x128xi32, #tpu.memory_space<hbm>> -> memref<128xi32, #tpu.memory_space<hbm>>
        %dma_wait3A_42 = arith.constant 0 : i32
        %dma_wait3A_43 = tpu.memref_slice %arg4[%add3A_15, %arg1, %scan3A_26, %dma_wait3A_42] : memref<4x16x157x128xi32, #tpu.memory_space<hbm>> -> memref<1x1x1x128xi32, #tpu.memory_space<hbm>>
        %dma_wait3A_44 = tpu.memref_squeeze %dma_wait3A_43 : memref<1x1x1x128xi32, #tpu.memory_space<hbm>> -> memref<128xi32, #tpu.memory_space<hbm>>
        tpu.wait_dma2 semaphore(%run_scoped3A : memref<!tpu.dma_semaphore, #tpu.memory_space<semaphore_mem>>) src(%dma_wait3A_44 : memref<128xi32, #tpu.memory_space<hbm>>) dst(%arg7 : memref<128xi32, #tpu.memory_space<vmem>>)
        tpu.yield
      }) : () -> ()
      "tpu.region"() ({
        %run_scoped3A = tpu.sem_alloc : memref<!tpu.dma_semaphore, #tpu.memory_space<semaphore_mem>>
        %dma_start3A_33 = arith.constant 0 : i32
        %dma_start3A_34 = tpu.memref_slice %arg5[%arg1, %scan3A_26, %dma_start3A_33] : memref<16x157x128xi32, #tpu.memory_space<hbm>> -> memref<1x1x128xi32, #tpu.memory_space<hbm>>
        %dma_start3A_35 = tpu.memref_squeeze %dma_start3A_34 : memref<1x1x128xi32, #tpu.memory_space<hbm>> -> memref<128xi32, #tpu.memory_space<hbm>>
        %dma_start3A_36 = arith.constant 0 : i32
        %dma_start3A_37 = tpu.memref_slice %arg5[%arg1, %scan3A_26, %dma_start3A_36] : memref<16x157x128xi32, #tpu.memory_space<hbm>> -> memref<1x1x128xi32, #tpu.memory_space<hbm>>
        %dma_start3A_38 = tpu.memref_squeeze %dma_start3A_37 : memref<1x1x128xi32, #tpu.memory_space<hbm>> -> memref<128xi32, #tpu.memory_space<hbm>>
        tpu.enqueue_dma source(%dma_start3A_38 : memref<128xi32, #tpu.memory_space<hbm>>) target(%arg8 : memref<128xi32, #tpu.memory_space<vmem>>) target_semaphore(%run_scoped3A : memref<!tpu.dma_semaphore, #tpu.memory_space<semaphore_mem>>)
        %dma_wait3A_39 = arith.constant 0 : i32
        %dma_wait3A_40 = tpu.memref_slice %arg5[%arg1, %scan3A_26, %dma_wait3A_39] : memref<16x157x128xi32, #tpu.memory_space<hbm>> -> memref<1x1x128xi32, #tpu.memory_space<hbm>>
        %dma_wait3A_41 = tpu.memref_squeeze %dma_wait3A_40 : memref<1x1x128xi32, #tpu.memory_space<hbm>> -> memref<128xi32, #tpu.memory_space<hbm>>
        %dma_wait3A_42 = arith.constant 0 : i32
        %dma_wait3A_43 = tpu.memref_slice %arg5[%arg1, %scan3A_26, %dma_wait3A_42] : memref<16x157x128xi32, #tpu.memory_space<hbm>> -> memref<1x1x128xi32, #tpu.memory_space<hbm>>
        %dma_wait3A_44 = tpu.memref_squeeze %dma_wait3A_43 : memref<1x1x128xi32, #tpu.memory_space<hbm>> -> memref<128xi32, #tpu.memory_space<hbm>>
        tpu.wait_dma2 semaphore(%run_scoped3A : memref<!tpu.dma_semaphore, #tpu.memory_space<semaphore_mem>>) src(%dma_wait3A_44 : memref<128xi32, #tpu.memory_space<hbm>>) dst(%arg8 : memref<128xi32, #tpu.memory_space<vmem>>)
        tpu.yield
      }) : () -> ()
      %dma_start3A = arith.constant 0 : i32
      %dma_start3A_28 = arith.constant 0 : i32
      %dma_start3A_29 = tpu.memref_slice %arg3[%dma_start3A, %dma_start3A_28] : memref<40000x128xf32, #tpu.memory_space<hbm>> -> memref<40000x128xf32, #tpu.memory_space<hbm>>
      tpu.enqueue_indirect_dma source(%dma_start3A_29 : memref<40000x128xf32, #tpu.memory_space<hbm>>) target(%arg9 : memref<128x128xf32, #tpu.memory_space<vmem>>) offsets(%arg7 : memref<128xi32, #tpu.memory_space<vmem>>) semaphore(%arg11 : memref<!tpu.dma_semaphore, #tpu.memory_space<semaphore_mem>>)
      %dma_wait3A = arith.constant 0 : i32
      %dma_wait3A_30 = arith.constant 0 : i32
      %dma_wait3A_31 = tpu.memref_slice %arg3[%dma_wait3A, %dma_wait3A_30] : memref<40000x128xf32, #tpu.memory_space<hbm>> -> memref<40000x128xf32, #tpu.memory_space<hbm>>
      tpu.wait_indirect_dma semaphore(%arg11 : memref<!tpu.dma_semaphore, #tpu.memory_space<semaphore_mem>>) src(%dma_wait3A_31 : memref<40000x128xf32, #tpu.memory_space<hbm>>) dst(%arg9 : memref<128x128xf32, #tpu.memory_space<vmem>>)
      "tpu.region"() ({
        %run_scoped3A = tpu.sem_alloc : memref<!tpu.dma_semaphore, #tpu.memory_space<semaphore_mem>>
        %dma_start3A_33 = arith.constant 0 : i32
        %dma_start3A_34 = arith.constant 0 : i32
        %dma_start3A_35 = tpu.memref_slice %arg10[%dma_start3A_33, %dma_start3A_34] : memref<10112x128xf32, #tpu.memory_space<vmem_shared>> -> memref<10112x128xf32, #tpu.memory_space<vmem_shared>>
        tpu.enqueue_indirect_dma source(%arg9 : memref<128x128xf32, #tpu.memory_space<vmem>>) target(%dma_start3A_35 : memref<10112x128xf32, #tpu.memory_space<vmem_shared>>) offsets(%arg8 : memref<128xi32, #tpu.memory_space<vmem>>) semaphore(%run_scoped3A : memref<!tpu.dma_semaphore, #tpu.memory_space<semaphore_mem>>) {add = true}
        %dma_wait3A_36 = arith.constant 0 : i32
        %dma_wait3A_37 = arith.constant 0 : i32
        %dma_wait3A_38 = tpu.memref_slice %arg10[%dma_wait3A_36, %dma_wait3A_37] : memref<10112x128xf32, #tpu.memory_space<vmem_shared>> -> memref<10112x128xf32, #tpu.memory_space<vmem_shared>>
        tpu.wait_indirect_dma semaphore(%run_scoped3A : memref<!tpu.dma_semaphore, #tpu.memory_space<semaphore_mem>>) src(%arg9 : memref<128x128xf32, #tpu.memory_space<vmem>>) dst(%dma_wait3A_38 : memref<10112x128xf32, #tpu.memory_space<vmem_shared>>)
        tpu.yield
      }) : () -> ()
      %scan3A_32 = arith.constant 0 : i32
      scf.yield %scan3A_32 : i32
    }
    %scan3A_23 = arith.constant 157 : i32
    %barrier3A_24 = arith.constant 0 : index
    tpu.barrier barrier_id(%barrier3A_24)
    "tpu.region"() ({
      %run_scoped3A = tpu.sem_alloc : memref<!tpu.dma_semaphore, #tpu.memory_space<semaphore_mem>>
      %dma_start3A = arith.constant 0 : i32
      %dma_start3A_26 = tpu.memref_slice %arg6[%add3A_15, %mul3A_0, %dma_start3A] : memref<4x10112x128xf32, #tpu.memory_space<hbm>> -> memref<1x632x128xf32, #tpu.memory_space<hbm>>
      %dma_start3A_27 = tpu.memref_squeeze %dma_start3A_26 : memref<1x632x128xf32, #tpu.memory_space<hbm>> -> memref<632x128xf32, #tpu.memory_space<hbm>>
      %dma_start3A_28 = arith.constant 0 : i32
      %dma_start3A_29 = tpu.memref_slice %arg10[%mul3A_0, %dma_start3A_28] : memref<10112x128xf32, #tpu.memory_space<vmem_shared>> -> memref<632x128xf32, #tpu.memory_space<vmem_shared>>
      tpu.enqueue_dma source(%dma_start3A_29 : memref<632x128xf32, #tpu.memory_space<vmem_shared>>) target(%dma_start3A_27 : memref<632x128xf32, #tpu.memory_space<hbm>>) target_semaphore(%run_scoped3A : memref<!tpu.dma_semaphore, #tpu.memory_space<semaphore_mem>>)
      %dma_wait3A = arith.constant 0 : i32
      %dma_wait3A_30 = tpu.memref_slice %arg6[%add3A_15, %mul3A_0, %dma_wait3A] : memref<4x10112x128xf32, #tpu.memory_space<hbm>> -> memref<1x632x128xf32, #tpu.memory_space<hbm>>
      %dma_wait3A_31 = tpu.memref_squeeze %dma_wait3A_30 : memref<1x632x128xf32, #tpu.memory_space<hbm>> -> memref<632x128xf32, #tpu.memory_space<hbm>>
      %dma_wait3A_32 = arith.constant 0 : i32
      %dma_wait3A_33 = tpu.memref_slice %arg10[%mul3A_0, %dma_wait3A_32] : memref<10112x128xf32, #tpu.memory_space<vmem_shared>> -> memref<632x128xf32, #tpu.memory_space<vmem_shared>>
      tpu.wait_dma2 semaphore(%run_scoped3A : memref<!tpu.dma_semaphore, #tpu.memory_space<semaphore_mem>>) src(%dma_wait3A_33 : memref<632x128xf32, #tpu.memory_space<vmem_shared>>) dst(%dma_wait3A_31 : memref<632x128xf32, #tpu.memory_space<hbm>>)
      tpu.yield
    }) : () -> ()
    %barrier3A_25 = arith.constant 0 : index
    tpu.barrier barrier_id(%barrier3A_25)
    return
  }
}

#map = affine_map<(d0, d1) -> (0, 0, 0)>
#map1 = affine_map<(d0, d1) -> (0, 0)>
#map2 = affine_map<(d0, d1) -> (0, 0, 0, 0)>
module attributes {stable_mosaic.version = 14 : i64} {
  func.func @k(%arg0: i32, %arg1: i32, %arg2: memref<4x10112x128xf32, #tpu.memory_space<hbm>>, %arg3: memref<40000x128xf32, #tpu.memory_space<hbm>>, %arg4: memref<4x16x157x128xi32, #tpu.memory_space<hbm>>, %arg5: memref<16x157x128xi32, #tpu.memory_space<hbm>>, %arg6: memref<4x10112x128xf32, #tpu.memory_space<hbm>>, %arg7: memref<128xi32, #tpu.memory_space<vmem>>, %arg8: memref<128xi32, #tpu.memory_space<vmem>>, %arg9: memref<128x128xf32, #tpu.memory_space<vmem>>, %arg10: memref<10112x128xf32, #tpu.memory_space<vmem_shared>>, %arg11: memref<!tpu.dma_semaphore, #tpu.memory_space<semaphore_mem>>) attributes {dimension_semantics = [#tpu.dimension_semantics<core_parallel>, #tpu.dimension_semantics<subcore_parallel>], iteration_bounds = array<i64: 2, 16>, scalar_prefetch = 0 : i64, scratch_operands = 5 : i64, tpu.core_type = #tpu.core_type<sc_vector_subcore>, window_params = [{transform_indices = #map}, {transform_indices = #map1}, {transform_indices = #map2}, {transform_indices = #map}, {transform_indices = #map}]} {
    %mul3A = arith.constant 632 : i32
    %mul3A_0 = arith.muli %arg1, %mul3A : i32
    %mul3A_1 = arith.constant 2 : i32
    %mul3A_2 = arith.muli %arg0, %mul3A_1 : i32
    %add3A = arith.constant 0 : i32
    %add3A_3 = arith.addi %mul3A_2, %add3A : i32
    "tpu.region"() ({
      %run_scoped3A = tpu.sem_alloc : memref<!tpu.dma_semaphore, #tpu.memory_space<semaphore_mem>>
      %dma_start3A = arith.constant 0 : i32
      %dma_start3A_26 = tpu.memref_slice %arg10[%mul3A_0, %dma_start3A] : memref<10112x128xf32, #tpu.memory_space<vmem_shared>> -> memref<632x128xf32, #tpu.memory_space<vmem_shared>>
      %dma_start3A_27 = arith.constant 0 : i32
      %dma_start3A_28 = tpu.memref_slice %arg2[%add3A_3, %mul3A_0, %dma_start3A_27] : memref<4x10112x128xf32, #tpu.memory_space<hbm>> -> memref<1x632x128xf32, #tpu.memory_space<hbm>>
      %dma_start3A_29 = tpu.memref_squeeze %dma_start3A_28 : memref<1x632x128xf32, #tpu.memory_space<hbm>> -> memref<632x128xf32, #tpu.memory_space<hbm>>
      tpu.enqueue_dma source(%dma_start3A_29 : memref<632x128xf32, #tpu.memory_space<hbm>>) target(%dma_start3A_26 : memref<632x128xf32, #tpu.memory_space<vmem_shared>>) target_semaphore(%run_scoped3A : memref<!tpu.dma_semaphore, #tpu.memory_space<semaphore_mem>>)
      %dma_wait3A = arith.constant 0 : i32
      %dma_wait3A_30 = tpu.memref_slice %arg10[%mul3A_0, %dma_wait3A] : memref<10112x128xf32, #tpu.memory_space<vmem_shared>> -> memref<632x128xf32, #tpu.memory_space<vmem_shared>>
      %dma_wait3A_31 = arith.constant 0 : i32
      %dma_wait3A_32 = tpu.memref_slice %arg2[%add3A_3, %mul3A_0, %dma_wait3A_31] : memref<4x10112x128xf32, #tpu.memory_space<hbm>> -> memref<1x632x128xf32, #tpu.memory_space<hbm>>
      %dma_wait3A_33 = tpu.memref_squeeze %dma_wait3A_32 : memref<1x632x128xf32, #tpu.memory_space<hbm>> -> memref<632x128xf32, #tpu.memory_space<hbm>>
      tpu.wait_dma2 semaphore(%run_scoped3A : memref<!tpu.dma_semaphore, #tpu.memory_space<semaphore_mem>>) src(%dma_wait3A_33 : memref<632x128xf32, #tpu.memory_space<hbm>>) dst(%dma_wait3A_30 : memref<632x128xf32, #tpu.memory_space<vmem_shared>>)
      tpu.yield
    }) : () -> ()
    %barrier3A = arith.constant 0 : index
    tpu.barrier barrier_id(%barrier3A)
    %scan3A = arith.constant 0 : i32
    %scan3A_4 = arith.constant 0 : i32
    %scan3A_5 = arith.constant 157 : i32
    %scan3A_6 = arith.addi %scan3A_4, %scan3A_5 : i32
    %scan3A_7 = arith.constant 1 : i32
    %scan3A_8 = scf.for %scan3A_26 = %scan3A_4 to %scan3A_6 step %scan3A_7 iter_args(%scan3A_27 = %scan3A) -> (i32)  : i32 {
      "tpu.region"() ({
        %run_scoped3A = tpu.sem_alloc : memref<!tpu.dma_semaphore, #tpu.memory_space<semaphore_mem>>
        %dma_start3A_33 = arith.constant 0 : i32
        %dma_start3A_34 = tpu.memref_slice %arg4[%add3A_3, %arg1, %scan3A_26, %dma_start3A_33] : memref<4x16x157x128xi32, #tpu.memory_space<hbm>> -> memref<1x1x1x128xi32, #tpu.memory_space<hbm>>
        %dma_start3A_35 = tpu.memref_squeeze %dma_start3A_34 : memref<1x1x1x128xi32, #tpu.memory_space<hbm>> -> memref<128xi32, #tpu.memory_space<hbm>>
        %dma_start3A_36 = arith.constant 0 : i32
        %dma_start3A_37 = tpu.memref_slice %arg4[%add3A_3, %arg1, %scan3A_26, %dma_start3A_36] : memref<4x16x157x128xi32, #tpu.memory_space<hbm>> -> memref<1x1x1x128xi32, #tpu.memory_space<hbm>>
        %dma_start3A_38 = tpu.memref_squeeze %dma_start3A_37 : memref<1x1x1x128xi32, #tpu.memory_space<hbm>> -> memref<128xi32, #tpu.memory_space<hbm>>
        tpu.enqueue_dma source(%dma_start3A_38 : memref<128xi32, #tpu.memory_space<hbm>>) target(%arg7 : memref<128xi32, #tpu.memory_space<vmem>>) target_semaphore(%run_scoped3A : memref<!tpu.dma_semaphore, #tpu.memory_space<semaphore_mem>>)
        %dma_wait3A_39 = arith.constant 0 : i32
        %dma_wait3A_40 = tpu.memref_slice %arg4[%add3A_3, %arg1, %scan3A_26, %dma_wait3A_39] : memref<4x16x157x128xi32, #tpu.memory_space<hbm>> -> memref<1x1x1x128xi32, #tpu.memory_space<hbm>>
        %dma_wait3A_41 = tpu.memref_squeeze %dma_wait3A_40 : memref<1x1x1x128xi32, #tpu.memory_space<hbm>> -> memref<128xi32, #tpu.memory_space<hbm>>
        %dma_wait3A_42 = arith.constant 0 : i32
        %dma_wait3A_43 = tpu.memref_slice %arg4[%add3A_3, %arg1, %scan3A_26, %dma_wait3A_42] : memref<4x16x157x128xi32, #tpu.memory_space<hbm>> -> memref<1x1x1x128xi32, #tpu.memory_space<hbm>>
        %dma_wait3A_44 = tpu.memref_squeeze %dma_wait3A_43 : memref<1x1x1x128xi32, #tpu.memory_space<hbm>> -> memref<128xi32, #tpu.memory_space<hbm>>
        tpu.wait_dma2 semaphore(%run_scoped3A : memref<!tpu.dma_semaphore, #tpu.memory_space<semaphore_mem>>) src(%dma_wait3A_44 : memref<128xi32, #tpu.memory_space<hbm>>) dst(%arg7 : memref<128xi32, #tpu.memory_space<vmem>>)
        tpu.yield
      }) : () -> ()
      "tpu.region"() ({
        %run_scoped3A = tpu.sem_alloc : memref<!tpu.dma_semaphore, #tpu.memory_space<semaphore_mem>>
        %dma_start3A_33 = arith.constant 0 : i32
        %dma_start3A_34 = tpu.memref_slice %arg5[%arg1, %scan3A_26, %dma_start3A_33] : memref<16x157x128xi32, #tpu.memory_space<hbm>> -> memref<1x1x128xi32, #tpu.memory_space<hbm>>
        %dma_start3A_35 = tpu.memref_squeeze %dma_start3A_34 : memref<1x1x128xi32, #tpu.memory_space<hbm>> -> memref<128xi32, #tpu.memory_space<hbm>>
        %dma_start3A_36 = arith.constant 0 : i32
        %dma_start3A_37 = tpu.memref_slice %arg5[%arg1, %scan3A_26, %dma_start3A_36] : memref<16x157x128xi32, #tpu.memory_space<hbm>> -> memref<1x1x128xi32, #tpu.memory_space<hbm>>
        %dma_start3A_38 = tpu.memref_squeeze %dma_start3A_37 : memref<1x1x128xi32, #tpu.memory_space<hbm>> -> memref<128xi32, #tpu.memory_space<hbm>>
        tpu.enqueue_dma source(%dma_start3A_38 : memref<128xi32, #tpu.memory_space<hbm>>) target(%arg8 : memref<128xi32, #tpu.memory_space<vmem>>) target_semaphore(%run_scoped3A : memref<!tpu.dma_semaphore, #tpu.memory_space<semaphore_mem>>)
        %dma_wait3A_39 = arith.constant 0 : i32
        %dma_wait3A_40 = tpu.memref_slice %arg5[%arg1, %scan3A_26, %dma_wait3A_39] : memref<16x157x128xi32, #tpu.memory_space<hbm>> -> memref<1x1x128xi32, #tpu.memory_space<hbm>>
        %dma_wait3A_41 = tpu.memref_squeeze %dma_wait3A_40 : memref<1x1x128xi32, #tpu.memory_space<hbm>> -> memref<128xi32, #tpu.memory_space<hbm>>
        %dma_wait3A_42 = arith.constant 0 : i32
        %dma_wait3A_43 = tpu.memref_slice %arg5[%arg1, %scan3A_26, %dma_wait3A_42] : memref<16x157x128xi32, #tpu.memory_space<hbm>> -> memref<1x1x128xi32, #tpu.memory_space<hbm>>
        %dma_wait3A_44 = tpu.memref_squeeze %dma_wait3A_43 : memref<1x1x128xi32, #tpu.memory_space<hbm>> -> memref<128xi32, #tpu.memory_space<hbm>>
        tpu.wait_dma2 semaphore(%run_scoped3A : memref<!tpu.dma_semaphore, #tpu.memory_space<semaphore_mem>>) src(%dma_wait3A_44 : memref<128xi32, #tpu.memory_space<hbm>>) dst(%arg8 : memref<128xi32, #tpu.memory_space<vmem>>)
        tpu.yield
      }) : () -> ()
      %dma_start3A = arith.constant 0 : i32
      %dma_start3A_28 = arith.constant 0 : i32
      %dma_start3A_29 = tpu.memref_slice %arg3[%dma_start3A, %dma_start3A_28] : memref<40000x128xf32, #tpu.memory_space<hbm>> -> memref<40000x128xf32, #tpu.memory_space<hbm>>
      tpu.enqueue_indirect_dma source(%dma_start3A_29 : memref<40000x128xf32, #tpu.memory_space<hbm>>) target(%arg9 : memref<128x128xf32, #tpu.memory_space<vmem>>) offsets(%arg7 : memref<128xi32, #tpu.memory_space<vmem>>) semaphore(%arg11 : memref<!tpu.dma_semaphore, #tpu.memory_space<semaphore_mem>>)
      %dma_wait3A = arith.constant 0 : i32
      %dma_wait3A_30 = arith.constant 0 : i32
      %dma_wait3A_31 = tpu.memref_slice %arg3[%dma_wait3A, %dma_wait3A_30] : memref<40000x128xf32, #tpu.memory_space<hbm>> -> memref<40000x128xf32, #tpu.memory_space<hbm>>
      tpu.wait_indirect_dma semaphore(%arg11 : memref<!tpu.dma_semaphore, #tpu.memory_space<semaphore_mem>>) src(%dma_wait3A_31 : memref<40000x128xf32, #tpu.memory_space<hbm>>) dst(%arg9 : memref<128x128xf32, #tpu.memory_space<vmem>>)
      "tpu.region"() ({
        %run_scoped3A = tpu.sem_alloc : memref<!tpu.dma_semaphore, #tpu.memory_space<semaphore_mem>>
        %dma_start3A_33 = arith.constant 0 : i32
        %dma_start3A_34 = arith.constant 0 : i32
        %dma_start3A_35 = tpu.memref_slice %arg10[%dma_start3A_33, %dma_start3A_34] : memref<10112x128xf32, #tpu.memory_space<vmem_shared>> -> memref<10112x128xf32, #tpu.memory_space<vmem_shared>>
        tpu.enqueue_indirect_dma source(%arg9 : memref<128x128xf32, #tpu.memory_space<vmem>>) target(%dma_start3A_35 : memref<10112x128xf32, #tpu.memory_space<vmem_shared>>) offsets(%arg8 : memref<128xi32, #tpu.memory_space<vmem>>) semaphore(%run_scoped3A : memref<!tpu.dma_semaphore, #tpu.memory_space<semaphore_mem>>) {add = true}
        %dma_wait3A_36 = arith.constant 0 : i32
        %dma_wait3A_37 = arith.constant 0 : i32
        %dma_wait3A_38 = tpu.memref_slice %arg10[%dma_wait3A_36, %dma_wait3A_37] : memref<10112x128xf32, #tpu.memory_space<vmem_shared>> -> memref<10112x128xf32, #tpu.memory_space<vmem_shared>>
        tpu.wait_indirect_dma semaphore(%run_scoped3A : memref<!tpu.dma_semaphore, #tpu.memory_space<semaphore_mem>>) src(%arg9 : memref<128x128xf32, #tpu.memory_space<vmem>>) dst(%dma_wait3A_38 : memref<10112x128xf32, #tpu.memory_space<vmem_shared>>)
        tpu.yield
      }) : () -> ()
      %scan3A_32 = arith.constant 0 : i32
      scf.yield %scan3A_32 : i32
    }
    %scan3A_9 = arith.constant 157 : i32
    %barrier3A_10 = arith.constant 0 : index
    tpu.barrier barrier_id(%barrier3A_10)
    "tpu.region"() ({
      %run_scoped3A = tpu.sem_alloc : memref<!tpu.dma_semaphore, #tpu.memory_space<semaphore_mem>>
      %dma_start3A = arith.constant 0 : i32
      %dma_start3A_26 = tpu.memref_slice %arg6[%add3A_3, %mul3A_0, %dma_start3A] : memref<4x10112x128xf32, #tpu.memory_space<hbm>> -> memref<1x632x128xf32, #tpu.memory_space<hbm>>
      %dma_start3A_27 = tpu.memref_squeeze %dma_start3A_26 : memref<1x632x128xf32, #tpu.memory_space<hbm>> -> memref<632x128xf32, #tpu.memory_space<hbm>>
      %dma_start3A_28 = arith.constant 0 : i32
      %dma_start3A_29 = tpu.memref_slice %arg10[%mul3A_0, %dma_start3A_28] : memref<10112x128xf32, #tpu.memory_space<vmem_shared>> -> memref<632x128xf32, #tpu.memory_space<vmem_shared>>
      tpu.enqueue_dma source(%dma_start3A_29 : memref<632x128xf32, #tpu.memory_space<vmem_shared>>) target(%dma_start3A_27 : memref<632x128xf32, #tpu.memory_space<hbm>>) target_semaphore(%run_scoped3A : memref<!tpu.dma_semaphore, #tpu.memory_space<semaphore_mem>>)
      %dma_wait3A = arith.constant 0 : i32
      %dma_wait3A_30 = tpu.memref_slice %arg6[%add3A_3, %mul3A_0, %dma_wait3A] : memref<4x10112x128xf32, #tpu.memory_space<hbm>> -> memref<1x632x128xf32, #tpu.memory_space<hbm>>
      %dma_wait3A_31 = tpu.memref_squeeze %dma_wait3A_30 : memref<1x632x128xf32, #tpu.memory_space<hbm>> -> memref<632x128xf32, #tpu.memory_space<hbm>>
      %dma_wait3A_32 = arith.constant 0 : i32
      %dma_wait3A_33 = tpu.memref_slice %arg10[%mul3A_0, %dma_wait3A_32] : memref<10112x128xf32, #tpu.memory_space<vmem_shared>> -> memref<632x128xf32, #tpu.memory_space<vmem_shared>>
      tpu.wait_dma2 semaphore(%run_scoped3A : memref<!tpu.dma_semaphore, #tpu.memory_space<semaphore_mem>>) src(%dma_wait3A_33 : memref<632x128xf32, #tpu.memory_space<vmem_shared>>) dst(%dma_wait3A_31 : memref<632x128xf32, #tpu.memory_space<hbm>>)
      tpu.yield
    }) : () -> ()
    %barrier3A_11 = arith.constant 0 : index
    tpu.barrier barrier_id(%barrier3A_11)
    %mul3A_12 = arith.constant 2 : i32
    %mul3A_13 = arith.muli %arg0, %mul3A_12 : i32
    %add3A_14 = arith.constant 1 : i32
    %add3A_15 = arith.addi %mul3A_13, %add3A_14 : i32
    "tpu.region"() ({
      %run_scoped3A = tpu.sem_alloc : memref<!tpu.dma_semaphore, #tpu.memory_space<semaphore_mem>>
      %dma_start3A = arith.constant 0 : i32
      %dma_start3A_26 = tpu.memref_slice %arg10[%mul3A_0, %dma_start3A] : memref<10112x128xf32, #tpu.memory_space<vmem_shared>> -> memref<632x128xf32, #tpu.memory_space<vmem_shared>>
      %dma_start3A_27 = arith.constant 0 : i32
      %dma_start3A_28 = tpu.memref_slice %arg2[%add3A_15, %mul3A_0, %dma_start3A_27] : memref<4x10112x128xf32, #tpu.memory_space<hbm>> -> memref<1x632x128xf32, #tpu.memory_space<hbm>>
      %dma_start3A_29 = tpu.memref_squeeze %dma_start3A_28 : memref<1x632x128xf32, #tpu.memory_space<hbm>> -> memref<632x128xf32, #tpu.memory_space<hbm>>
      tpu.enqueue_dma source(%dma_start3A_29 : memref<632x128xf32, #tpu.memory_space<hbm>>) target(%dma_start3A_26 : memref<632x128xf32, #tpu.memory_space<vmem_shared>>) target_semaphore(%run_scoped3A : memref<!tpu.dma_semaphore, #tpu.memory_space<semaphore_mem>>)
      %dma_wait3A = arith.constant 0 : i32
      %dma_wait3A_30 = tpu.memref_slice %arg10[%mul3A_0, %dma_wait3A] : memref<10112x128xf32, #tpu.memory_space<vmem_shared>> -> memref<632x128xf32, #tpu.memory_space<vmem_shared>>
      %dma_wait3A_31 = arith.constant 0 : i32
      %dma_wait3A_32 = tpu.memref_slice %arg2[%add3A_15, %mul3A_0, %dma_wait3A_31] : memref<4x10112x128xf32, #tpu.memory_space<hbm>> -> memref<1x632x128xf32, #tpu.memory_space<hbm>>
      %dma_wait3A_33 = tpu.memref_squeeze %dma_wait3A_32 : memref<1x632x128xf32, #tpu.memory_space<hbm>> -> memref<632x128xf32, #tpu.memory_space<hbm>>
      tpu.wait_dma2 semaphore(%run_scoped3A : memref<!tpu.dma_semaphore, #tpu.memory_space<semaphore_mem>>) src(%dma_wait3A_33 : memref<632x128xf32, #tpu.memory_space<hbm>>) dst(%dma_wait3A_30 : memref<632x128xf32, #tpu.memory_space<vmem_shared>>)
      tpu.yield
    }) : () -> ()
    %barrier3A_16 = arith.constant 0 : index
    tpu.barrier barrier_id(%barrier3A_16)
    %scan3A_17 = arith.constant 0 : i32
    %scan3A_18 = arith.constant 0 : i32
    %scan3A_19 = arith.constant 157 : i32
    %scan3A_20 = arith.addi %scan3A_18, %scan3A_19 : i32
    %scan3A_21 = arith.constant 1 : i32
    %scan3A_22 = scf.for %scan3A_26 = %scan3A_18 to %scan3A_20 step %scan3A_21 iter_args(%scan3A_27 = %scan3A_17) -> (i32)  : i32 {
      "tpu.region"() ({
        %run_scoped3A = tpu.sem_alloc : memref<!tpu.dma_semaphore, #tpu.memory_space<semaphore_mem>>
        %dma_start3A_33 = arith.constant 0 : i32
        %dma_start3A_34 = tpu.memref_slice %arg4[%add3A_15, %arg1, %scan3A_26, %dma_start3A_33] : memref<4x16x157x128xi32, #tpu.memory_space<hbm>> -> memref<1x1x1x128xi32, #tpu.memory_space<hbm>>
        %dma_start3A_35 = tpu.memref_squeeze %dma_start3A_34 : memref<1x1x1x128xi32, #tpu.memory_space<hbm>> -> memref<128xi32, #tpu.memory_space<hbm>>
        %dma_start3A_36 = arith.constant 0 : i32
        %dma_start3A_37 = tpu.memref_slice %arg4[%add3A_15, %arg1, %scan3A_26, %dma_start3A_36] : memref<4x16x157x128xi32, #tpu.memory_space<hbm>> -> memref<1x1x1x128xi32, #tpu.memory_space<hbm>>
        %dma_start3A_38 = tpu.memref_squeeze %dma_start3A_37 : memref<1x1x1x128xi32, #tpu.memory_space<hbm>> -> memref<128xi32, #tpu.memory_space<hbm>>
        tpu.enqueue_dma source(%dma_start3A_38 : memref<128xi32, #tpu.memory_space<hbm>>) target(%arg7 : memref<128xi32, #tpu.memory_space<vmem>>) target_semaphore(%run_scoped3A : memref<!tpu.dma_semaphore, #tpu.memory_space<semaphore_mem>>)
        %dma_wait3A_39 = arith.constant 0 : i32
        %dma_wait3A_40 = tpu.memref_slice %arg4[%add3A_15, %arg1, %scan3A_26, %dma_wait3A_39] : memref<4x16x157x128xi32, #tpu.memory_space<hbm>> -> memref<1x1x1x128xi32, #tpu.memory_space<hbm>>
        %dma_wait3A_41 = tpu.memref_squeeze %dma_wait3A_40 : memref<1x1x1x128xi32, #tpu.memory_space<hbm>> -> memref<128xi32, #tpu.memory_space<hbm>>
        %dma_wait3A_42 = arith.constant 0 : i32
        %dma_wait3A_43 = tpu.memref_slice %arg4[%add3A_15, %arg1, %scan3A_26, %dma_wait3A_42] : memref<4x16x157x128xi32, #tpu.memory_space<hbm>> -> memref<1x1x1x128xi32, #tpu.memory_space<hbm>>
        %dma_wait3A_44 = tpu.memref_squeeze %dma_wait3A_43 : memref<1x1x1x128xi32, #tpu.memory_space<hbm>> -> memref<128xi32, #tpu.memory_space<hbm>>
        tpu.wait_dma2 semaphore(%run_scoped3A : memref<!tpu.dma_semaphore, #tpu.memory_space<semaphore_mem>>) src(%dma_wait3A_44 : memref<128xi32, #tpu.memory_space<hbm>>) dst(%arg7 : memref<128xi32, #tpu.memory_space<vmem>>)
        tpu.yield
      }) : () -> ()
      "tpu.region"() ({
        %run_scoped3A = tpu.sem_alloc : memref<!tpu.dma_semaphore, #tpu.memory_space<semaphore_mem>>
        %dma_start3A_33 = arith.constant 0 : i32
        %dma_start3A_34 = tpu.memref_slice %arg5[%arg1, %scan3A_26, %dma_start3A_33] : memref<16x157x128xi32, #tpu.memory_space<hbm>> -> memref<1x1x128xi32, #tpu.memory_space<hbm>>
        %dma_start3A_35 = tpu.memref_squeeze %dma_start3A_34 : memref<1x1x128xi32, #tpu.memory_space<hbm>> -> memref<128xi32, #tpu.memory_space<hbm>>
        %dma_start3A_36 = arith.constant 0 : i32
        %dma_start3A_37 = tpu.memref_slice %arg5[%arg1, %scan3A_26, %dma_start3A_36] : memref<16x157x128xi32, #tpu.memory_space<hbm>> -> memref<1x1x128xi32, #tpu.memory_space<hbm>>
        %dma_start3A_38 = tpu.memref_squeeze %dma_start3A_37 : memref<1x1x128xi32, #tpu.memory_space<hbm>> -> memref<128xi32, #tpu.memory_space<hbm>>
        tpu.enqueue_dma source(%dma_start3A_38 : memref<128xi32, #tpu.memory_space<hbm>>) target(%arg8 : memref<128xi32, #tpu.memory_space<vmem>>) target_semaphore(%run_scoped3A : memref<!tpu.dma_semaphore, #tpu.memory_space<semaphore_mem>>)
        %dma_wait3A_39 = arith.constant 0 : i32
        %dma_wait3A_40 = tpu.memref_slice %arg5[%arg1, %scan3A_26, %dma_wait3A_39] : memref<16x157x128xi32, #tpu.memory_space<hbm>> -> memref<1x1x128xi32, #tpu.memory_space<hbm>>
        %dma_wait3A_41 = tpu.memref_squeeze %dma_wait3A_40 : memref<1x1x128xi32, #tpu.memory_space<hbm>> -> memref<128xi32, #tpu.memory_space<hbm>>
        %dma_wait3A_42 = arith.constant 0 : i32
        %dma_wait3A_43 = tpu.memref_slice %arg5[%arg1, %scan3A_26, %dma_wait3A_42] : memref<16x157x128xi32, #tpu.memory_space<hbm>> -> memref<1x1x128xi32, #tpu.memory_space<hbm>>
        %dma_wait3A_44 = tpu.memref_squeeze %dma_wait3A_43 : memref<1x1x128xi32, #tpu.memory_space<hbm>> -> memref<128xi32, #tpu.memory_space<hbm>>
        tpu.wait_dma2 semaphore(%run_scoped3A : memref<!tpu.dma_semaphore, #tpu.memory_space<semaphore_mem>>) src(%dma_wait3A_44 : memref<128xi32, #tpu.memory_space<hbm>>) dst(%arg8 : memref<128xi32, #tpu.memory_space<vmem>>)
        tpu.yield
      }) : () -> ()
      %dma_start3A = arith.constant 0 : i32
      %dma_start3A_28 = arith.constant 0 : i32
      %dma_start3A_29 = tpu.memref_slice %arg3[%dma_start3A, %dma_start3A_28] : memref<40000x128xf32, #tpu.memory_space<hbm>> -> memref<40000x128xf32, #tpu.memory_space<hbm>>
      tpu.enqueue_indirect_dma source(%dma_start3A_29 : memref<40000x128xf32, #tpu.memory_space<hbm>>) target(%arg9 : memref<128x128xf32, #tpu.memory_space<vmem>>) offsets(%arg7 : memref<128xi32, #tpu.memory_space<vmem>>) semaphore(%arg11 : memref<!tpu.dma_semaphore, #tpu.memory_space<semaphore_mem>>)
      %dma_wait3A = arith.constant 0 : i32
      %dma_wait3A_30 = arith.constant 0 : i32
      %dma_wait3A_31 = tpu.memref_slice %arg3[%dma_wait3A, %dma_wait3A_30] : memref<40000x128xf32, #tpu.memory_space<hbm>> -> memref<40000x128xf32, #tpu.memory_space<hbm>>
      tpu.wait_indirect_dma semaphore(%arg11 : memref<!tpu.dma_semaphore, #tpu.memory_space<semaphore_mem>>) src(%dma_wait3A_31 : memref<40000x128xf32, #tpu.memory_space<hbm>>) dst(%arg9 : memref<128x128xf32, #tpu.memory_space<vmem>>)
      "tpu.region"() ({
        %run_scoped3A = tpu.sem_alloc : memref<!tpu.dma_semaphore, #tpu.memory_space<semaphore_mem>>
        %dma_start3A_33 = arith.constant 0 : i32
        %dma_start3A_34 = arith.constant 0 : i32
        %dma_start3A_35 = tpu.memref_slice %arg10[%dma_start3A_33, %dma_start3A_34] : memref<10112x128xf32, #tpu.memory_space<vmem_shared>> -> memref<10112x128xf32, #tpu.memory_space<vmem_shared>>
        tpu.enqueue_indirect_dma source(%arg9 : memref<128x128xf32, #tpu.memory_space<vmem>>) target(%dma_start3A_35 : memref<10112x128xf32, #tpu.memory_space<vmem_shared>>) offsets(%arg8 : memref<128xi32, #tpu.memory_space<vmem>>) semaphore(%run_scoped3A : memref<!tpu.dma_semaphore, #tpu.memory_space<semaphore_mem>>) {add = true}
        %dma_wait3A_36 = arith.constant 0 : i32
        %dma_wait3A_37 = arith.constant 0 : i32
        %dma_wait3A_38 = tpu.memref_slice %arg10[%dma_wait3A_36, %dma_wait3A_37] : memref<10112x128xf32, #tpu.memory_space<vmem_shared>> -> memref<10112x128xf32, #tpu.memory_space<vmem_shared>>
        tpu.wait_indirect_dma semaphore(%run_scoped3A : memref<!tpu.dma_semaphore, #tpu.memory_space<semaphore_mem>>) src(%arg9 : memref<128x128xf32, #tpu.memory_space<vmem>>) dst(%dma_wait3A_38 : memref<10112x128xf32, #tpu.memory_space<vmem_shared>>)
        tpu.yield
      }) : () -> ()
      %scan3A_32 = arith.constant 0 : i32
      scf.yield %scan3A_32 : i32
    }
    %scan3A_23 = arith.constant 157 : i32
    %barrier3A_24 = arith.constant 0 : index
    tpu.barrier barrier_id(%barrier3A_24)
    "tpu.region"() ({
      %run_scoped3A = tpu.sem_alloc : memref<!tpu.dma_semaphore, #tpu.memory_space<semaphore_mem>>
      %dma_start3A = arith.constant 0 : i32
      %dma_start3A_26 = tpu.memref_slice %arg6[%add3A_15, %mul3A_0, %dma_start3A] : memref<4x10112x128xf32, #tpu.memory_space<hbm>> -> memref<1x632x128xf32, #tpu.memory_space<hbm>>
      %dma_start3A_27 = tpu.memref_squeeze %dma_start3A_26 : memref<1x632x128xf32, #tpu.memory_space<hbm>> -> memref<632x128xf32, #tpu.memory_space<hbm>>
      %dma_start3A_28 = arith.constant 0 : i32
      %dma_start3A_29 = tpu.memref_slice %arg10[%mul3A_0, %dma_start3A_28] : memref<10112x128xf32, #tpu.memory_space<vmem_shared>> -> memref<632x128xf32, #tpu.memory_space<vmem_shared>>
      tpu.enqueue_dma source(%dma_start3A_29 : memref<632x128xf32, #tpu.memory_space<vmem_shared>>) target(%dma_start3A_27 : memref<632x128xf32, #tpu.memory_space<hbm>>) target_semaphore(%run_scoped3A : memref<!tpu.dma_semaphore, #tpu.memory_space<semaphore_mem>>)
      %dma_wait3A = arith.constant 0 : i32
      %dma_wait3A_30 = tpu.memref_slice %arg6[%add3A_15, %mul3A_0, %dma_wait3A] : memref<4x10112x128xf32, #tpu.memory_space<hbm>> -> memref<1x632x128xf32, #tpu.memory_space<hbm>>
      %dma_wait3A_31 = tpu.memref_squeeze %dma_wait3A_30 : memref<1x632x128xf32, #tpu.memory_space<hbm>> -> memref<632x128xf32, #tpu.memory_space<hbm>>
      %dma_wait3A_32 = arith.constant 0 : i32
      %dma_wait3A_33 = tpu.memref_slice %arg10[%mul3A_0, %dma_wait3A_32] : memref<10112x128xf32, #tpu.memory_space<vmem_shared>> -> memref<632x128xf32, #tpu.memory_space<vmem_shared>>
      tpu.wait_dma2 semaphore(%run_scoped3A : memref<!tpu.dma_semaphore, #tpu.memory_space<semaphore_mem>>) src(%dma_wait3A_33 : memref<632x128xf32, #tpu.memory_space<vmem_shared>>) dst(%dma_wait3A_31 : memref<632x128xf32, #tpu.memory_space<hbm>>)
      tpu.yield
    }) : () -> ()
    %barrier3A_25 = arith.constant 0 : index
    tpu.barrier barrier_id(%barrier3A_25)
    return
  }
}

#map = affine_map<(d0, d1) -> (0, 0, 0)>
#map1 = affine_map<(d0, d1) -> (0, 0)>
#map2 = affine_map<(d0, d1) -> (0, 0, 0, 0)>
module attributes {stable_mosaic.version = 14 : i64} {
  func.func @k(%arg0: i32, %arg1: i32, %arg2: memref<4x10112x128xf32, #tpu.memory_space<hbm>>, %arg3: memref<40000x128xf32, #tpu.memory_space<hbm>>, %arg4: memref<4x16x79x128xi32, #tpu.memory_space<hbm>>, %arg5: memref<16x79x128xi32, #tpu.memory_space<hbm>>, %arg6: memref<16x79x128xi32, #tpu.memory_space<hbm>>, %arg7: memref<4x10112x128xf32, #tpu.memory_space<hbm>>, %arg8: memref<128xi32, #tpu.memory_space<vmem>>, %arg9: memref<128xi32, #tpu.memory_space<vmem>>, %arg10: memref<128xi32, #tpu.memory_space<vmem>>, %arg11: memref<128x128xf32, #tpu.memory_space<vmem>>, %arg12: memref<10112x128xf32, #tpu.memory_space<vmem_shared>>, %arg13: memref<!tpu.dma_semaphore, #tpu.memory_space<semaphore_mem>>) attributes {dimension_semantics = [#tpu.dimension_semantics<core_parallel>, #tpu.dimension_semantics<subcore_parallel>], iteration_bounds = array<i64: 2, 16>, scalar_prefetch = 0 : i64, scratch_operands = 6 : i64, tpu.core_type = #tpu.core_type<sc_vector_subcore>, window_params = [{transform_indices = #map}, {transform_indices = #map1}, {transform_indices = #map2}, {transform_indices = #map}, {transform_indices = #map}, {transform_indices = #map}]} {
    %mul3A = arith.constant 632 : i32
    %mul3A_0 = arith.muli %arg1, %mul3A : i32
    %mul3A_1 = arith.constant 2 : i32
    %mul3A_2 = arith.muli %arg0, %mul3A_1 : i32
    %add3A = arith.constant 0 : i32
    %add3A_3 = arith.addi %mul3A_2, %add3A : i32
    "tpu.region"() ({
      %run_scoped3A = tpu.sem_alloc : memref<!tpu.dma_semaphore, #tpu.memory_space<semaphore_mem>>
      %dma_start3A = arith.constant 0 : i32
      %dma_start3A_26 = tpu.memref_slice %arg12[%mul3A_0, %dma_start3A] : memref<10112x128xf32, #tpu.memory_space<vmem_shared>> -> memref<632x128xf32, #tpu.memory_space<vmem_shared>>
      %dma_start3A_27 = arith.constant 0 : i32
      %dma_start3A_28 = tpu.memref_slice %arg2[%add3A_3, %mul3A_0, %dma_start3A_27] : memref<4x10112x128xf32, #tpu.memory_space<hbm>> -> memref<1x632x128xf32, #tpu.memory_space<hbm>>
      %dma_start3A_29 = tpu.memref_squeeze %dma_start3A_28 : memref<1x632x128xf32, #tpu.memory_space<hbm>> -> memref<632x128xf32, #tpu.memory_space<hbm>>
      tpu.enqueue_dma source(%dma_start3A_29 : memref<632x128xf32, #tpu.memory_space<hbm>>) target(%dma_start3A_26 : memref<632x128xf32, #tpu.memory_space<vmem_shared>>) target_semaphore(%run_scoped3A : memref<!tpu.dma_semaphore, #tpu.memory_space<semaphore_mem>>)
      %dma_wait3A = arith.constant 0 : i32
      %dma_wait3A_30 = tpu.memref_slice %arg12[%mul3A_0, %dma_wait3A] : memref<10112x128xf32, #tpu.memory_space<vmem_shared>> -> memref<632x128xf32, #tpu.memory_space<vmem_shared>>
      %dma_wait3A_31 = arith.constant 0 : i32
      %dma_wait3A_32 = tpu.memref_slice %arg2[%add3A_3, %mul3A_0, %dma_wait3A_31] : memref<4x10112x128xf32, #tpu.memory_space<hbm>> -> memref<1x632x128xf32, #tpu.memory_space<hbm>>
      %dma_wait3A_33 = tpu.memref_squeeze %dma_wait3A_32 : memref<1x632x128xf32, #tpu.memory_space<hbm>> -> memref<632x128xf32, #tpu.memory_space<hbm>>
      tpu.wait_dma2 semaphore(%run_scoped3A : memref<!tpu.dma_semaphore, #tpu.memory_space<semaphore_mem>>) src(%dma_wait3A_33 : memref<632x128xf32, #tpu.memory_space<hbm>>) dst(%dma_wait3A_30 : memref<632x128xf32, #tpu.memory_space<vmem_shared>>)
      tpu.yield
    }) : () -> ()
    %barrier3A = arith.constant 0 : index
    tpu.barrier barrier_id(%barrier3A)
    %scan3A = arith.constant 0 : i32
    %scan3A_4 = arith.constant 0 : i32
    %scan3A_5 = arith.constant 79 : i32
    %scan3A_6 = arith.addi %scan3A_4, %scan3A_5 : i32
    %scan3A_7 = arith.constant 1 : i32
    %scan3A_8 = scf.for %scan3A_26 = %scan3A_4 to %scan3A_6 step %scan3A_7 iter_args(%scan3A_27 = %scan3A) -> (i32)  : i32 {
      "tpu.region"() ({
        %run_scoped3A = tpu.sem_alloc : memref<!tpu.dma_semaphore, #tpu.memory_space<semaphore_mem>>
        %dma_start3A_33 = arith.constant 0 : i32
        %dma_start3A_34 = tpu.memref_slice %arg4[%add3A_3, %arg1, %scan3A_26, %dma_start3A_33] : memref<4x16x79x128xi32, #tpu.memory_space<hbm>> -> memref<1x1x1x128xi32, #tpu.memory_space<hbm>>
        %dma_start3A_35 = tpu.memref_squeeze %dma_start3A_34 : memref<1x1x1x128xi32, #tpu.memory_space<hbm>> -> memref<128xi32, #tpu.memory_space<hbm>>
        %dma_start3A_36 = arith.constant 0 : i32
        %dma_start3A_37 = tpu.memref_slice %arg4[%add3A_3, %arg1, %scan3A_26, %dma_start3A_36] : memref<4x16x79x128xi32, #tpu.memory_space<hbm>> -> memref<1x1x1x128xi32, #tpu.memory_space<hbm>>
        %dma_start3A_38 = tpu.memref_squeeze %dma_start3A_37 : memref<1x1x1x128xi32, #tpu.memory_space<hbm>> -> memref<128xi32, #tpu.memory_space<hbm>>
        tpu.enqueue_dma source(%dma_start3A_38 : memref<128xi32, #tpu.memory_space<hbm>>) target(%arg8 : memref<128xi32, #tpu.memory_space<vmem>>) target_semaphore(%run_scoped3A : memref<!tpu.dma_semaphore, #tpu.memory_space<semaphore_mem>>)
        %dma_wait3A_39 = arith.constant 0 : i32
        %dma_wait3A_40 = tpu.memref_slice %arg4[%add3A_3, %arg1, %scan3A_26, %dma_wait3A_39] : memref<4x16x79x128xi32, #tpu.memory_space<hbm>> -> memref<1x1x1x128xi32, #tpu.memory_space<hbm>>
        %dma_wait3A_41 = tpu.memref_squeeze %dma_wait3A_40 : memref<1x1x1x128xi32, #tpu.memory_space<hbm>> -> memref<128xi32, #tpu.memory_space<hbm>>
        %dma_wait3A_42 = arith.constant 0 : i32
        %dma_wait3A_43 = tpu.memref_slice %arg4[%add3A_3, %arg1, %scan3A_26, %dma_wait3A_42] : memref<4x16x79x128xi32, #tpu.memory_space<hbm>> -> memref<1x1x1x128xi32, #tpu.memory_space<hbm>>
        %dma_wait3A_44 = tpu.memref_squeeze %dma_wait3A_43 : memref<1x1x1x128xi32, #tpu.memory_space<hbm>> -> memref<128xi32, #tpu.memory_space<hbm>>
        tpu.wait_dma2 semaphore(%run_scoped3A : memref<!tpu.dma_semaphore, #tpu.memory_space<semaphore_mem>>) src(%dma_wait3A_44 : memref<128xi32, #tpu.memory_space<hbm>>) dst(%arg8 : memref<128xi32, #tpu.memory_space<vmem>>)
        tpu.yield
      }) : () -> ()
      "tpu.region"() ({
        %run_scoped3A = tpu.sem_alloc : memref<!tpu.dma_semaphore, #tpu.memory_space<semaphore_mem>>
        %dma_start3A_33 = arith.constant 0 : i32
        %dma_start3A_34 = tpu.memref_slice %arg5[%arg1, %scan3A_26, %dma_start3A_33] : memref<16x79x128xi32, #tpu.memory_space<hbm>> -> memref<1x1x128xi32, #tpu.memory_space<hbm>>
        %dma_start3A_35 = tpu.memref_squeeze %dma_start3A_34 : memref<1x1x128xi32, #tpu.memory_space<hbm>> -> memref<128xi32, #tpu.memory_space<hbm>>
        %dma_start3A_36 = arith.constant 0 : i32
        %dma_start3A_37 = tpu.memref_slice %arg5[%arg1, %scan3A_26, %dma_start3A_36] : memref<16x79x128xi32, #tpu.memory_space<hbm>> -> memref<1x1x128xi32, #tpu.memory_space<hbm>>
        %dma_start3A_38 = tpu.memref_squeeze %dma_start3A_37 : memref<1x1x128xi32, #tpu.memory_space<hbm>> -> memref<128xi32, #tpu.memory_space<hbm>>
        tpu.enqueue_dma source(%dma_start3A_38 : memref<128xi32, #tpu.memory_space<hbm>>) target(%arg9 : memref<128xi32, #tpu.memory_space<vmem>>) target_semaphore(%run_scoped3A : memref<!tpu.dma_semaphore, #tpu.memory_space<semaphore_mem>>)
        %dma_wait3A_39 = arith.constant 0 : i32
        %dma_wait3A_40 = tpu.memref_slice %arg5[%arg1, %scan3A_26, %dma_wait3A_39] : memref<16x79x128xi32, #tpu.memory_space<hbm>> -> memref<1x1x128xi32, #tpu.memory_space<hbm>>
        %dma_wait3A_41 = tpu.memref_squeeze %dma_wait3A_40 : memref<1x1x128xi32, #tpu.memory_space<hbm>> -> memref<128xi32, #tpu.memory_space<hbm>>
        %dma_wait3A_42 = arith.constant 0 : i32
        %dma_wait3A_43 = tpu.memref_slice %arg5[%arg1, %scan3A_26, %dma_wait3A_42] : memref<16x79x128xi32, #tpu.memory_space<hbm>> -> memref<1x1x128xi32, #tpu.memory_space<hbm>>
        %dma_wait3A_44 = tpu.memref_squeeze %dma_wait3A_43 : memref<1x1x128xi32, #tpu.memory_space<hbm>> -> memref<128xi32, #tpu.memory_space<hbm>>
        tpu.wait_dma2 semaphore(%run_scoped3A : memref<!tpu.dma_semaphore, #tpu.memory_space<semaphore_mem>>) src(%dma_wait3A_44 : memref<128xi32, #tpu.memory_space<hbm>>) dst(%arg9 : memref<128xi32, #tpu.memory_space<vmem>>)
        tpu.yield
      }) : () -> ()
      "tpu.region"() ({
        %run_scoped3A = tpu.sem_alloc : memref<!tpu.dma_semaphore, #tpu.memory_space<semaphore_mem>>
        %dma_start3A_33 = arith.constant 0 : i32
        %dma_start3A_34 = tpu.memref_slice %arg6[%arg1, %scan3A_26, %dma_start3A_33] : memref<16x79x128xi32, #tpu.memory_space<hbm>> -> memref<1x1x128xi32, #tpu.memory_space<hbm>>
        %dma_start3A_35 = tpu.memref_squeeze %dma_start3A_34 : memref<1x1x128xi32, #tpu.memory_space<hbm>> -> memref<128xi32, #tpu.memory_space<hbm>>
        %dma_start3A_36 = arith.constant 0 : i32
        %dma_start3A_37 = tpu.memref_slice %arg6[%arg1, %scan3A_26, %dma_start3A_36] : memref<16x79x128xi32, #tpu.memory_space<hbm>> -> memref<1x1x128xi32, #tpu.memory_space<hbm>>
        %dma_start3A_38 = tpu.memref_squeeze %dma_start3A_37 : memref<1x1x128xi32, #tpu.memory_space<hbm>> -> memref<128xi32, #tpu.memory_space<hbm>>
        tpu.enqueue_dma source(%dma_start3A_38 : memref<128xi32, #tpu.memory_space<hbm>>) target(%arg10 : memref<128xi32, #tpu.memory_space<vmem>>) target_semaphore(%run_scoped3A : memref<!tpu.dma_semaphore, #tpu.memory_space<semaphore_mem>>)
        %dma_wait3A_39 = arith.constant 0 : i32
        %dma_wait3A_40 = tpu.memref_slice %arg6[%arg1, %scan3A_26, %dma_wait3A_39] : memref<16x79x128xi32, #tpu.memory_space<hbm>> -> memref<1x1x128xi32, #tpu.memory_space<hbm>>
        %dma_wait3A_41 = tpu.memref_squeeze %dma_wait3A_40 : memref<1x1x128xi32, #tpu.memory_space<hbm>> -> memref<128xi32, #tpu.memory_space<hbm>>
        %dma_wait3A_42 = arith.constant 0 : i32
        %dma_wait3A_43 = tpu.memref_slice %arg6[%arg1, %scan3A_26, %dma_wait3A_42] : memref<16x79x128xi32, #tpu.memory_space<hbm>> -> memref<1x1x128xi32, #tpu.memory_space<hbm>>
        %dma_wait3A_44 = tpu.memref_squeeze %dma_wait3A_43 : memref<1x1x128xi32, #tpu.memory_space<hbm>> -> memref<128xi32, #tpu.memory_space<hbm>>
        tpu.wait_dma2 semaphore(%run_scoped3A : memref<!tpu.dma_semaphore, #tpu.memory_space<semaphore_mem>>) src(%dma_wait3A_44 : memref<128xi32, #tpu.memory_space<hbm>>) dst(%arg10 : memref<128xi32, #tpu.memory_space<vmem>>)
        tpu.yield
      }) : () -> ()
      %dma_start3A = arith.constant 0 : i32
      %dma_start3A_28 = arith.constant 0 : i32
      %dma_start3A_29 = tpu.memref_slice %arg3[%dma_start3A, %dma_start3A_28] : memref<40000x128xf32, #tpu.memory_space<hbm>> -> memref<40000x128xf32, #tpu.memory_space<hbm>>
      tpu.enqueue_indirect_dma source(%dma_start3A_29 : memref<40000x128xf32, #tpu.memory_space<hbm>>) target(%arg11 : memref<128x128xf32, #tpu.memory_space<vmem>>) offsets(%arg8 : memref<128xi32, #tpu.memory_space<vmem>>) semaphore(%arg13 : memref<!tpu.dma_semaphore, #tpu.memory_space<semaphore_mem>>)
      %dma_wait3A = arith.constant 0 : i32
      %dma_wait3A_30 = arith.constant 0 : i32
      %dma_wait3A_31 = tpu.memref_slice %arg3[%dma_wait3A, %dma_wait3A_30] : memref<40000x128xf32, #tpu.memory_space<hbm>> -> memref<40000x128xf32, #tpu.memory_space<hbm>>
      tpu.wait_indirect_dma semaphore(%arg13 : memref<!tpu.dma_semaphore, #tpu.memory_space<semaphore_mem>>) src(%dma_wait3A_31 : memref<40000x128xf32, #tpu.memory_space<hbm>>) dst(%arg11 : memref<128x128xf32, #tpu.memory_space<vmem>>)
      "tpu.region"() ({
        %run_scoped3A = tpu.sem_alloc : memref<!tpu.dma_semaphore, #tpu.memory_space<semaphore_mem>>
        %dma_start3A_33 = arith.constant 0 : i32
        %dma_start3A_34 = arith.constant 0 : i32
        %dma_start3A_35 = tpu.memref_slice %arg12[%dma_start3A_33, %dma_start3A_34] : memref<10112x128xf32, #tpu.memory_space<vmem_shared>> -> memref<10112x128xf32, #tpu.memory_space<vmem_shared>>
        tpu.enqueue_indirect_dma source(%arg11 : memref<128x128xf32, #tpu.memory_space<vmem>>) target(%dma_start3A_35 : memref<10112x128xf32, #tpu.memory_space<vmem_shared>>) offsets(%arg9 : memref<128xi32, #tpu.memory_space<vmem>>) semaphore(%run_scoped3A : memref<!tpu.dma_semaphore, #tpu.memory_space<semaphore_mem>>) {add = true}
        %dma_wait3A_36 = arith.constant 0 : i32
        %dma_wait3A_37 = arith.constant 0 : i32
        %dma_wait3A_38 = tpu.memref_slice %arg12[%dma_wait3A_36, %dma_wait3A_37] : memref<10112x128xf32, #tpu.memory_space<vmem_shared>> -> memref<10112x128xf32, #tpu.memory_space<vmem_shared>>
        tpu.wait_indirect_dma semaphore(%run_scoped3A : memref<!tpu.dma_semaphore, #tpu.memory_space<semaphore_mem>>) src(%arg11 : memref<128x128xf32, #tpu.memory_space<vmem>>) dst(%dma_wait3A_38 : memref<10112x128xf32, #tpu.memory_space<vmem_shared>>)
        tpu.yield
      }) : () -> ()
      "tpu.region"() ({
        %run_scoped3A = tpu.sem_alloc : memref<!tpu.dma_semaphore, #tpu.memory_space<semaphore_mem>>
        %dma_start3A_33 = arith.constant 0 : i32
        %dma_start3A_34 = arith.constant 0 : i32
        %dma_start3A_35 = tpu.memref_slice %arg12[%dma_start3A_33, %dma_start3A_34] : memref<10112x128xf32, #tpu.memory_space<vmem_shared>> -> memref<10112x128xf32, #tpu.memory_space<vmem_shared>>
        tpu.enqueue_indirect_dma source(%arg11 : memref<128x128xf32, #tpu.memory_space<vmem>>) target(%dma_start3A_35 : memref<10112x128xf32, #tpu.memory_space<vmem_shared>>) offsets(%arg10 : memref<128xi32, #tpu.memory_space<vmem>>) semaphore(%run_scoped3A : memref<!tpu.dma_semaphore, #tpu.memory_space<semaphore_mem>>) {add = true}
        %dma_wait3A_36 = arith.constant 0 : i32
        %dma_wait3A_37 = arith.constant 0 : i32
        %dma_wait3A_38 = tpu.memref_slice %arg12[%dma_wait3A_36, %dma_wait3A_37] : memref<10112x128xf32, #tpu.memory_space<vmem_shared>> -> memref<10112x128xf32, #tpu.memory_space<vmem_shared>>
        tpu.wait_indirect_dma semaphore(%run_scoped3A : memref<!tpu.dma_semaphore, #tpu.memory_space<semaphore_mem>>) src(%arg11 : memref<128x128xf32, #tpu.memory_space<vmem>>) dst(%dma_wait3A_38 : memref<10112x128xf32, #tpu.memory_space<vmem_shared>>)
        tpu.yield
      }) : () -> ()
      %scan3A_32 = arith.constant 0 : i32
      scf.yield %scan3A_32 : i32
    }
    %scan3A_9 = arith.constant 79 : i32
    %barrier3A_10 = arith.constant 0 : index
    tpu.barrier barrier_id(%barrier3A_10)
    "tpu.region"() ({
      %run_scoped3A = tpu.sem_alloc : memref<!tpu.dma_semaphore, #tpu.memory_space<semaphore_mem>>
      %dma_start3A = arith.constant 0 : i32
      %dma_start3A_26 = tpu.memref_slice %arg7[%add3A_3, %mul3A_0, %dma_start3A] : memref<4x10112x128xf32, #tpu.memory_space<hbm>> -> memref<1x632x128xf32, #tpu.memory_space<hbm>>
      %dma_start3A_27 = tpu.memref_squeeze %dma_start3A_26 : memref<1x632x128xf32, #tpu.memory_space<hbm>> -> memref<632x128xf32, #tpu.memory_space<hbm>>
      %dma_start3A_28 = arith.constant 0 : i32
      %dma_start3A_29 = tpu.memref_slice %arg12[%mul3A_0, %dma_start3A_28] : memref<10112x128xf32, #tpu.memory_space<vmem_shared>> -> memref<632x128xf32, #tpu.memory_space<vmem_shared>>
      tpu.enqueue_dma source(%dma_start3A_29 : memref<632x128xf32, #tpu.memory_space<vmem_shared>>) target(%dma_start3A_27 : memref<632x128xf32, #tpu.memory_space<hbm>>) target_semaphore(%run_scoped3A : memref<!tpu.dma_semaphore, #tpu.memory_space<semaphore_mem>>)
      %dma_wait3A = arith.constant 0 : i32
      %dma_wait3A_30 = tpu.memref_slice %arg7[%add3A_3, %mul3A_0, %dma_wait3A] : memref<4x10112x128xf32, #tpu.memory_space<hbm>> -> memref<1x632x128xf32, #tpu.memory_space<hbm>>
      %dma_wait3A_31 = tpu.memref_squeeze %dma_wait3A_30 : memref<1x632x128xf32, #tpu.memory_space<hbm>> -> memref<632x128xf32, #tpu.memory_space<hbm>>
      %dma_wait3A_32 = arith.constant 0 : i32
      %dma_wait3A_33 = tpu.memref_slice %arg12[%mul3A_0, %dma_wait3A_32] : memref<10112x128xf32, #tpu.memory_space<vmem_shared>> -> memref<632x128xf32, #tpu.memory_space<vmem_shared>>
      tpu.wait_dma2 semaphore(%run_scoped3A : memref<!tpu.dma_semaphore, #tpu.memory_space<semaphore_mem>>) src(%dma_wait3A_33 : memref<632x128xf32, #tpu.memory_space<vmem_shared>>) dst(%dma_wait3A_31 : memref<632x128xf32, #tpu.memory_space<hbm>>)
      tpu.yield
    }) : () -> ()
    %barrier3A_11 = arith.constant 0 : index
    tpu.barrier barrier_id(%barrier3A_11)
    %mul3A_12 = arith.constant 2 : i32
    %mul3A_13 = arith.muli %arg0, %mul3A_12 : i32
    %add3A_14 = arith.constant 1 : i32
    %add3A_15 = arith.addi %mul3A_13, %add3A_14 : i32
    "tpu.region"() ({
      %run_scoped3A = tpu.sem_alloc : memref<!tpu.dma_semaphore, #tpu.memory_space<semaphore_mem>>
      %dma_start3A = arith.constant 0 : i32
      %dma_start3A_26 = tpu.memref_slice %arg12[%mul3A_0, %dma_start3A] : memref<10112x128xf32, #tpu.memory_space<vmem_shared>> -> memref<632x128xf32, #tpu.memory_space<vmem_shared>>
      %dma_start3A_27 = arith.constant 0 : i32
      %dma_start3A_28 = tpu.memref_slice %arg2[%add3A_15, %mul3A_0, %dma_start3A_27] : memref<4x10112x128xf32, #tpu.memory_space<hbm>> -> memref<1x632x128xf32, #tpu.memory_space<hbm>>
      %dma_start3A_29 = tpu.memref_squeeze %dma_start3A_28 : memref<1x632x128xf32, #tpu.memory_space<hbm>> -> memref<632x128xf32, #tpu.memory_space<hbm>>
      tpu.enqueue_dma source(%dma_start3A_29 : memref<632x128xf32, #tpu.memory_space<hbm>>) target(%dma_start3A_26 : memref<632x128xf32, #tpu.memory_space<vmem_shared>>) target_semaphore(%run_scoped3A : memref<!tpu.dma_semaphore, #tpu.memory_space<semaphore_mem>>)
      %dma_wait3A = arith.constant 0 : i32
      %dma_wait3A_30 = tpu.memref_slice %arg12[%mul3A_0, %dma_wait3A] : memref<10112x128xf32, #tpu.memory_space<vmem_shared>> -> memref<632x128xf32, #tpu.memory_space<vmem_shared>>
      %dma_wait3A_31 = arith.constant 0 : i32
      %dma_wait3A_32 = tpu.memref_slice %arg2[%add3A_15, %mul3A_0, %dma_wait3A_31] : memref<4x10112x128xf32, #tpu.memory_space<hbm>> -> memref<1x632x128xf32, #tpu.memory_space<hbm>>
      %dma_wait3A_33 = tpu.memref_squeeze %dma_wait3A_32 : memref<1x632x128xf32, #tpu.memory_space<hbm>> -> memref<632x128xf32, #tpu.memory_space<hbm>>
      tpu.wait_dma2 semaphore(%run_scoped3A : memref<!tpu.dma_semaphore, #tpu.memory_space<semaphore_mem>>) src(%dma_wait3A_33 : memref<632x128xf32, #tpu.memory_space<hbm>>) dst(%dma_wait3A_30 : memref<632x128xf32, #tpu.memory_space<vmem_shared>>)
      tpu.yield
    }) : () -> ()
    %barrier3A_16 = arith.constant 0 : index
    tpu.barrier barrier_id(%barrier3A_16)
    %scan3A_17 = arith.constant 0 : i32
    %scan3A_18 = arith.constant 0 : i32
    %scan3A_19 = arith.constant 79 : i32
    %scan3A_20 = arith.addi %scan3A_18, %scan3A_19 : i32
    %scan3A_21 = arith.constant 1 : i32
    %scan3A_22 = scf.for %scan3A_26 = %scan3A_18 to %scan3A_20 step %scan3A_21 iter_args(%scan3A_27 = %scan3A_17) -> (i32)  : i32 {
      "tpu.region"() ({
        %run_scoped3A = tpu.sem_alloc : memref<!tpu.dma_semaphore, #tpu.memory_space<semaphore_mem>>
        %dma_start3A_33 = arith.constant 0 : i32
        %dma_start3A_34 = tpu.memref_slice %arg4[%add3A_15, %arg1, %scan3A_26, %dma_start3A_33] : memref<4x16x79x128xi32, #tpu.memory_space<hbm>> -> memref<1x1x1x128xi32, #tpu.memory_space<hbm>>
        %dma_start3A_35 = tpu.memref_squeeze %dma_start3A_34 : memref<1x1x1x128xi32, #tpu.memory_space<hbm>> -> memref<128xi32, #tpu.memory_space<hbm>>
        %dma_start3A_36 = arith.constant 0 : i32
        %dma_start3A_37 = tpu.memref_slice %arg4[%add3A_15, %arg1, %scan3A_26, %dma_start3A_36] : memref<4x16x79x128xi32, #tpu.memory_space<hbm>> -> memref<1x1x1x128xi32, #tpu.memory_space<hbm>>
        %dma_start3A_38 = tpu.memref_squeeze %dma_start3A_37 : memref<1x1x1x128xi32, #tpu.memory_space<hbm>> -> memref<128xi32, #tpu.memory_space<hbm>>
        tpu.enqueue_dma source(%dma_start3A_38 : memref<128xi32, #tpu.memory_space<hbm>>) target(%arg8 : memref<128xi32, #tpu.memory_space<vmem>>) target_semaphore(%run_scoped3A : memref<!tpu.dma_semaphore, #tpu.memory_space<semaphore_mem>>)
        %dma_wait3A_39 = arith.constant 0 : i32
        %dma_wait3A_40 = tpu.memref_slice %arg4[%add3A_15, %arg1, %scan3A_26, %dma_wait3A_39] : memref<4x16x79x128xi32, #tpu.memory_space<hbm>> -> memref<1x1x1x128xi32, #tpu.memory_space<hbm>>
        %dma_wait3A_41 = tpu.memref_squeeze %dma_wait3A_40 : memref<1x1x1x128xi32, #tpu.memory_space<hbm>> -> memref<128xi32, #tpu.memory_space<hbm>>
        %dma_wait3A_42 = arith.constant 0 : i32
        %dma_wait3A_43 = tpu.memref_slice %arg4[%add3A_15, %arg1, %scan3A_26, %dma_wait3A_42] : memref<4x16x79x128xi32, #tpu.memory_space<hbm>> -> memref<1x1x1x128xi32, #tpu.memory_space<hbm>>
        %dma_wait3A_44 = tpu.memref_squeeze %dma_wait3A_43 : memref<1x1x1x128xi32, #tpu.memory_space<hbm>> -> memref<128xi32, #tpu.memory_space<hbm>>
        tpu.wait_dma2 semaphore(%run_scoped3A : memref<!tpu.dma_semaphore, #tpu.memory_space<semaphore_mem>>) src(%dma_wait3A_44 : memref<128xi32, #tpu.memory_space<hbm>>) dst(%arg8 : memref<128xi32, #tpu.memory_space<vmem>>)
        tpu.yield
      }) : () -> ()
      "tpu.region"() ({
        %run_scoped3A = tpu.sem_alloc : memref<!tpu.dma_semaphore, #tpu.memory_space<semaphore_mem>>
        %dma_start3A_33 = arith.constant 0 : i32
        %dma_start3A_34 = tpu.memref_slice %arg5[%arg1, %scan3A_26, %dma_start3A_33] : memref<16x79x128xi32, #tpu.memory_space<hbm>> -> memref<1x1x128xi32, #tpu.memory_space<hbm>>
        %dma_start3A_35 = tpu.memref_squeeze %dma_start3A_34 : memref<1x1x128xi32, #tpu.memory_space<hbm>> -> memref<128xi32, #tpu.memory_space<hbm>>
        %dma_start3A_36 = arith.constant 0 : i32
        %dma_start3A_37 = tpu.memref_slice %arg5[%arg1, %scan3A_26, %dma_start3A_36] : memref<16x79x128xi32, #tpu.memory_space<hbm>> -> memref<1x1x128xi32, #tpu.memory_space<hbm>>
        %dma_start3A_38 = tpu.memref_squeeze %dma_start3A_37 : memref<1x1x128xi32, #tpu.memory_space<hbm>> -> memref<128xi32, #tpu.memory_space<hbm>>
        tpu.enqueue_dma source(%dma_start3A_38 : memref<128xi32, #tpu.memory_space<hbm>>) target(%arg9 : memref<128xi32, #tpu.memory_space<vmem>>) target_semaphore(%run_scoped3A : memref<!tpu.dma_semaphore, #tpu.memory_space<semaphore_mem>>)
        %dma_wait3A_39 = arith.constant 0 : i32
        %dma_wait3A_40 = tpu.memref_slice %arg5[%arg1, %scan3A_26, %dma_wait3A_39] : memref<16x79x128xi32, #tpu.memory_space<hbm>> -> memref<1x1x128xi32, #tpu.memory_space<hbm>>
        %dma_wait3A_41 = tpu.memref_squeeze %dma_wait3A_40 : memref<1x1x128xi32, #tpu.memory_space<hbm>> -> memref<128xi32, #tpu.memory_space<hbm>>
        %dma_wait3A_42 = arith.constant 0 : i32
        %dma_wait3A_43 = tpu.memref_slice %arg5[%arg1, %scan3A_26, %dma_wait3A_42] : memref<16x79x128xi32, #tpu.memory_space<hbm>> -> memref<1x1x128xi32, #tpu.memory_space<hbm>>
        %dma_wait3A_44 = tpu.memref_squeeze %dma_wait3A_43 : memref<1x1x128xi32, #tpu.memory_space<hbm>> -> memref<128xi32, #tpu.memory_space<hbm>>
        tpu.wait_dma2 semaphore(%run_scoped3A : memref<!tpu.dma_semaphore, #tpu.memory_space<semaphore_mem>>) src(%dma_wait3A_44 : memref<128xi32, #tpu.memory_space<hbm>>) dst(%arg9 : memref<128xi32, #tpu.memory_space<vmem>>)
        tpu.yield
      }) : () -> ()
      "tpu.region"() ({
        %run_scoped3A = tpu.sem_alloc : memref<!tpu.dma_semaphore, #tpu.memory_space<semaphore_mem>>
        %dma_start3A_33 = arith.constant 0 : i32
        %dma_start3A_34 = tpu.memref_slice %arg6[%arg1, %scan3A_26, %dma_start3A_33] : memref<16x79x128xi32, #tpu.memory_space<hbm>> -> memref<1x1x128xi32, #tpu.memory_space<hbm>>
        %dma_start3A_35 = tpu.memref_squeeze %dma_start3A_34 : memref<1x1x128xi32, #tpu.memory_space<hbm>> -> memref<128xi32, #tpu.memory_space<hbm>>
        %dma_start3A_36 = arith.constant 0 : i32
        %dma_start3A_37 = tpu.memref_slice %arg6[%arg1, %scan3A_26, %dma_start3A_36] : memref<16x79x128xi32, #tpu.memory_space<hbm>> -> memref<1x1x128xi32, #tpu.memory_space<hbm>>
        %dma_start3A_38 = tpu.memref_squeeze %dma_start3A_37 : memref<1x1x128xi32, #tpu.memory_space<hbm>> -> memref<128xi32, #tpu.memory_space<hbm>>
        tpu.enqueue_dma source(%dma_start3A_38 : memref<128xi32, #tpu.memory_space<hbm>>) target(%arg10 : memref<128xi32, #tpu.memory_space<vmem>>) target_semaphore(%run_scoped3A : memref<!tpu.dma_semaphore, #tpu.memory_space<semaphore_mem>>)
        %dma_wait3A_39 = arith.constant 0 : i32
        %dma_wait3A_40 = tpu.memref_slice %arg6[%arg1, %scan3A_26, %dma_wait3A_39] : memref<16x79x128xi32, #tpu.memory_space<hbm>> -> memref<1x1x128xi32, #tpu.memory_space<hbm>>
        %dma_wait3A_41 = tpu.memref_squeeze %dma_wait3A_40 : memref<1x1x128xi32, #tpu.memory_space<hbm>> -> memref<128xi32, #tpu.memory_space<hbm>>
        %dma_wait3A_42 = arith.constant 0 : i32
        %dma_wait3A_43 = tpu.memref_slice %arg6[%arg1, %scan3A_26, %dma_wait3A_42] : memref<16x79x128xi32, #tpu.memory_space<hbm>> -> memref<1x1x128xi32, #tpu.memory_space<hbm>>
        %dma_wait3A_44 = tpu.memref_squeeze %dma_wait3A_43 : memref<1x1x128xi32, #tpu.memory_space<hbm>> -> memref<128xi32, #tpu.memory_space<hbm>>
        tpu.wait_dma2 semaphore(%run_scoped3A : memref<!tpu.dma_semaphore, #tpu.memory_space<semaphore_mem>>) src(%dma_wait3A_44 : memref<128xi32, #tpu.memory_space<hbm>>) dst(%arg10 : memref<128xi32, #tpu.memory_space<vmem>>)
        tpu.yield
      }) : () -> ()
      %dma_start3A = arith.constant 0 : i32
      %dma_start3A_28 = arith.constant 0 : i32
      %dma_start3A_29 = tpu.memref_slice %arg3[%dma_start3A, %dma_start3A_28] : memref<40000x128xf32, #tpu.memory_space<hbm>> -> memref<40000x128xf32, #tpu.memory_space<hbm>>
      tpu.enqueue_indirect_dma source(%dma_start3A_29 : memref<40000x128xf32, #tpu.memory_space<hbm>>) target(%arg11 : memref<128x128xf32, #tpu.memory_space<vmem>>) offsets(%arg8 : memref<128xi32, #tpu.memory_space<vmem>>) semaphore(%arg13 : memref<!tpu.dma_semaphore, #tpu.memory_space<semaphore_mem>>)
      %dma_wait3A = arith.constant 0 : i32
      %dma_wait3A_30 = arith.constant 0 : i32
      %dma_wait3A_31 = tpu.memref_slice %arg3[%dma_wait3A, %dma_wait3A_30] : memref<40000x128xf32, #tpu.memory_space<hbm>> -> memref<40000x128xf32, #tpu.memory_space<hbm>>
      tpu.wait_indirect_dma semaphore(%arg13 : memref<!tpu.dma_semaphore, #tpu.memory_space<semaphore_mem>>) src(%dma_wait3A_31 : memref<40000x128xf32, #tpu.memory_space<hbm>>) dst(%arg11 : memref<128x128xf32, #tpu.memory_space<vmem>>)
      "tpu.region"() ({
        %run_scoped3A = tpu.sem_alloc : memref<!tpu.dma_semaphore, #tpu.memory_space<semaphore_mem>>
        %dma_start3A_33 = arith.constant 0 : i32
        %dma_start3A_34 = arith.constant 0 : i32
        %dma_start3A_35 = tpu.memref_slice %arg12[%dma_start3A_33, %dma_start3A_34] : memref<10112x128xf32, #tpu.memory_space<vmem_shared>> -> memref<10112x128xf32, #tpu.memory_space<vmem_shared>>
        tpu.enqueue_indirect_dma source(%arg11 : memref<128x128xf32, #tpu.memory_space<vmem>>) target(%dma_start3A_35 : memref<10112x128xf32, #tpu.memory_space<vmem_shared>>) offsets(%arg9 : memref<128xi32, #tpu.memory_space<vmem>>) semaphore(%run_scoped3A : memref<!tpu.dma_semaphore, #tpu.memory_space<semaphore_mem>>) {add = true}
        %dma_wait3A_36 = arith.constant 0 : i32
        %dma_wait3A_37 = arith.constant 0 : i32
        %dma_wait3A_38 = tpu.memref_slice %arg12[%dma_wait3A_36, %dma_wait3A_37] : memref<10112x128xf32, #tpu.memory_space<vmem_shared>> -> memref<10112x128xf32, #tpu.memory_space<vmem_shared>>
        tpu.wait_indirect_dma semaphore(%run_scoped3A : memref<!tpu.dma_semaphore, #tpu.memory_space<semaphore_mem>>) src(%arg11 : memref<128x128xf32, #tpu.memory_space<vmem>>) dst(%dma_wait3A_38 : memref<10112x128xf32, #tpu.memory_space<vmem_shared>>)
        tpu.yield
      }) : () -> ()
      "tpu.region"() ({
        %run_scoped3A = tpu.sem_alloc : memref<!tpu.dma_semaphore, #tpu.memory_space<semaphore_mem>>
        %dma_start3A_33 = arith.constant 0 : i32
        %dma_start3A_34 = arith.constant 0 : i32
        %dma_start3A_35 = tpu.memref_slice %arg12[%dma_start3A_33, %dma_start3A_34] : memref<10112x128xf32, #tpu.memory_space<vmem_shared>> -> memref<10112x128xf32, #tpu.memory_space<vmem_shared>>
        tpu.enqueue_indirect_dma source(%arg11 : memref<128x128xf32, #tpu.memory_space<vmem>>) target(%dma_start3A_35 : memref<10112x128xf32, #tpu.memory_space<vmem_shared>>) offsets(%arg10 : memref<128xi32, #tpu.memory_space<vmem>>) semaphore(%run_scoped3A : memref<!tpu.dma_semaphore, #tpu.memory_space<semaphore_mem>>) {add = true}
        %dma_wait3A_36 = arith.constant 0 : i32
        %dma_wait3A_37 = arith.constant 0 : i32
        %dma_wait3A_38 = tpu.memref_slice %arg12[%dma_wait3A_36, %dma_wait3A_37] : memref<10112x128xf32, #tpu.memory_space<vmem_shared>> -> memref<10112x128xf32, #tpu.memory_space<vmem_shared>>
        tpu.wait_indirect_dma semaphore(%run_scoped3A : memref<!tpu.dma_semaphore, #tpu.memory_space<semaphore_mem>>) src(%arg11 : memref<128x128xf32, #tpu.memory_space<vmem>>) dst(%dma_wait3A_38 : memref<10112x128xf32, #tpu.memory_space<vmem_shared>>)
        tpu.yield
      }) : () -> ()
      %scan3A_32 = arith.constant 0 : i32
      scf.yield %scan3A_32 : i32
    }
    %scan3A_23 = arith.constant 79 : i32
    %barrier3A_24 = arith.constant 0 : index
    tpu.barrier barrier_id(%barrier3A_24)
    "tpu.region"() ({
      %run_scoped3A = tpu.sem_alloc : memref<!tpu.dma_semaphore, #tpu.memory_space<semaphore_mem>>
      %dma_start3A = arith.constant 0 : i32
      %dma_start3A_26 = tpu.memref_slice %arg7[%add3A_15, %mul3A_0, %dma_start3A] : memref<4x10112x128xf32, #tpu.memory_space<hbm>> -> memref<1x632x128xf32, #tpu.memory_space<hbm>>
      %dma_start3A_27 = tpu.memref_squeeze %dma_start3A_26 : memref<1x632x128xf32, #tpu.memory_space<hbm>> -> memref<632x128xf32, #tpu.memory_space<hbm>>
      %dma_start3A_28 = arith.constant 0 : i32
      %dma_start3A_29 = tpu.memref_slice %arg12[%mul3A_0, %dma_start3A_28] : memref<10112x128xf32, #tpu.memory_space<vmem_shared>> -> memref<632x128xf32, #tpu.memory_space<vmem_shared>>
      tpu.enqueue_dma source(%dma_start3A_29 : memref<632x128xf32, #tpu.memory_space<vmem_shared>>) target(%dma_start3A_27 : memref<632x128xf32, #tpu.memory_space<hbm>>) target_semaphore(%run_scoped3A : memref<!tpu.dma_semaphore, #tpu.memory_space<semaphore_mem>>)
      %dma_wait3A = arith.constant 0 : i32
      %dma_wait3A_30 = tpu.memref_slice %arg7[%add3A_15, %mul3A_0, %dma_wait3A] : memref<4x10112x128xf32, #tpu.memory_space<hbm>> -> memref<1x632x128xf32, #tpu.memory_space<hbm>>
      %dma_wait3A_31 = tpu.memref_squeeze %dma_wait3A_30 : memref<1x632x128xf32, #tpu.memory_space<hbm>> -> memref<632x128xf32, #tpu.memory_space<hbm>>
      %dma_wait3A_32 = arith.constant 0 : i32
      %dma_wait3A_33 = tpu.memref_slice %arg12[%mul3A_0, %dma_wait3A_32] : memref<10112x128xf32, #tpu.memory_space<vmem_shared>> -> memref<632x128xf32, #tpu.memory_space<vmem_shared>>
      tpu.wait_dma2 semaphore(%run_scoped3A : memref<!tpu.dma_semaphore, #tpu.memory_space<semaphore_mem>>) src(%dma_wait3A_33 : memref<632x128xf32, #tpu.memory_space<vmem_shared>>) dst(%dma_wait3A_31 : memref<632x128xf32, #tpu.memory_space<hbm>>)
      tpu.yield
    }) : () -> ()
    %barrier3A_25 = arith.constant 0 : index
    tpu.barrier barrier_id(%barrier3A_25)
    return
  }
}

#map = affine_map<(d0, d1) -> (0, 0, 0)>
#map1 = affine_map<(d0, d1) -> (0, 0)>
#map2 = affine_map<(d0, d1) -> (0, 0, 0, 0)>
module attributes {stable_mosaic.version = 14 : i64} {
  func.func @k(%arg0: i32, %arg1: i32, %arg2: memref<4x10112x128xf32, #tpu.memory_space<hbm>>, %arg3: memref<40000x128xf32, #tpu.memory_space<hbm>>, %arg4: memref<4x16x157x128xi32, #tpu.memory_space<hbm>>, %arg5: memref<16x157x128xi32, #tpu.memory_space<hbm>>, %arg6: memref<4x10112x128xf32, #tpu.memory_space<hbm>>, %arg7: memref<128xi32, #tpu.memory_space<vmem>>, %arg8: memref<128xi32, #tpu.memory_space<vmem>>, %arg9: memref<128x128xf32, #tpu.memory_space<vmem>>, %arg10: memref<10112x128xf32, #tpu.memory_space<vmem_shared>>, %arg11: memref<!tpu.dma_semaphore, #tpu.memory_space<semaphore_mem>>) attributes {dimension_semantics = [#tpu.dimension_semantics<core_parallel>, #tpu.dimension_semantics<subcore_parallel>], iteration_bounds = array<i64: 2, 16>, scalar_prefetch = 0 : i64, scratch_operands = 5 : i64, tpu.core_type = #tpu.core_type<sc_vector_subcore>, window_params = [{transform_indices = #map}, {transform_indices = #map1}, {transform_indices = #map2}, {transform_indices = #map}, {transform_indices = #map}]} {
    %mul3A = arith.constant 632 : i32
    %mul3A_0 = arith.muli %arg1, %mul3A : i32
    %mul3A_1 = arith.constant 2 : i32
    %mul3A_2 = arith.muli %arg0, %mul3A_1 : i32
    %add3A = arith.constant 0 : i32
    %add3A_3 = arith.addi %mul3A_2, %add3A : i32
    "tpu.region"() ({
      %run_scoped3A = tpu.sem_alloc : memref<!tpu.dma_semaphore, #tpu.memory_space<semaphore_mem>>
      %dma_start3A = arith.constant 0 : i32
      %dma_start3A_26 = tpu.memref_slice %arg10[%mul3A_0, %dma_start3A] : memref<10112x128xf32, #tpu.memory_space<vmem_shared>> -> memref<632x128xf32, #tpu.memory_space<vmem_shared>>
      %dma_start3A_27 = arith.constant 0 : i32
      %dma_start3A_28 = tpu.memref_slice %arg2[%add3A_3, %mul3A_0, %dma_start3A_27] : memref<4x10112x128xf32, #tpu.memory_space<hbm>> -> memref<1x632x128xf32, #tpu.memory_space<hbm>>
      %dma_start3A_29 = tpu.memref_squeeze %dma_start3A_28 : memref<1x632x128xf32, #tpu.memory_space<hbm>> -> memref<632x128xf32, #tpu.memory_space<hbm>>
      tpu.enqueue_dma source(%dma_start3A_29 : memref<632x128xf32, #tpu.memory_space<hbm>>) target(%dma_start3A_26 : memref<632x128xf32, #tpu.memory_space<vmem_shared>>) target_semaphore(%run_scoped3A : memref<!tpu.dma_semaphore, #tpu.memory_space<semaphore_mem>>)
      %dma_wait3A = arith.constant 0 : i32
      %dma_wait3A_30 = tpu.memref_slice %arg10[%mul3A_0, %dma_wait3A] : memref<10112x128xf32, #tpu.memory_space<vmem_shared>> -> memref<632x128xf32, #tpu.memory_space<vmem_shared>>
      %dma_wait3A_31 = arith.constant 0 : i32
      %dma_wait3A_32 = tpu.memref_slice %arg2[%add3A_3, %mul3A_0, %dma_wait3A_31] : memref<4x10112x128xf32, #tpu.memory_space<hbm>> -> memref<1x632x128xf32, #tpu.memory_space<hbm>>
      %dma_wait3A_33 = tpu.memref_squeeze %dma_wait3A_32 : memref<1x632x128xf32, #tpu.memory_space<hbm>> -> memref<632x128xf32, #tpu.memory_space<hbm>>
      tpu.wait_dma2 semaphore(%run_scoped3A : memref<!tpu.dma_semaphore, #tpu.memory_space<semaphore_mem>>) src(%dma_wait3A_33 : memref<632x128xf32, #tpu.memory_space<hbm>>) dst(%dma_wait3A_30 : memref<632x128xf32, #tpu.memory_space<vmem_shared>>)
      tpu.yield
    }) : () -> ()
    %barrier3A = arith.constant 0 : index
    tpu.barrier barrier_id(%barrier3A)
    %scan3A = arith.constant 0 : i32
    %scan3A_4 = arith.constant 0 : i32
    %scan3A_5 = arith.constant 157 : i32
    %scan3A_6 = arith.addi %scan3A_4, %scan3A_5 : i32
    %scan3A_7 = arith.constant 1 : i32
    %scan3A_8 = scf.for %scan3A_26 = %scan3A_4 to %scan3A_6 step %scan3A_7 iter_args(%scan3A_27 = %scan3A) -> (i32)  : i32 {
      "tpu.region"() ({
        %run_scoped3A = tpu.sem_alloc : memref<!tpu.dma_semaphore, #tpu.memory_space<semaphore_mem>>
        %dma_start3A_33 = arith.constant 0 : i32
        %dma_start3A_34 = tpu.memref_slice %arg4[%add3A_3, %arg1, %scan3A_26, %dma_start3A_33] : memref<4x16x157x128xi32, #tpu.memory_space<hbm>> -> memref<1x1x1x128xi32, #tpu.memory_space<hbm>>
        %dma_start3A_35 = tpu.memref_squeeze %dma_start3A_34 : memref<1x1x1x128xi32, #tpu.memory_space<hbm>> -> memref<128xi32, #tpu.memory_space<hbm>>
        %dma_start3A_36 = arith.constant 0 : i32
        %dma_start3A_37 = tpu.memref_slice %arg4[%add3A_3, %arg1, %scan3A_26, %dma_start3A_36] : memref<4x16x157x128xi32, #tpu.memory_space<hbm>> -> memref<1x1x1x128xi32, #tpu.memory_space<hbm>>
        %dma_start3A_38 = tpu.memref_squeeze %dma_start3A_37 : memref<1x1x1x128xi32, #tpu.memory_space<hbm>> -> memref<128xi32, #tpu.memory_space<hbm>>
        tpu.enqueue_dma source(%dma_start3A_38 : memref<128xi32, #tpu.memory_space<hbm>>) target(%arg7 : memref<128xi32, #tpu.memory_space<vmem>>) target_semaphore(%run_scoped3A : memref<!tpu.dma_semaphore, #tpu.memory_space<semaphore_mem>>)
        %dma_wait3A_39 = arith.constant 0 : i32
        %dma_wait3A_40 = tpu.memref_slice %arg4[%add3A_3, %arg1, %scan3A_26, %dma_wait3A_39] : memref<4x16x157x128xi32, #tpu.memory_space<hbm>> -> memref<1x1x1x128xi32, #tpu.memory_space<hbm>>
        %dma_wait3A_41 = tpu.memref_squeeze %dma_wait3A_40 : memref<1x1x1x128xi32, #tpu.memory_space<hbm>> -> memref<128xi32, #tpu.memory_space<hbm>>
        %dma_wait3A_42 = arith.constant 0 : i32
        %dma_wait3A_43 = tpu.memref_slice %arg4[%add3A_3, %arg1, %scan3A_26, %dma_wait3A_42] : memref<4x16x157x128xi32, #tpu.memory_space<hbm>> -> memref<1x1x1x128xi32, #tpu.memory_space<hbm>>
        %dma_wait3A_44 = tpu.memref_squeeze %dma_wait3A_43 : memref<1x1x1x128xi32, #tpu.memory_space<hbm>> -> memref<128xi32, #tpu.memory_space<hbm>>
        tpu.wait_dma2 semaphore(%run_scoped3A : memref<!tpu.dma_semaphore, #tpu.memory_space<semaphore_mem>>) src(%dma_wait3A_44 : memref<128xi32, #tpu.memory_space<hbm>>) dst(%arg7 : memref<128xi32, #tpu.memory_space<vmem>>)
        tpu.yield
      }) : () -> ()
      "tpu.region"() ({
        %run_scoped3A = tpu.sem_alloc : memref<!tpu.dma_semaphore, #tpu.memory_space<semaphore_mem>>
        %dma_start3A_33 = arith.constant 0 : i32
        %dma_start3A_34 = tpu.memref_slice %arg5[%arg1, %scan3A_26, %dma_start3A_33] : memref<16x157x128xi32, #tpu.memory_space<hbm>> -> memref<1x1x128xi32, #tpu.memory_space<hbm>>
        %dma_start3A_35 = tpu.memref_squeeze %dma_start3A_34 : memref<1x1x128xi32, #tpu.memory_space<hbm>> -> memref<128xi32, #tpu.memory_space<hbm>>
        %dma_start3A_36 = arith.constant 0 : i32
        %dma_start3A_37 = tpu.memref_slice %arg5[%arg1, %scan3A_26, %dma_start3A_36] : memref<16x157x128xi32, #tpu.memory_space<hbm>> -> memref<1x1x128xi32, #tpu.memory_space<hbm>>
        %dma_start3A_38 = tpu.memref_squeeze %dma_start3A_37 : memref<1x1x128xi32, #tpu.memory_space<hbm>> -> memref<128xi32, #tpu.memory_space<hbm>>
        tpu.enqueue_dma source(%dma_start3A_38 : memref<128xi32, #tpu.memory_space<hbm>>) target(%arg8 : memref<128xi32, #tpu.memory_space<vmem>>) target_semaphore(%run_scoped3A : memref<!tpu.dma_semaphore, #tpu.memory_space<semaphore_mem>>)
        %dma_wait3A_39 = arith.constant 0 : i32
        %dma_wait3A_40 = tpu.memref_slice %arg5[%arg1, %scan3A_26, %dma_wait3A_39] : memref<16x157x128xi32, #tpu.memory_space<hbm>> -> memref<1x1x128xi32, #tpu.memory_space<hbm>>
        %dma_wait3A_41 = tpu.memref_squeeze %dma_wait3A_40 : memref<1x1x128xi32, #tpu.memory_space<hbm>> -> memref<128xi32, #tpu.memory_space<hbm>>
        %dma_wait3A_42 = arith.constant 0 : i32
        %dma_wait3A_43 = tpu.memref_slice %arg5[%arg1, %scan3A_26, %dma_wait3A_42] : memref<16x157x128xi32, #tpu.memory_space<hbm>> -> memref<1x1x128xi32, #tpu.memory_space<hbm>>
        %dma_wait3A_44 = tpu.memref_squeeze %dma_wait3A_43 : memref<1x1x128xi32, #tpu.memory_space<hbm>> -> memref<128xi32, #tpu.memory_space<hbm>>
        tpu.wait_dma2 semaphore(%run_scoped3A : memref<!tpu.dma_semaphore, #tpu.memory_space<semaphore_mem>>) src(%dma_wait3A_44 : memref<128xi32, #tpu.memory_space<hbm>>) dst(%arg8 : memref<128xi32, #tpu.memory_space<vmem>>)
        tpu.yield
      }) : () -> ()
      %dma_start3A = arith.constant 0 : i32
      %dma_start3A_28 = arith.constant 0 : i32
      %dma_start3A_29 = tpu.memref_slice %arg3[%dma_start3A, %dma_start3A_28] : memref<40000x128xf32, #tpu.memory_space<hbm>> -> memref<40000x128xf32, #tpu.memory_space<hbm>>
      tpu.enqueue_indirect_dma source(%dma_start3A_29 : memref<40000x128xf32, #tpu.memory_space<hbm>>) target(%arg9 : memref<128x128xf32, #tpu.memory_space<vmem>>) offsets(%arg7 : memref<128xi32, #tpu.memory_space<vmem>>) semaphore(%arg11 : memref<!tpu.dma_semaphore, #tpu.memory_space<semaphore_mem>>)
      %dma_wait3A = arith.constant 0 : i32
      %dma_wait3A_30 = arith.constant 0 : i32
      %dma_wait3A_31 = tpu.memref_slice %arg3[%dma_wait3A, %dma_wait3A_30] : memref<40000x128xf32, #tpu.memory_space<hbm>> -> memref<40000x128xf32, #tpu.memory_space<hbm>>
      tpu.wait_indirect_dma semaphore(%arg11 : memref<!tpu.dma_semaphore, #tpu.memory_space<semaphore_mem>>) src(%dma_wait3A_31 : memref<40000x128xf32, #tpu.memory_space<hbm>>) dst(%arg9 : memref<128x128xf32, #tpu.memory_space<vmem>>)
      "tpu.region"() ({
        %run_scoped3A = tpu.sem_alloc : memref<!tpu.dma_semaphore, #tpu.memory_space<semaphore_mem>>
        %dma_start3A_33 = arith.constant 0 : i32
        %dma_start3A_34 = arith.constant 0 : i32
        %dma_start3A_35 = tpu.memref_slice %arg10[%dma_start3A_33, %dma_start3A_34] : memref<10112x128xf32, #tpu.memory_space<vmem_shared>> -> memref<10112x128xf32, #tpu.memory_space<vmem_shared>>
        tpu.enqueue_indirect_dma source(%arg9 : memref<128x128xf32, #tpu.memory_space<vmem>>) target(%dma_start3A_35 : memref<10112x128xf32, #tpu.memory_space<vmem_shared>>) offsets(%arg8 : memref<128xi32, #tpu.memory_space<vmem>>) semaphore(%run_scoped3A : memref<!tpu.dma_semaphore, #tpu.memory_space<semaphore_mem>>) {add = true}
        %dma_wait3A_36 = arith.constant 0 : i32
        %dma_wait3A_37 = arith.constant 0 : i32
        %dma_wait3A_38 = tpu.memref_slice %arg10[%dma_wait3A_36, %dma_wait3A_37] : memref<10112x128xf32, #tpu.memory_space<vmem_shared>> -> memref<10112x128xf32, #tpu.memory_space<vmem_shared>>
        tpu.wait_indirect_dma semaphore(%run_scoped3A : memref<!tpu.dma_semaphore, #tpu.memory_space<semaphore_mem>>) src(%arg9 : memref<128x128xf32, #tpu.memory_space<vmem>>) dst(%dma_wait3A_38 : memref<10112x128xf32, #tpu.memory_space<vmem_shared>>)
        tpu.yield
      }) : () -> ()
      %scan3A_32 = arith.constant 0 : i32
      scf.yield %scan3A_32 : i32
    }
    %scan3A_9 = arith.constant 157 : i32
    %barrier3A_10 = arith.constant 0 : index
    tpu.barrier barrier_id(%barrier3A_10)
    "tpu.region"() ({
      %run_scoped3A = tpu.sem_alloc : memref<!tpu.dma_semaphore, #tpu.memory_space<semaphore_mem>>
      %dma_start3A = arith.constant 0 : i32
      %dma_start3A_26 = tpu.memref_slice %arg6[%add3A_3, %mul3A_0, %dma_start3A] : memref<4x10112x128xf32, #tpu.memory_space<hbm>> -> memref<1x632x128xf32, #tpu.memory_space<hbm>>
      %dma_start3A_27 = tpu.memref_squeeze %dma_start3A_26 : memref<1x632x128xf32, #tpu.memory_space<hbm>> -> memref<632x128xf32, #tpu.memory_space<hbm>>
      %dma_start3A_28 = arith.constant 0 : i32
      %dma_start3A_29 = tpu.memref_slice %arg10[%mul3A_0, %dma_start3A_28] : memref<10112x128xf32, #tpu.memory_space<vmem_shared>> -> memref<632x128xf32, #tpu.memory_space<vmem_shared>>
      tpu.enqueue_dma source(%dma_start3A_29 : memref<632x128xf32, #tpu.memory_space<vmem_shared>>) target(%dma_start3A_27 : memref<632x128xf32, #tpu.memory_space<hbm>>) target_semaphore(%run_scoped3A : memref<!tpu.dma_semaphore, #tpu.memory_space<semaphore_mem>>)
      %dma_wait3A = arith.constant 0 : i32
      %dma_wait3A_30 = tpu.memref_slice %arg6[%add3A_3, %mul3A_0, %dma_wait3A] : memref<4x10112x128xf32, #tpu.memory_space<hbm>> -> memref<1x632x128xf32, #tpu.memory_space<hbm>>
      %dma_wait3A_31 = tpu.memref_squeeze %dma_wait3A_30 : memref<1x632x128xf32, #tpu.memory_space<hbm>> -> memref<632x128xf32, #tpu.memory_space<hbm>>
      %dma_wait3A_32 = arith.constant 0 : i32
      %dma_wait3A_33 = tpu.memref_slice %arg10[%mul3A_0, %dma_wait3A_32] : memref<10112x128xf32, #tpu.memory_space<vmem_shared>> -> memref<632x128xf32, #tpu.memory_space<vmem_shared>>
      tpu.wait_dma2 semaphore(%run_scoped3A : memref<!tpu.dma_semaphore, #tpu.memory_space<semaphore_mem>>) src(%dma_wait3A_33 : memref<632x128xf32, #tpu.memory_space<vmem_shared>>) dst(%dma_wait3A_31 : memref<632x128xf32, #tpu.memory_space<hbm>>)
      tpu.yield
    }) : () -> ()
    %barrier3A_11 = arith.constant 0 : index
    tpu.barrier barrier_id(%barrier3A_11)
    %mul3A_12 = arith.constant 2 : i32
    %mul3A_13 = arith.muli %arg0, %mul3A_12 : i32
    %add3A_14 = arith.constant 1 : i32
    %add3A_15 = arith.addi %mul3A_13, %add3A_14 : i32
    "tpu.region"() ({
      %run_scoped3A = tpu.sem_alloc : memref<!tpu.dma_semaphore, #tpu.memory_space<semaphore_mem>>
      %dma_start3A = arith.constant 0 : i32
      %dma_start3A_26 = tpu.memref_slice %arg10[%mul3A_0, %dma_start3A] : memref<10112x128xf32, #tpu.memory_space<vmem_shared>> -> memref<632x128xf32, #tpu.memory_space<vmem_shared>>
      %dma_start3A_27 = arith.constant 0 : i32
      %dma_start3A_28 = tpu.memref_slice %arg2[%add3A_15, %mul3A_0, %dma_start3A_27] : memref<4x10112x128xf32, #tpu.memory_space<hbm>> -> memref<1x632x128xf32, #tpu.memory_space<hbm>>
      %dma_start3A_29 = tpu.memref_squeeze %dma_start3A_28 : memref<1x632x128xf32, #tpu.memory_space<hbm>> -> memref<632x128xf32, #tpu.memory_space<hbm>>
      tpu.enqueue_dma source(%dma_start3A_29 : memref<632x128xf32, #tpu.memory_space<hbm>>) target(%dma_start3A_26 : memref<632x128xf32, #tpu.memory_space<vmem_shared>>) target_semaphore(%run_scoped3A : memref<!tpu.dma_semaphore, #tpu.memory_space<semaphore_mem>>)
      %dma_wait3A = arith.constant 0 : i32
      %dma_wait3A_30 = tpu.memref_slice %arg10[%mul3A_0, %dma_wait3A] : memref<10112x128xf32, #tpu.memory_space<vmem_shared>> -> memref<632x128xf32, #tpu.memory_space<vmem_shared>>
      %dma_wait3A_31 = arith.constant 0 : i32
      %dma_wait3A_32 = tpu.memref_slice %arg2[%add3A_15, %mul3A_0, %dma_wait3A_31] : memref<4x10112x128xf32, #tpu.memory_space<hbm>> -> memref<1x632x128xf32, #tpu.memory_space<hbm>>
      %dma_wait3A_33 = tpu.memref_squeeze %dma_wait3A_32 : memref<1x632x128xf32, #tpu.memory_space<hbm>> -> memref<632x128xf32, #tpu.memory_space<hbm>>
      tpu.wait_dma2 semaphore(%run_scoped3A : memref<!tpu.dma_semaphore, #tpu.memory_space<semaphore_mem>>) src(%dma_wait3A_33 : memref<632x128xf32, #tpu.memory_space<hbm>>) dst(%dma_wait3A_30 : memref<632x128xf32, #tpu.memory_space<vmem_shared>>)
      tpu.yield
    }) : () -> ()
    %barrier3A_16 = arith.constant 0 : index
    tpu.barrier barrier_id(%barrier3A_16)
    %scan3A_17 = arith.constant 0 : i32
    %scan3A_18 = arith.constant 0 : i32
    %scan3A_19 = arith.constant 157 : i32
    %scan3A_20 = arith.addi %scan3A_18, %scan3A_19 : i32
    %scan3A_21 = arith.constant 1 : i32
    %scan3A_22 = scf.for %scan3A_26 = %scan3A_18 to %scan3A_20 step %scan3A_21 iter_args(%scan3A_27 = %scan3A_17) -> (i32)  : i32 {
      "tpu.region"() ({
        %run_scoped3A = tpu.sem_alloc : memref<!tpu.dma_semaphore, #tpu.memory_space<semaphore_mem>>
        %dma_start3A_33 = arith.constant 0 : i32
        %dma_start3A_34 = tpu.memref_slice %arg4[%add3A_15, %arg1, %scan3A_26, %dma_start3A_33] : memref<4x16x157x128xi32, #tpu.memory_space<hbm>> -> memref<1x1x1x128xi32, #tpu.memory_space<hbm>>
        %dma_start3A_35 = tpu.memref_squeeze %dma_start3A_34 : memref<1x1x1x128xi32, #tpu.memory_space<hbm>> -> memref<128xi32, #tpu.memory_space<hbm>>
        %dma_start3A_36 = arith.constant 0 : i32
        %dma_start3A_37 = tpu.memref_slice %arg4[%add3A_15, %arg1, %scan3A_26, %dma_start3A_36] : memref<4x16x157x128xi32, #tpu.memory_space<hbm>> -> memref<1x1x1x128xi32, #tpu.memory_space<hbm>>
        %dma_start3A_38 = tpu.memref_squeeze %dma_start3A_37 : memref<1x1x1x128xi32, #tpu.memory_space<hbm>> -> memref<128xi32, #tpu.memory_space<hbm>>
        tpu.enqueue_dma source(%dma_start3A_38 : memref<128xi32, #tpu.memory_space<hbm>>) target(%arg7 : memref<128xi32, #tpu.memory_space<vmem>>) target_semaphore(%run_scoped3A : memref<!tpu.dma_semaphore, #tpu.memory_space<semaphore_mem>>)
        %dma_wait3A_39 = arith.constant 0 : i32
        %dma_wait3A_40 = tpu.memref_slice %arg4[%add3A_15, %arg1, %scan3A_26, %dma_wait3A_39] : memref<4x16x157x128xi32, #tpu.memory_space<hbm>> -> memref<1x1x1x128xi32, #tpu.memory_space<hbm>>
        %dma_wait3A_41 = tpu.memref_squeeze %dma_wait3A_40 : memref<1x1x1x128xi32, #tpu.memory_space<hbm>> -> memref<128xi32, #tpu.memory_space<hbm>>
        %dma_wait3A_42 = arith.constant 0 : i32
        %dma_wait3A_43 = tpu.memref_slice %arg4[%add3A_15, %arg1, %scan3A_26, %dma_wait3A_42] : memref<4x16x157x128xi32, #tpu.memory_space<hbm>> -> memref<1x1x1x128xi32, #tpu.memory_space<hbm>>
        %dma_wait3A_44 = tpu.memref_squeeze %dma_wait3A_43 : memref<1x1x1x128xi32, #tpu.memory_space<hbm>> -> memref<128xi32, #tpu.memory_space<hbm>>
        tpu.wait_dma2 semaphore(%run_scoped3A : memref<!tpu.dma_semaphore, #tpu.memory_space<semaphore_mem>>) src(%dma_wait3A_44 : memref<128xi32, #tpu.memory_space<hbm>>) dst(%arg7 : memref<128xi32, #tpu.memory_space<vmem>>)
        tpu.yield
      }) : () -> ()
      "tpu.region"() ({
        %run_scoped3A = tpu.sem_alloc : memref<!tpu.dma_semaphore, #tpu.memory_space<semaphore_mem>>
        %dma_start3A_33 = arith.constant 0 : i32
        %dma_start3A_34 = tpu.memref_slice %arg5[%arg1, %scan3A_26, %dma_start3A_33] : memref<16x157x128xi32, #tpu.memory_space<hbm>> -> memref<1x1x128xi32, #tpu.memory_space<hbm>>
        %dma_start3A_35 = tpu.memref_squeeze %dma_start3A_34 : memref<1x1x128xi32, #tpu.memory_space<hbm>> -> memref<128xi32, #tpu.memory_space<hbm>>
        %dma_start3A_36 = arith.constant 0 : i32
        %dma_start3A_37 = tpu.memref_slice %arg5[%arg1, %scan3A_26, %dma_start3A_36] : memref<16x157x128xi32, #tpu.memory_space<hbm>> -> memref<1x1x128xi32, #tpu.memory_space<hbm>>
        %dma_start3A_38 = tpu.memref_squeeze %dma_start3A_37 : memref<1x1x128xi32, #tpu.memory_space<hbm>> -> memref<128xi32, #tpu.memory_space<hbm>>
        tpu.enqueue_dma source(%dma_start3A_38 : memref<128xi32, #tpu.memory_space<hbm>>) target(%arg8 : memref<128xi32, #tpu.memory_space<vmem>>) target_semaphore(%run_scoped3A : memref<!tpu.dma_semaphore, #tpu.memory_space<semaphore_mem>>)
        %dma_wait3A_39 = arith.constant 0 : i32
        %dma_wait3A_40 = tpu.memref_slice %arg5[%arg1, %scan3A_26, %dma_wait3A_39] : memref<16x157x128xi32, #tpu.memory_space<hbm>> -> memref<1x1x128xi32, #tpu.memory_space<hbm>>
        %dma_wait3A_41 = tpu.memref_squeeze %dma_wait3A_40 : memref<1x1x128xi32, #tpu.memory_space<hbm>> -> memref<128xi32, #tpu.memory_space<hbm>>
        %dma_wait3A_42 = arith.constant 0 : i32
        %dma_wait3A_43 = tpu.memref_slice %arg5[%arg1, %scan3A_26, %dma_wait3A_42] : memref<16x157x128xi32, #tpu.memory_space<hbm>> -> memref<1x1x128xi32, #tpu.memory_space<hbm>>
        %dma_wait3A_44 = tpu.memref_squeeze %dma_wait3A_43 : memref<1x1x128xi32, #tpu.memory_space<hbm>> -> memref<128xi32, #tpu.memory_space<hbm>>
        tpu.wait_dma2 semaphore(%run_scoped3A : memref<!tpu.dma_semaphore, #tpu.memory_space<semaphore_mem>>) src(%dma_wait3A_44 : memref<128xi32, #tpu.memory_space<hbm>>) dst(%arg8 : memref<128xi32, #tpu.memory_space<vmem>>)
        tpu.yield
      }) : () -> ()
      %dma_start3A = arith.constant 0 : i32
      %dma_start3A_28 = arith.constant 0 : i32
      %dma_start3A_29 = tpu.memref_slice %arg3[%dma_start3A, %dma_start3A_28] : memref<40000x128xf32, #tpu.memory_space<hbm>> -> memref<40000x128xf32, #tpu.memory_space<hbm>>
      tpu.enqueue_indirect_dma source(%dma_start3A_29 : memref<40000x128xf32, #tpu.memory_space<hbm>>) target(%arg9 : memref<128x128xf32, #tpu.memory_space<vmem>>) offsets(%arg7 : memref<128xi32, #tpu.memory_space<vmem>>) semaphore(%arg11 : memref<!tpu.dma_semaphore, #tpu.memory_space<semaphore_mem>>)
      %dma_wait3A = arith.constant 0 : i32
      %dma_wait3A_30 = arith.constant 0 : i32
      %dma_wait3A_31 = tpu.memref_slice %arg3[%dma_wait3A, %dma_wait3A_30] : memref<40000x128xf32, #tpu.memory_space<hbm>> -> memref<40000x128xf32, #tpu.memory_space<hbm>>
      tpu.wait_indirect_dma semaphore(%arg11 : memref<!tpu.dma_semaphore, #tpu.memory_space<semaphore_mem>>) src(%dma_wait3A_31 : memref<40000x128xf32, #tpu.memory_space<hbm>>) dst(%arg9 : memref<128x128xf32, #tpu.memory_space<vmem>>)
      "tpu.region"() ({
        %run_scoped3A = tpu.sem_alloc : memref<!tpu.dma_semaphore, #tpu.memory_space<semaphore_mem>>
        %dma_start3A_33 = arith.constant 0 : i32
        %dma_start3A_34 = arith.constant 0 : i32
        %dma_start3A_35 = tpu.memref_slice %arg10[%dma_start3A_33, %dma_start3A_34] : memref<10112x128xf32, #tpu.memory_space<vmem_shared>> -> memref<10112x128xf32, #tpu.memory_space<vmem_shared>>
        tpu.enqueue_indirect_dma source(%arg9 : memref<128x128xf32, #tpu.memory_space<vmem>>) target(%dma_start3A_35 : memref<10112x128xf32, #tpu.memory_space<vmem_shared>>) offsets(%arg8 : memref<128xi32, #tpu.memory_space<vmem>>) semaphore(%run_scoped3A : memref<!tpu.dma_semaphore, #tpu.memory_space<semaphore_mem>>) {add = true}
        %dma_wait3A_36 = arith.constant 0 : i32
        %dma_wait3A_37 = arith.constant 0 : i32
        %dma_wait3A_38 = tpu.memref_slice %arg10[%dma_wait3A_36, %dma_wait3A_37] : memref<10112x128xf32, #tpu.memory_space<vmem_shared>> -> memref<10112x128xf32, #tpu.memory_space<vmem_shared>>
        tpu.wait_indirect_dma semaphore(%run_scoped3A : memref<!tpu.dma_semaphore, #tpu.memory_space<semaphore_mem>>) src(%arg9 : memref<128x128xf32, #tpu.memory_space<vmem>>) dst(%dma_wait3A_38 : memref<10112x128xf32, #tpu.memory_space<vmem_shared>>)
        tpu.yield
      }) : () -> ()
      %scan3A_32 = arith.constant 0 : i32
      scf.yield %scan3A_32 : i32
    }
    %scan3A_23 = arith.constant 157 : i32
    %barrier3A_24 = arith.constant 0 : index
    tpu.barrier barrier_id(%barrier3A_24)
    "tpu.region"() ({
      %run_scoped3A = tpu.sem_alloc : memref<!tpu.dma_semaphore, #tpu.memory_space<semaphore_mem>>
      %dma_start3A = arith.constant 0 : i32
      %dma_start3A_26 = tpu.memref_slice %arg6[%add3A_15, %mul3A_0, %dma_start3A] : memref<4x10112x128xf32, #tpu.memory_space<hbm>> -> memref<1x632x128xf32, #tpu.memory_space<hbm>>
      %dma_start3A_27 = tpu.memref_squeeze %dma_start3A_26 : memref<1x632x128xf32, #tpu.memory_space<hbm>> -> memref<632x128xf32, #tpu.memory_space<hbm>>
      %dma_start3A_28 = arith.constant 0 : i32
      %dma_start3A_29 = tpu.memref_slice %arg10[%mul3A_0, %dma_start3A_28] : memref<10112x128xf32, #tpu.memory_space<vmem_shared>> -> memref<632x128xf32, #tpu.memory_space<vmem_shared>>
      tpu.enqueue_dma source(%dma_start3A_29 : memref<632x128xf32, #tpu.memory_space<vmem_shared>>) target(%dma_start3A_27 : memref<632x128xf32, #tpu.memory_space<hbm>>) target_semaphore(%run_scoped3A : memref<!tpu.dma_semaphore, #tpu.memory_space<semaphore_mem>>)
      %dma_wait3A = arith.constant 0 : i32
      %dma_wait3A_30 = tpu.memref_slice %arg6[%add3A_15, %mul3A_0, %dma_wait3A] : memref<4x10112x128xf32, #tpu.memory_space<hbm>> -> memref<1x632x128xf32, #tpu.memory_space<hbm>>
      %dma_wait3A_31 = tpu.memref_squeeze %dma_wait3A_30 : memref<1x632x128xf32, #tpu.memory_space<hbm>> -> memref<632x128xf32, #tpu.memory_space<hbm>>
      %dma_wait3A_32 = arith.constant 0 : i32
      %dma_wait3A_33 = tpu.memref_slice %arg10[%mul3A_0, %dma_wait3A_32] : memref<10112x128xf32, #tpu.memory_space<vmem_shared>> -> memref<632x128xf32, #tpu.memory_space<vmem_shared>>
      tpu.wait_dma2 semaphore(%run_scoped3A : memref<!tpu.dma_semaphore, #tpu.memory_space<semaphore_mem>>) src(%dma_wait3A_33 : memref<632x128xf32, #tpu.memory_space<vmem_shared>>) dst(%dma_wait3A_31 : memref<632x128xf32, #tpu.memory_space<hbm>>)
      tpu.yield
    }) : () -> ()
    %barrier3A_25 = arith.constant 0 : index
    tpu.barrier barrier_id(%barrier3A_25)
    return
  }
}

module attributes {stable_mosaic.version = 14 : i64} {
  func.func @kern(%arg0: i32, %arg1: memref<400x256xf32, #tpu.memory_space<vmem>>, %arg2: memref<256x512xf32, #tpu.memory_space<vmem>>, %arg3: memref<1x512xf32, #tpu.memory_space<vmem>>, %arg4: memref<400x512xf32, #tpu.memory_space<vmem>>) attributes {dimension_semantics = [#tpu.dimension_semantics<arbitrary>], iteration_bounds = array<i64: 25>, scalar_prefetch = 0 : i64, scratch_operands = 0 : i64, tpu.core_type = #tpu.core_type<tc>, window_params = [{transform_indices = @transform_0, window_bounds = array<i64: 400, 256>}, {pipeline_mode = #tpu.pipeline_mode<synchronous>, transform_indices = @transform_1, window_bounds = array<i64: 256, 512>}, {pipeline_mode = #tpu.pipeline_mode<synchronous>, transform_indices = @transform_2, window_bounds = array<i64: 1, 512>}, {transform_indices = @transform_3, window_bounds = array<i64: 400, 512>}]} {
    %get3A = arith.constant 0 : index
    %get3A_0 = arith.constant 0 : index
    %get3A_1 = vector.load %arg1[%get3A, %get3A_0] : memref<400x256xf32, #tpu.memory_space<vmem>>, vector<400x256xf32>
    %get3A_2 = arith.constant 0 : index
    %get3A_3 = arith.constant 0 : index
    %get3A_4 = vector.load %arg2[%get3A_2, %get3A_3] : memref<256x512xf32, #tpu.memory_space<vmem>>, vector<256x512xf32>
    %dot_general3A = arith.constant dense<0.000000e+00> : vector<400x512xf32>
    %dot_general3A_5 = tpu.matmul %get3A_1, %get3A_4, %dot_general3A {dimension_numbers = #tpu.dot_dimension_numbers<[1], [0], [0], [1], [0, 0, 1, 1], [], []>, transpose_lhs_hint = false} : vector<400x256xf32>, vector<256x512xf32>, vector<400x512xf32> -> vector<400x512xf32>
    %get3A_6 = arith.constant 0 : index
    %get3A_7 = arith.constant 0 : index
    %get3A_8 = vector.load %arg3[%get3A_6, %get3A_7] : memref<1x512xf32, #tpu.memory_space<vmem>>, vector<1x512xf32>
    %add3A = vector.broadcast %get3A_8 : vector<1x512xf32> to vector<400x512xf32>
    %add3A_9 = arith.addf %dot_general3A_5, %add3A : vector<400x512xf32>
    %swap3A = arith.constant 0 : index
    %swap3A_10 = arith.constant 0 : index
    %swap3A_11 = vector.load %arg4[%swap3A, %swap3A_10] : memref<400x512xf32, #tpu.memory_space<vmem>>, vector<400x512xf32>
    tpu.vector_store %arg4[%swap3A, %swap3A_10], %add3A_9 {strides = array<i32>} : memref<400x512xf32, #tpu.memory_space<vmem>>, vector<400x512xf32>,
    return
  }
  func.func @transform_0(%arg0: i32) -> (i32, i32) {
    %c0_i32 = arith.constant 0 : i32
    %c0_i32_0 = arith.constant 0 : i32
    return %arg0, %c0_i32 : i32, i32
  }
  func.func @transform_1(%arg0: i32) -> (i32, i32) {
    %c0_i32 = arith.constant 0 : i32
    %c0_i32_0 = arith.constant 0 : i32
    %c0_i32_1 = arith.constant 0 : i32
    return %c0_i32, %c0_i32_0 : i32, i32
  }
  func.func @transform_2(%arg0: i32) -> (i32, i32) {
    %c0_i32 = arith.constant 0 : i32
    %c0_i32_0 = arith.constant 0 : i32
    %c0_i32_1 = arith.constant 0 : i32
    return %c0_i32, %c0_i32_0 : i32, i32
  }
  func.func @transform_3(%arg0: i32) -> (i32, i32) {
    %c0_i32 = arith.constant 0 : i32
    %c0_i32_0 = arith.constant 0 : i32
    return %arg0, %c0_i32 : i32, i32
  }
}

module attributes {stable_mosaic.version = 14 : i64} {
  func.func @kern(%arg0: i32, %arg1: memref<400x512xf32, #tpu.memory_space<vmem>>, %arg2: memref<4x400x128xf32, #tpu.memory_space<vmem>>, %arg3: memref<512x512xf32, #tpu.memory_space<vmem>>, %arg4: memref<4x128x512xf32, #tpu.memory_space<vmem>>, %arg5: memref<1x512xf32, #tpu.memory_space<vmem>>, %arg6: memref<400x512xf32, #tpu.memory_space<vmem>>) attributes {dimension_semantics = [#tpu.dimension_semantics<arbitrary>], iteration_bounds = array<i64: 25>, scalar_prefetch = 0 : i64, scratch_operands = 0 : i64, tpu.core_type = #tpu.core_type<tc>, window_params = [{transform_indices = @transform_0, window_bounds = array<i64: 400, 512>}, {transform_indices = @transform_1, window_bounds = array<i64: 4, 400, 128>}, {pipeline_mode = #tpu.pipeline_mode<synchronous>, transform_indices = @transform_2, window_bounds = array<i64: 512, 512>}, {pipeline_mode = #tpu.pipeline_mode<synchronous>, transform_indices = @transform_3, window_bounds = array<i64: 4, 128, 512>}, {pipeline_mode = #tpu.pipeline_mode<synchronous>, transform_indices = @transform_4, window_bounds = array<i64: 1, 512>}, {transform_indices = @transform_5, window_bounds = array<i64: 400, 512>}]} {
    %get3A = arith.constant 0 : index
    %get3A_0 = arith.constant 0 : index
    %get3A_1 = vector.load %arg1[%get3A, %get3A_0] : memref<400x512xf32, #tpu.memory_space<vmem>>, vector<400x512xf32>
    %get3A_2 = arith.constant 0 : index
    %get3A_3 = arith.constant 0 : index
    %get3A_4 = vector.load %arg3[%get3A_2, %get3A_3] : memref<512x512xf32, #tpu.memory_space<vmem>>, vector<512x512xf32>
    %dot_general3A = arith.constant dense<0.000000e+00> : vector<400x512xf32>
    %dot_general3A_5 = tpu.matmul %get3A_1, %get3A_4, %dot_general3A {dimension_numbers = #tpu.dot_dimension_numbers<[1], [0], [0], [1], [0, 0, 1, 1], [], []>, transpose_lhs_hint = false} : vector<400x512xf32>, vector<512x512xf32>, vector<400x512xf32> -> vector<400x512xf32>
    %get3A_6 = arith.constant 0 : index
    %get3A_7 = arith.constant 0 : index
    %get3A_8 = arith.constant 0 : index
    %get3A_9 = vector.load %arg2[%get3A_6, %get3A_7, %get3A_8] : memref<4x400x128xf32, #tpu.memory_space<vmem>>, vector<1x400x128xf32>
    %get3A_10 = vector.shape_cast %get3A_9 : vector<1x400x128xf32> to vector<400x128xf32>
    %get3A_11 = arith.constant 0 : index
    %get3A_12 = arith.constant 0 : index
    %get3A_13 = arith.constant 0 : index
    %get3A_14 = vector.load %arg4[%get3A_11, %get3A_12, %get3A_13] : memref<4x128x512xf32, #tpu.memory_space<vmem>>, vector<1x128x512xf32>
    %get3A_15 = vector.shape_cast %get3A_14 : vector<1x128x512xf32> to vector<128x512xf32>
    %dot_general3A_16 = arith.constant dense<0.000000e+00> : vector<400x512xf32>
    %dot_general3A_17 = tpu.matmul %get3A_10, %get3A_15, %dot_general3A_16 {dimension_numbers = #tpu.dot_dimension_numbers<[1], [0], [0], [1], [0, 0, 1, 1], [], []>, transpose_lhs_hint = false} : vector<400x128xf32>, vector<128x512xf32>, vector<400x512xf32> -> vector<400x512xf32>
    %add3A = arith.addf %dot_general3A_5, %dot_general3A_17 : vector<400x512xf32>
    %get3A_18 = arith.constant 1 : index
    %get3A_19 = arith.constant 0 : index
    %get3A_20 = arith.constant 0 : index
    %get3A_21 = vector.load %arg2[%get3A_18, %get3A_19, %get3A_20] : memref<4x400x128xf32, #tpu.memory_space<vmem>>, vector<1x400x128xf32>
    %get3A_22 = vector.shape_cast %get3A_21 : vector<1x400x128xf32> to vector<400x128xf32>
    %get3A_23 = arith.constant 1 : index
    %get3A_24 = arith.constant 0 : index
    %get3A_25 = arith.constant 0 : index
    %get3A_26 = vector.load %arg4[%get3A_23, %get3A_24, %get3A_25] : memref<4x128x512xf32, #tpu.memory_space<vmem>>, vector<1x128x512xf32>
    %get3A_27 = vector.shape_cast %get3A_26 : vector<1x128x512xf32> to vector<128x512xf32>
    %dot_general3A_28 = arith.constant dense<0.000000e+00> : vector<400x512xf32>
    %dot_general3A_29 = tpu.matmul %get3A_22, %get3A_27, %dot_general3A_28 {dimension_numbers = #tpu.dot_dimension_numbers<[1], [0], [0], [1], [0, 0, 1, 1], [], []>, transpose_lhs_hint = false} : vector<400x128xf32>, vector<128x512xf32>, vector<400x512xf32> -> vector<400x512xf32>
    %add3A_30 = arith.addf %add3A, %dot_general3A_29 : vector<400x512xf32>
    %get3A_31 = arith.constant 2 : index
    %get3A_32 = arith.constant 0 : index
    %get3A_33 = arith.constant 0 : index
    %get3A_34 = vector.load %arg2[%get3A_31, %get3A_32, %get3A_33] : memref<4x400x128xf32, #tpu.memory_space<vmem>>, vector<1x400x128xf32>
    %get3A_35 = vector.shape_cast %get3A_34 : vector<1x400x128xf32> to vector<400x128xf32>
    %get3A_36 = arith.constant 2 : index
    %get3A_37 = arith.constant 0 : index
    %get3A_38 = arith.constant 0 : index
    %get3A_39 = vector.load %arg4[%get3A_36, %get3A_37, %get3A_38] : memref<4x128x512xf32, #tpu.memory_space<vmem>>, vector<1x128x512xf32>
    %get3A_40 = vector.shape_cast %get3A_39 : vector<1x128x512xf32> to vector<128x512xf32>
    %dot_general3A_41 = arith.constant dense<0.000000e+00> : vector<400x512xf32>
    %dot_general3A_42 = tpu.matmul %get3A_35, %get3A_40, %dot_general3A_41 {dimension_numbers = #tpu.dot_dimension_numbers<[1], [0], [0], [1], [0, 0, 1, 1], [], []>, transpose_lhs_hint = false} : vector<400x128xf32>, vector<128x512xf32>, vector<400x512xf32> -> vector<400x512xf32>
    %add3A_43 = arith.addf %add3A_30, %dot_general3A_42 : vector<400x512xf32>
    %get3A_44 = arith.constant 3 : index
    %get3A_45 = arith.constant 0 : index
    %get3A_46 = arith.constant 0 : index
    %get3A_47 = vector.load %arg2[%get3A_44, %get3A_45, %get3A_46] : memref<4x400x128xf32, #tpu.memory_space<vmem>>, vector<1x400x128xf32>
    %get3A_48 = vector.shape_cast %get3A_47 : vector<1x400x128xf32> to vector<400x128xf32>
    %get3A_49 = arith.constant 3 : index
    %get3A_50 = arith.constant 0 : index
    %get3A_51 = arith.constant 0 : index
    %get3A_52 = vector.load %arg4[%get3A_49, %get3A_50, %get3A_51] : memref<4x128x512xf32, #tpu.memory_space<vmem>>, vector<1x128x512xf32>
    %get3A_53 = vector.shape_cast %get3A_52 : vector<1x128x512xf32> to vector<128x512xf32>
    %dot_general3A_54 = arith.constant dense<0.000000e+00> : vector<400x512xf32>
    %dot_general3A_55 = tpu.matmul %get3A_48, %get3A_53, %dot_general3A_54 {dimension_numbers = #tpu.dot_dimension_numbers<[1], [0], [0], [1], [0, 0, 1, 1], [], []>, transpose_lhs_hint = false} : vector<400x128xf32>, vector<128x512xf32>, vector<400x512xf32> -> vector<400x512xf32>
    %add3A_56 = arith.addf %add3A_43, %dot_general3A_55 : vector<400x512xf32>
    %get3A_57 = arith.constant 0 : index
    %get3A_58 = arith.constant 0 : index
    %get3A_59 = vector.load %arg5[%get3A_57, %get3A_58] : memref<1x512xf32, #tpu.memory_space<vmem>>, vector<1x512xf32>
    %add3A_60 = vector.broadcast %get3A_59 : vector<1x512xf32> to vector<400x512xf32>
    %add3A_61 = arith.addf %add3A_56, %add3A_60 : vector<400x512xf32>
    %get3A_62 = arith.constant 0 : index
    %get3A_63 = arith.constant 0 : index
    %get3A_64 = vector.load %arg1[%get3A_62, %get3A_63] : memref<400x512xf32, #tpu.memory_space<vmem>>, vector<400x512xf32>
    %logistic3A = arith.negf %add3A_61 : vector<400x512xf32>
    %logistic3A_65 = math.exp %logistic3A : vector<400x512xf32>
    %logistic3A_66 = arith.constant 1.000000e+00 : f32
    %logistic3A_67 = vector.broadcast %logistic3A_66 : f32 to vector<400x512xf32>
    %logistic3A_68 = arith.addf %logistic3A_67, %logistic3A_65 : vector<400x512xf32>
    %logistic3A_69 = arith.divf %logistic3A_67, %logistic3A_68 : vector<400x512xf32>
    %mul3A = arith.mulf %add3A_61, %logistic3A_69 : vector<400x512xf32>
    %add3A_70 = arith.addf %get3A_64, %mul3A : vector<400x512xf32>
    %swap3A = arith.constant 0 : index
    %swap3A_71 = arith.constant 0 : index
    %swap3A_72 = vector.load %arg6[%swap3A, %swap3A_71] : memref<400x512xf32, #tpu.memory_space<vmem>>, vector<400x512xf32>
    tpu.vector_store %arg6[%swap3A, %swap3A_71], %add3A_70 {strides = array<i32>} : memref<400x512xf32, #tpu.memory_space<vmem>>, vector<400x512xf32>,
    return
  }
  func.func @transform_0(%arg0: i32) -> (i32, i32) {
    %c0_i32 = arith.constant 0 : i32
    %c0_i32_0 = arith.constant 0 : i32
    return %arg0, %c0_i32 : i32, i32
  }
  func.func @transform_1(%arg0: i32) -> (i32, i32, i32) {
    %c0_i32 = arith.constant 0 : i32
    %c0_i32_0 = arith.constant 0 : i32
    %c0_i32_1 = arith.constant 0 : i32
    return %c0_i32, %arg0, %c0_i32_0 : i32, i32, i32
  }
  func.func @transform_2(%arg0: i32) -> (i32, i32) {
    %c0_i32 = arith.constant 0 : i32
    %c0_i32_0 = arith.constant 0 : i32
    %c0_i32_1 = arith.constant 0 : i32
    return %c0_i32, %c0_i32_0 : i32, i32
  }
  func.func @transform_3(%arg0: i32) -> (i32, i32, i32) {
    %c0_i32 = arith.constant 0 : i32
    %c0_i32_0 = arith.constant 0 : i32
    %c0_i32_1 = arith.constant 0 : i32
    %c0_i32_2 = arith.constant 0 : i32
    return %c0_i32, %c0_i32_0, %c0_i32_1 : i32, i32, i32
  }
  func.func @transform_4(%arg0: i32) -> (i32, i32) {
    %c0_i32 = arith.constant 0 : i32
    %c0_i32_0 = arith.constant 0 : i32
    %c0_i32_1 = arith.constant 0 : i32
    return %c0_i32, %c0_i32_0 : i32, i32
  }
  func.func @transform_5(%arg0: i32) -> (i32, i32) {
    %c0_i32 = arith.constant 0 : i32
    %c0_i32_0 = arith.constant 0 : i32
    return %arg0, %c0_i32 : i32, i32
  }
}

module attributes {stable_mosaic.version = 14 : i64} {
  func.func @kern(%arg0: i32, %arg1: memref<400x512xf32, #tpu.memory_space<vmem>>, %arg2: memref<1x1x400xi32, #tpu.memory_space<vmem>>, %arg3: memref<1x512xf32, #tpu.memory_space<vmem>>, %arg4: memref<1x512xf32, #tpu.memory_space<vmem>>, %arg5: memref<400x512xf32, #tpu.memory_space<vmem>>, %arg6: memref<64x512xf32, #tpu.memory_space<vmem>>, %arg7: memref<64x512xf32, #tpu.memory_space<vmem>>, %arg8: memref<64x512xf32, #tpu.memory_space<vmem>>) attributes {dimension_semantics = [#tpu.dimension_semantics<arbitrary>], iteration_bounds = array<i64: 25>, scalar_prefetch = 0 : i64, scratch_operands = 2 : i64, tpu.core_type = #tpu.core_type<tc>, window_params = [{transform_indices = @transform_0, window_bounds = array<i64: 400, 512>}, {transform_indices = @transform_1, window_bounds = array<i64: 1, 1, 400>}, {pipeline_mode = #tpu.pipeline_mode<synchronous>, transform_indices = @transform_2, window_bounds = array<i64: 1, 512>}, {pipeline_mode = #tpu.pipeline_mode<synchronous>, transform_indices = @transform_3, window_bounds = array<i64: 1, 512>}, {transform_indices = @transform_4, window_bounds = array<i64: 400, 512>}, {pipeline_mode = #tpu.pipeline_mode<synchronous>, transform_indices = @transform_5, window_bounds = array<i64: 64, 512>}]} {
    %get3A = arith.constant 0 : index
    %get3A_0 = arith.constant 0 : index
    %get3A_1 = vector.load %arg1[%get3A, %get3A_0] : memref<400x512xf32, #tpu.memory_space<vmem>>, vector<400x512xf32>
    %reduce_sum3A = arith.constant dense<0.000000e+00> : vector<400xf32>
    %reduce_sum3A_2 = vector.multi_reduction <add>, %get3A_1, %reduce_sum3A [1] : vector<400x512xf32> to vector<400xf32>
    %broadcast_in_dim3A = vector.shape_cast %reduce_sum3A_2 : vector<400xf32> to vector<400x1xf32>
    %div3A = arith.constant 5.120000e+02 : f32
    %div3A_3 = vector.broadcast %div3A : f32 to vector<400x1xf32>
    %div3A_4 = arith.divf %broadcast_in_dim3A, %div3A_3 : vector<400x1xf32>
    %sub3A = vector.broadcast %div3A_4 : vector<400x1xf32> to vector<400x512xf32>
    %sub3A_5 = arith.subf %get3A_1, %sub3A : vector<400x512xf32>
    %integer_pow3A = arith.mulf %sub3A_5, %sub3A_5 : vector<400x512xf32>
    %reduce_sum3A_6 = arith.constant dense<0.000000e+00> : vector<400xf32>
    %reduce_sum3A_7 = vector.multi_reduction <add>, %integer_pow3A, %reduce_sum3A_6 [1] : vector<400x512xf32> to vector<400xf32>
    %broadcast_in_dim3A_8 = vector.shape_cast %reduce_sum3A_7 : vector<400xf32> to vector<400x1xf32>
    %div3A_9 = arith.constant 5.120000e+02 : f32
    %div3A_10 = vector.broadcast %div3A_9 : f32 to vector<400x1xf32>
    %div3A_11 = arith.divf %broadcast_in_dim3A_8, %div3A_10 : vector<400x1xf32>
    %sub3A_12 = vector.broadcast %div3A_4 : vector<400x1xf32> to vector<400x512xf32>
    %sub3A_13 = arith.subf %get3A_1, %sub3A_12 : vector<400x512xf32>
    %add3A = arith.constant 9.99999974E-6 : f32
    %add3A_14 = vector.broadcast %add3A : f32 to vector<400x1xf32>
    %add3A_15 = arith.addf %div3A_11, %add3A_14 : vector<400x1xf32>
    %sqrt3A = math.sqrt %add3A_15 : vector<400x1xf32>
    %div3A_16 = vector.broadcast %sqrt3A : vector<400x1xf32> to vector<400x512xf32>
    %div3A_17 = arith.divf %sub3A_13, %div3A_16 : vector<400x512xf32>
    %get3A_18 = arith.constant 0 : index
    %get3A_19 = arith.constant 0 : index
    %get3A_20 = vector.load %arg3[%get3A_18, %get3A_19] : memref<1x512xf32, #tpu.memory_space<vmem>>, vector<1x512xf32>
    %mul3A = vector.broadcast %get3A_20 : vector<1x512xf32> to vector<400x512xf32>
    %mul3A_21 = arith.mulf %div3A_17, %mul3A : vector<400x512xf32>
    %get3A_22 = arith.constant 0 : index
    %get3A_23 = arith.constant 0 : index
    %get3A_24 = vector.load %arg4[%get3A_22, %get3A_23] : memref<1x512xf32, #tpu.memory_space<vmem>>, vector<1x512xf32>
    %add3A_25 = vector.broadcast %get3A_24 : vector<1x512xf32> to vector<400x512xf32>
    %add3A_26 = arith.addf %mul3A_21, %add3A_25 : vector<400x512xf32>
    %swap3A = arith.constant 0 : index
    %swap3A_27 = arith.constant 0 : index
    %swap3A_28 = vector.load %arg5[%swap3A, %swap3A_27] : memref<400x512xf32, #tpu.memory_space<vmem>>, vector<400x512xf32>
    tpu.vector_store %arg5[%swap3A, %swap3A_27], %add3A_26 {strides = array<i32>} : memref<400x512xf32, #tpu.memory_space<vmem>>, vector<400x512xf32>,
    %get3A_29 = arith.constant 0 : index
    %get3A_30 = arith.constant 0 : index
    %get3A_31 = arith.constant 0 : index
    %get3A_32 = vector.load %arg2[%get3A_29, %get3A_30, %get3A_31] : memref<1x1x400xi32, #tpu.memory_space<vmem>>, vector<1x1x400xi32>
    %get3A_33 = vector.shape_cast %get3A_32 : vector<1x1x400xi32> to vector<400xi32>
    %broadcast_in_dim3A_34 = vector.shape_cast %get3A_33 : vector<400xi32> to vector<1x400xi32>
    %iota3A = tpu.iota {dimensions = array<i32: 0>} : vector<64x400xi32>
    %eq3A = vector.broadcast %broadcast_in_dim3A_34 : vector<1x400xi32> to vector<64x400xi32>
    %eq3A_35 = arith.cmpi eq, %eq3A, %iota3A : vector<64x400xi32>
    %convert_element_type3A = arith.extui %eq3A_35 : vector<64x400xi1> to vector<64x400xi32>
    %convert_element_type3A_36 = arith.sitofp %convert_element_type3A : vector<64x400xi32> to vector<64x400xf32>
    %eq3A_37 = arith.constant 0 : i32
    %eq3A_38 = arith.cmpi eq, %arg0, %eq3A_37 : i32
    %convert_element_type3A_39 = arith.extui %eq3A_38 : i1 to i32
    %cond3A = arith.constant 0 : i32
    %cond3A_40 = arith.cmpi ne, %convert_element_type3A_39, %cond3A : i32
    scf.if %cond3A_40 {
      %broadcast_in_dim3A_72 = arith.constant 0.000000e+00 : f32
      %broadcast_in_dim3A_73 = vector.broadcast %broadcast_in_dim3A_72 : f32 to vector<64x512xf32>
      %swap3A_74 = arith.constant 0 : index
      %swap3A_75 = arith.constant 0 : index
      %swap3A_76 = vector.load %arg7[%swap3A_74, %swap3A_75] : memref<64x512xf32, #tpu.memory_space<vmem>>, vector<64x512xf32>
      tpu.vector_store %arg7[%swap3A_74, %swap3A_75], %broadcast_in_dim3A_73 {strides = array<i32>} : memref<64x512xf32, #tpu.memory_space<vmem>>, vector<64x512xf32>,
      %broadcast_in_dim3A_77 = arith.constant 0.000000e+00 : f32
      %broadcast_in_dim3A_78 = vector.broadcast %broadcast_in_dim3A_77 : f32 to vector<64x512xf32>
      %swap3A_79 = arith.constant 0 : index
      %swap3A_80 = arith.constant 0 : index
      %swap3A_81 = vector.load %arg8[%swap3A_79, %swap3A_80] : memref<64x512xf32, #tpu.memory_space<vmem>>, vector<64x512xf32>
      tpu.vector_store %arg8[%swap3A_79, %swap3A_80], %broadcast_in_dim3A_78 {strides = array<i32>} : memref<64x512xf32, #tpu.memory_space<vmem>>, vector<64x512xf32>,
    } else {
    }
    %get3A_41 = arith.constant 0 : index
    %get3A_42 = arith.constant 0 : index
    %get3A_43 = vector.load %arg7[%get3A_41, %get3A_42] : memref<64x512xf32, #tpu.memory_space<vmem>>, vector<64x512xf32>
    %dot_general3A = arith.constant dense<0.000000e+00> : vector<64x512xf32>
    %dot_general3A_44 = tpu.matmul %convert_element_type3A_36, %add3A_26, %dot_general3A {dimension_numbers = #tpu.dot_dimension_numbers<[1], [0], [0], [1], [0, 0, 1, 1], [], []>, transpose_lhs_hint = false} : vector<64x400xf32>, vector<400x512xf32>, vector<64x512xf32> -> vector<64x512xf32>
    %add3A_45 = arith.addf %get3A_43, %dot_general3A_44 : vector<64x512xf32>
    %swap3A_46 = arith.constant 0 : index
    %swap3A_47 = arith.constant 0 : index
    %swap3A_48 = vector.load %arg7[%swap3A_46, %swap3A_47] : memref<64x512xf32, #tpu.memory_space<vmem>>, vector<64x512xf32>
    tpu.vector_store %arg7[%swap3A_46, %swap3A_47], %add3A_45 {strides = array<i32>} : memref<64x512xf32, #tpu.memory_space<vmem>>, vector<64x512xf32>,
    %get3A_49 = arith.constant 0 : index
    %get3A_50 = arith.constant 0 : index
    %get3A_51 = vector.load %arg8[%get3A_49, %get3A_50] : memref<64x512xf32, #tpu.memory_space<vmem>>, vector<64x512xf32>
    %broadcast_in_dim3A_52 = arith.constant 1.000000e+00 : f32
    %broadcast_in_dim3A_53 = vector.broadcast %broadcast_in_dim3A_52 : f32 to vector<400x512xf32>
    %dot_general3A_54 = arith.constant dense<0.000000e+00> : vector<64x512xf32>
    %dot_general3A_55 = tpu.matmul %convert_element_type3A_36, %broadcast_in_dim3A_53, %dot_general3A_54 {dimension_numbers = #tpu.dot_dimension_numbers<[1], [0], [0], [1], [0, 0, 1, 1], [], []>, transpose_lhs_hint = false} : vector<64x400xf32>, vector<400x512xf32>, vector<64x512xf32> -> vector<64x512xf32>
    %add3A_56 = arith.addf %get3A_51, %dot_general3A_55 : vector<64x512xf32>
    %swap3A_57 = arith.constant 0 : index
    %swap3A_58 = arith.constant 0 : index
    %swap3A_59 = vector.load %arg8[%swap3A_57, %swap3A_58] : memref<64x512xf32, #tpu.memory_space<vmem>>, vector<64x512xf32>
    tpu.vector_store %arg8[%swap3A_57, %swap3A_58], %add3A_56 {strides = array<i32>} : memref<64x512xf32, #tpu.memory_space<vmem>>, vector<64x512xf32>,
    %get3A_60 = arith.constant 0 : index
    %get3A_61 = arith.constant 0 : index
    %get3A_62 = vector.load %arg7[%get3A_60, %get3A_61] : memref<64x512xf32, #tpu.memory_space<vmem>>, vector<64x512xf32>
    %get3A_63 = arith.constant 0 : index
    %get3A_64 = arith.constant 0 : index
    %get3A_65 = vector.load %arg8[%get3A_63, %get3A_64] : memref<64x512xf32, #tpu.memory_space<vmem>>, vector<64x512xf32>
    %max3A = arith.constant 1.000000e+00 : f32
    %max3A_66 = vector.broadcast %max3A : f32 to vector<64x512xf32>
    %max3A_67 = arith.maximumf %get3A_65, %max3A_66 : vector<64x512xf32>
    %div3A_68 = arith.divf %get3A_62, %max3A_67 : vector<64x512xf32>
    %swap3A_69 = arith.constant 0 : index
    %swap3A_70 = arith.constant 0 : index
    %swap3A_71 = vector.load %arg6[%swap3A_69, %swap3A_70] : memref<64x512xf32, #tpu.memory_space<vmem>>, vector<64x512xf32>
    tpu.vector_store %arg6[%swap3A_69, %swap3A_70], %div3A_68 {strides = array<i32>} : memref<64x512xf32, #tpu.memory_space<vmem>>, vector<64x512xf32>,
    return
  }
  func.func @transform_0(%arg0: i32) -> (i32, i32) {
    %c0_i32 = arith.constant 0 : i32
    %c0_i32_0 = arith.constant 0 : i32
    return %arg0, %c0_i32 : i32, i32
  }
  func.func @transform_1(%arg0: i32) -> (i32, i32, i32) {
    %c0_i32 = arith.constant 0 : i32
    %c0_i32_0 = arith.constant 0 : i32
    %c0_i32_1 = arith.constant 0 : i32
    return %arg0, %c0_i32, %c0_i32_0 : i32, i32, i32
  }
  func.func @transform_2(%arg0: i32) -> (i32, i32) {
    %c0_i32 = arith.constant 0 : i32
    %c0_i32_0 = arith.constant 0 : i32
    %c0_i32_1 = arith.constant 0 : i32
    return %c0_i32, %c0_i32_0 : i32, i32
  }
  func.func @transform_3(%arg0: i32) -> (i32, i32) {
    %c0_i32 = arith.constant 0 : i32
    %c0_i32_0 = arith.constant 0 : i32
    %c0_i32_1 = arith.constant 0 : i32
    return %c0_i32, %c0_i32_0 : i32, i32
  }
  func.func @transform_4(%arg0: i32) -> (i32, i32) {
    %c0_i32 = arith.constant 0 : i32
    %c0_i32_0 = arith.constant 0 : i32
    return %arg0, %c0_i32 : i32, i32
  }
  func.func @transform_5(%arg0: i32) -> (i32, i32) {
    %c0_i32 = arith.constant 0 : i32
    %c0_i32_0 = arith.constant 0 : i32
    %c0_i32_1 = arith.constant 0 : i32
    return %c0_i32, %c0_i32_0 : i32, i32
  }
}

</mosaic_0001>

<sc_bundles>
// kernel: kernel.12.cloned.1.call-start
scs
__scs_entry_jumppad:
0x0: {  	(pc) =	sbr.rel $0x88, $3  }
0x1: {  	(tag) =	ssettag $0x0;
	lr =	simm.s32 $0x1  }
0x2: {  	[smem:$0x3F91] =	sst lr;
	_ =	strace $0xD0000000  }
0x3: {  	_ = 	snop  }
0x4: {  	_ = 	snop  }
0x5: {  	_ = 	snop  }
0x6: {  	_ = 	snop  }
0x7: {  	_ = 	snop  }
__scs_overlays_trampoline_lowered:
0x8: {  	[smem:$0x3FA0] =	sst s0  }
0x9: {  	[smem:$0x3FA1] =	sst s1  }
0xa: {  	[smem:$0x3FA2] =	sst s2  }
0xb: {  	[smem:$0x3FA3] =	sst s3  }
0xc: {  	[smem:$0x3FA4] =	sst s4  }
0xd: {  	[smem:$0x3FA5] =	sst s5  }
0xe: {  	[smem:$0x3FA6] =	sst s6  }
0xf: {  	[smem:$0x3FA7] =	sst s7  }
0x10: {  	[smem:$0x3FA8] =	sst s8  }
0x11: {  	[smem:$0x3FA9] =	sst s9;
	s0 =	simm.s32 @!p0 $0x0  }
0x12: {  	s1 =	sld [smem:$0x3F8F];
	s0 =	simm.s32 @p0 $0x1  }
0x13: {  	[smem:$0x3FAA] =	sst s0;
	s0 =	simm.s32 @!p1 $0x0  }
0x14: {  	s2 =	sld [smem:$0x3F8E];
	s0 =	simm.s32 @p1 $0x1  }
0x15: {  	[smem:$0x3FAB] =	sst s0;
	s0 =	simm.s32 @!p2 $0x0  }
0x16: {  	s3 =	sld [smem:$0x3FDB];
	s0 =	simm.s32 @p2 $0x1  }
0x17: {  	s4 =	simm.s32 $0x1BF5;
	[smem:$0x3FAD] =	sst s0  }
0x18: {  	s0 =	sld [smem:$0x3F90];
	_ =	swait.ge [sflag:s4], $0x0  }
0x19: {  	s7 =	sld [smem:$0x3F91]  }
0x1a: {  	s8 =	sadd.s32 $0xFFFFE003, lr  }
0x1b: {  	s9 =	sadd.s32 $0xFFFFFEF7, lr;
	s5 =	simm.s32 $0xFFFFFFFF;
	p2 =	slt.u32 s8, $0xFFFFF086  }
0x1c: {  	p1 =	slt.u32 s9, $0xF7A;
	s5 =	simm.s32 @!p2 $0x0  }
0x1d: {  	s5 =	simm.s32 @p1 $0x1;
	p0 =	seq.s32 s7, s2  }
0x1e: {  	s7 =	smul.u32 @!p0 $0xF7A, s2;
	p2 =	seq.s32 @!p0 s5, $0x0  }
0x1f: {  	s9 =	smul.u32 $0xF7A, s1;
	s8 =	simm.s32 @!p0 $0x1BF5;
	p2 =	por !p2, p0  }
0x20: {  	[sflag:s8] =	ssyncset.s32 @!p0 $0xFFFFF086;
	s6 =	sadd.s32 @!p0 s3, s7;
	s7 =	simm.s32 @!p0 $0x108  }
0x21: {  	s3 =	sadd.s32 s3, s9;
	s6 =	sadd.s32 @!p0 $0x88, s6;
	s7 =	simm.s32 @p2 $0x1082  }
0x22: {  	[simem:s7], [sflag:s8] =	dma.local @!p0 [hbm:s6], $0xF7A  }
0x23: {  	s9 =	sor.u32 $0xD0000000, s2;
	s6 =	simm.s32 $0x108;
	_ =	swait.ge @!p0 [sflag:s8], $0x0  }
0x24: {  	s3 =	sadd.s32 $0x88, s3;
	s6 =	simm.s32 @!p1 $0x1082;
	[sflag:s4] =	ssyncset.s32 $0xFFFFF086  }
0x25: {  	[simem:s6], [sflag:s4] =	dma.local [hbm:s3], $0xF7A  }
0x26: {  	[smem:$0x3F91] =	sst s1;
	(tag) =	ssettag s2;
	_ =	strace s9  }
0x27: {  	s1 =	sld [smem:$0x3FA1]  }
0x28: {  	s2 =	sld [smem:$0x3FA2]  }
0x29: {  	s4 =	sld [smem:$0x3FA4]  }
0x2a: {  	p0 =	seq.s32 s5, $0x0;
	s5 =	sld [smem:$0x3FA5]  }
0x2b: {  	s6 =	sld [smem:$0x3FA6]  }
0x2c: {  	s7 =	sld [smem:$0x3FA7]  }
0x2d: {  	s3 =	simm.s32 $0x108;
	s8 =	sld [smem:$0x3FA8]  }
0x2e: {  	s3 =	simm.s32 @!p0 $0x1082;
	s9 =	sld [smem:$0x3FA9]  }
0x2f: {  	lr =	sadd.s32 s0, s3;
	s0 =	sld [smem:$0x3FA0]  }
0x30: {  	s3 =	sld [smem:$0x3FA3]  }
0x31: {  	[smem:$0x3FAC] =	sst s10  }
0x32: {  	s10 =	sld [smem:$0x3FAA];
	_ =	sdelay $0x3  }
0x33: {  	p0 =	seq.s32 s10, $0x1;
	s10 =	sld [smem:$0x3FAC];
	_ =	sdelay $0x3  }
0x34: {  	[smem:$0x3FAC] =	sst s10  }
0x35: {  	s10 =	sld [smem:$0x3FAB];
	_ =	sdelay $0x3  }
0x36: {  	p1 =	seq.s32 s10, $0x1;
	s10 =	sld [smem:$0x3FAC];
	_ =	sdelay $0x3  }
0x37: {  	[smem:$0x3FAC] =	sst s10  }
0x38: {  	s10 =	sld [smem:$0x3FAD]  }
0x39: {  	_ = 	snop;
	(pc) =	sbr.ind lr, $3  }
0x3a: {  	_ = 	snop  }
0x3b: {  	_ = 	snop  }
0x3c: {  	p2 =	seq.s32 s10, $0x1;
	s10 =	sld [smem:$0x3FAC]  }
0x3d: {  	_ =	shalt  }
0x3e: {  	_ =	shalt  }
0x3f: {  	_ =	shalt  }
0x40: {  	_ =	shalt  }
0x41: {  	_ =	shalt  }
0x42: {  	_ =	shalt  }
0x43: {  	_ =	shalt  }
0x44: {  	_ =	shalt  }
0x45: {  	_ =	shalt  }
0x46: {  	_ =	shalt  }
0x47: {  	_ =	shalt  }
0x48: {  	_ =	shalt  }
0x49: {  	_ =	shalt  }
0x4a: {  	_ =	shalt  }
0x4b: {  	_ =	shalt  }
0x4c: {  	_ =	shalt  }
0x4d: {  	_ =	shalt  }
0x4e: {  	_ =	shalt  }
0x4f: {  	_ =	shalt  }
0x50: {  	_ =	shalt  }
0x51: {  	_ =	shalt  }
0x52: {  	_ =	shalt  }
0x53: {  	_ =	shalt  }
0x54: {  	_ =	shalt  }
0x55: {  	_ =	shalt  }
0x56: {  	_ =	shalt  }
0x57: {  	_ =	shalt  }
0x58: {  	_ =	shalt  }
0x59: {  	_ =	shalt  }
0x5a: {  	_ =	shalt  }
0x5b: {  	_ =	shalt  }
0x5c: {  	_ =	shalt  }
0x5d: {  	_ =	shalt  }
0x5e: {  	_ =	shalt  }
0x5f: {  	_ =	shalt  }
0x60: {  	_ =	shalt  }
0x61: {  	_ =	shalt  }
0x62: {  	_ =	shalt  }
0x63: {  	_ =	shalt  }
0x64: {  	_ =	shalt  }
0x65: {  	_ =	shalt  }
0x66: {  	_ =	shalt  }
0x67: {  	_ =	shalt  }
0x68: {  	_ =	shalt  }
0x69: {  	_ =	shalt  }
0x6a: {  	_ =	shalt  }
0x6b: {  	_ =	shalt  }
0x6c: {  	_ =	shalt  }
0x6d: {  	_ =	shalt  }
0x6e: {  	_ =	shalt  }
0x6f: {  	_ =	shalt  }
0x70: {  	_ =	shalt  }
0x71: {  	_ =	shalt  }
0x72: {  	_ =	shalt  }
0x73: {  	_ =	shalt  }
0x74: {  	_ =	shalt  }
0x75: {  	_ =	shalt  }
0x76: {  	_ =	shalt  }
0x77: {  	_ =	shalt  }
0x78: {  	_ =	shalt  }
0x79: {  	_ =	shalt  }
0x7a: {  	_ =	shalt  }
0x7b: {  	_ =	shalt  }
0x7c: {  	_ =	shalt  }
0x7d: {  	_ =	shalt  }
0x7e: {  	_ =	shalt  }
0x7f: {  	_ =	shalt  }
0x80: {  	_ =	shalt  }
0x81: {  	_ =	shalt  }
0x82: {  	_ =	shalt  }
0x83: {  	_ =	shalt  }
0x84: {  	_ =	shalt  }
0x85: {  	_ =	shalt  }
0x86: {  	_ =	shalt  }
0x87: {  	_ =	shalt  }
.Lfunc_end0:
.L_simem_size_0:
called_computation_lowered:
.L_overlay_start_0:
0x88: {  	s2 =	sld [smem:$0x3FD9]  }
0x89: {  	s3 =	sld [smem:$0x3FFE];
	_ =	sdelay $0x1  }
0x8a: {  	s1 =	srdreg.scid  }
0x8b: {  	s0 =	sand.u32 $0x1, s1  }
0x8c: {  	s16 =	sshll.u32 s0, $0xA;
	s2 =	sadd.s32 s3, s2  }
0x8d: {  	s2 =	sadd.s32 s2, s16  }
0x8e: {  	[smem:$0x3FB8] =	sst s2  }
0x8f: {  	_ = 	snop  }
0x90: {  	(tm) =	ssettm $0x1  }
0x91: {  	s17 =	sld [smem:$0x3FFB];
	_ =	sdelay $0x3  }
0x92: {  	_ =	strace s17  }
0x93: {  	s2 =	sld [smem:$0x3FFC];
	_ =	sdelay $0x3  }
0x94: {  	_ =	strace s2  }
0x95: {  	s2 =	sld [smem:$0x3FFD];
	_ =	sdelay $0x3  }
0x96: {  	_ =	strace s2  }
0x97: {  	_ =	strace $0x8FFFFFFF  }
0x98: {  	s18 =	sld [smem:$0x3FDB];
	_ =	sdelay $0x1  }
0x99: {  	s19 =	simm.s32 $_scs_section_size  }
0x9a: {  	s4 =	simm.s32 $_size__tile_overlayer_lowered;
	s5 =	simm.s32 $_tile_overlayer_lowered  }
0x9b: {  	s22 =	simm.s32 $0x1BFF;
	s21 =	sshll.u32 s5, $0x1;
	s2 =	sadd.s32 s19, s18  }
0x9c: {  	s6 =	simm.s32 $0x0;
	s20 =	sshll.u32 s4, $0x1;
	s4 =	sadd.s32 s21, s2  }
0x9d: {  	[timem:s6], [sflag:s22] =	dma.local [hbm:s4], s20  }
0x9e: {  	_ =	swait.ge [sflag:s22], s20  }
0x9f: {  	s3 =	ssub.s32 $0x0, s20;
	[sflag:s22] =	ssyncset.done $0x0  }
0xa0: {  	[sflag:s22] =	ssyncadd.s32 s3;
	_ =	sdelay $0x1  }
0xa1: {  	s23 =	simm.s32 $0x1B8B  }
0xa2: {  	_ =	swait.ge [sflag:s23], $0x1  }
0xa3: {  	[sflag:s23] =	ssyncset.done $0x0  }
0xa4: {  	s25 =	simm.s32 $0x1B8E;
	s24 =	sld [smem:$0x3FFE];
	[sflag:s23] =	ssyncadd.s32 $0xFFFFFFFF  }
0xa5: {  	s26 =	simm.s32 $execute0_lowered;
	[smem:$0x3FD2] =	sst s25  }
0xa6: {  	s4 =	sshll.u32 s26, $0x1;
	_ =	strace $0x80000046;
	[dreg:$0x1] =	wrdreg $0xFFFFFFFF  }
0xa7: {  	s28 =	simm.s32 $_size_execute0_lowered;
	s2 =	sadd.s32 s2, s4;
	[dreg:$0x0] =	wrdreg $0x0  }
0xa8: {  	s4 =	sshll.u32 s28, $0x1;
	[dreg:$0x2] =	wrdreg s2  }
0xa9: {  	[dreg:$0x3] =	wrdreg s4  }
0xaa: {  	[dreg:$0x4] =	wrdreg $0xC0  }
0xab: {  	_ =	task [dreg:s6], $0x5FFFF  }
0xac: {  	[dreg:$0x1] =	wrdreg $0xFFFFFFFF  }
0xad: {  	[dreg:$0x0] =	wrdreg $0x60  }
0xae: {  	[dreg:$0x2] =	wrdreg s24  }
0xaf: {  	[dreg:$0x3] =	wrdreg $0x41800  }
0xb0: {  	[dreg:$0x4] =	wrdreg $0x9  }
0xb1: {  	_ =	task.clear_ibuf [dreg:s6], $0x5FFFF;
	_ =	strace $0x90000046  }
0xb2: {  	s29 =	simm.s32 $0x9;
	_ =	strace $0x80000048  }
0xb3: {  	_ =	swait.ge [sflag:s29], $0x1  }
0xb4: {  	[sflag:s29] =	ssyncadd.s32 $0xFFFFFFFF  }
0xb5: {  	_ =	strace $0x90000048  }
0xb6: {  	_ =	sfence  }
0xb7: {  	s30 =	sld [smem:$0x0];
	_ =	sdelay $0x2  }
0xb8: {  	s31 =	sshll.u32 s1, $0xD;
	s1 =	sshrl.u32 s1, $0x2  }
0xb9: {  	s3 =	sand.u32 $0x4000, s31;
	s1 =	sadd.s32 s1, s30  }
0xba: {  	s0 =	sor.u32 s3, s0;
	s1 =	sshll.u32 s1, $0x11  }
0xbb: {  	s0 =	sor.u32 s1, s0  }
0xbc: {  	s0 =	sadd.s32 $0x8F2B, s0  }
0xbd: {  	[sflag:s0] =	ssyncadd.remote.s32 $0x1  }
0xbe: {  	_ =	sfence.sel $0xFFFF  }
0xbf: {  	[dreg:$0x0] =	wrdreg $0xFFFFFFFF;
	(pc) =	sbr.abs _section_cstart, $3  }
0xc0: {  	[dreg:$0x1] =	wrdreg $0xFFFFFFFF  }
0xc1: {  	_ =	task.clear_ibuf [dreg:s6], $0x2FFFF;
	_ =	strace $0x9FFFFFFF  }
0xc2: {  	(tm) =	ssettm $0x7FFFFFFF  }
0xc3: {  	_ =	shalt  }
tec
execute0_lowered:
.L_overlay_start_1:
0x0: {  	(tag) =	ssettag $0x1  }
0x1: {  	s8 =	rddreg [dreg:$0x0]  }
0x2: {  	s1 =	rddreg [dreg:$0x1]  }
0x3: {  	s0 =	rddreg [dreg:$0x2]  }
0x4: {  	s2 =	simm.s32 $0x0;
	s6 =	srdreg.scid;
	s3 =	stileid.u32  }
0x5: {  	s21 =	simm.s32 $0x180;
	s22 =	simm.s32 $0x1;
	s23 =	simm.s32 $0x0  }
0x6: {  	[smem:$0x7FF] =	sst s2;
	s13 =	sadd.s32 $0xBDE00, s8;
	s4 =	sadd.s32 $0xDA00, s8  }
0x7: {  	s5 =	sadd.s32 $0xA9E00, s8;
	s9 =	sand.u32 $0x1, s6;
	s11 =	smul.u32 $0x13C00, s3  }
0x8: {  	s6 =	sadd.s32 $0x3A00, s8;
	s7 =	sadd.s32 $0x8A00, s8;
	s25 =	smul.u32 $0x4F000, s3  }
0x9: {  	s15 =	sadd.s32 $0x15BE00, s8;
	s19 =	sshll.u32 s3, $0x6;
	s14 =	smul.u32 $0x278000, s9  }
0xa: {  	_ =	strace $0x80000047;
	s10 =	ssub.s32 $0x2, s9;
	s28 =	smul.u32 $0x50000, s9  }
0xb: {  	s29 =	sshllo.u32 s9, $0x1;
	s9 =	smul.u32 $0x2800, s3;
	s12 =	sshrl.u32 s10, $0x1  }
0xc: {  	s8 =	sshrl.u32 s25, $0x2;
	s30 =	smul.u32 $0x13C000, s29;
	s16 =	ssub.s32 s10, s12  }
0xd: {  	s26 =	sadd.s32 s11, s14;
	s18 =	sadd.s32 s8, s1;
	s14 =	smul.u32 $0x28000, s29  }
0xe: {  	s10 =	sor.u32 $0x1C02, s19;
	s19 =	simm.s32 $0x80;
	s17 =	sshrl.u32 s26, $0x3  }
0xf: {  	s20 =	sadd.s32 s11, s30;
	s11 =	sadd.s32 s28, s9;
	s16 =	smax.u32 s16, $0x1  }
0x10: {  	s8 =	sadd.s32 s13, s17;
	s31 =	sshrl.u32 s20, $0x3;
	s12 =	sadd.s32 s15, s17  }
0x11: {  	s14 =	sadd.s32 s14, s9;
	s17 =	sshrl.u32 s18, $0x3;
	s18 =	simm.s32 $0x2  }
0x12: {  	s20 =	simm.s32 $0x100;
	s13 =	sadd.s32 s13, s31;
	s15 =	sadd.s32 s15, s31  }
.LBB2_1:
0x13: {  	[spmem:s17], [sflag:s10] =	dma.local [hbm:s8], $0x2780  }
0x14: {  	s24 =	sand.u32 $0x3C00, s2  }
0x15: {  	s25 =	sand.u32 $0x380, s2;
	_ =	swait.ge [sflag:s18], $0x2780;
	s26 =	sadd.s32 s11, s24  }
0x16: {  	[sflag:s18] =	ssyncset.done $0x0;
	s26 =	sor.u32 s25, s26  }
0x17: {  	[sflag:s18] =	ssyncadd.s32 $0xFFFFD880;
	s26 =	sshrl.u32 s26, $0x3  }
0x18: {  	s24 =	sadd.s32 s9, s24;
	[bflag:$0x0] =	sbarrier.arrive $0xFFFF;
	s26 =	sadd.s32 s5, s26  }
0x19: {  	[tilespmem:s2], [sflag:$0x2] =	stream.linear.gather [hbm4b:s26+s2], $0x80, $0x38;
	[tilespmem:$0x17D80] =	vst v63  }
0x1a: {  	s24 =	sor.u32 s25, s24;
	_ =	swait.ge [sflag:s18], $0x80  }
0x1b: {  	s24 =	sshrl.u32 s24, $0x3;
	[sflag:s18] =	ssyncset.done $0x0  }
0x1c: {  	s29 =	sadd.s32 s6, s24;
	[sflag:s18] =	ssyncadd.s32 $0xFFFFFF80  }
0x1d: {  	[tilespmem:s19], [sflag:$0x2] =	stream.linear.gather [hbm4b:s29+s2], $0x80, $0x38;
	[tilespmem:$0x17D80] =	vst v63  }
0x1e: {  	_ =	swait.ge [sflag:s18], $0x80  }
0x1f: {  	[sflag:s18] =	ssyncset.done $0x0  }
0x20: {  	s24 =	sadd.s32 s7, s24;
	[sflag:s18] =	ssyncadd.s32 $0xFFFFFF80  }
0x21: {  	[tilespmem:s20], [sflag:$0x2] =	stream.linear.gather [hbm4b:s24+s2], $0x80, $0x38;
	[tilespmem:$0x17D80] =	vst v63  }
0x22: {  	_ =	swait.ge [sflag:s18], $0x80  }
0x23: {  	[sflag:s18] =	ssyncset.done $0x0  }
0x24: {  	[sflag:s18] =	ssyncadd.s32 $0xFFFFFF80  }
0x25: {  	[tilespmem:s21], [sflag:$0x1] =	stream.indirect.gather [hbm4b:s4+s19], $0x80, s2, s19, $0xb8;
	[tilespmem:$0x17D80] =	vst v63  }
0x26: {  	_ =	swait.ge [sflag:s22], $0x4000  }
0x27: {  	s30 =	simm.s32 $0x80;
	[sflag:s22] =	ssyncset.done $0x0  }
0x28: {  	s31 =	sand.u32 $0x3C00, s30;
	[sflag:s22] =	ssyncadd.s32 $0xFFFFC000  }
0x29: {  	[spmem:s1] =	stream.indirect.scatter.add.f32 [tilespmem:s21], [sflag:$0x2], $0x80, s19, s19, $0xb8;
	[tilespmem:$0x17D80] =	vst v63  }
0x2a: {  	s28 =	sadd.s32 s11, s31;
	s26 =	simm.s32 $0x100;
	_ =	swait.ge [sflag:s18], $0x4000  }
0x2b: {  	s29 =	sadd.s32 s9, s31;
	s24 =	sand.u32 $0x380, s30;
	[sflag:s18] =	ssyncset.done $0x0  }
0x2c: {  	s25 =	sor.u32 s24, s28;
	s24 =	sor.u32 s24, s29;
	[sflag:s18] =	ssyncadd.s32 $0xFFFFC000  }
0x2d: {  	[spmem:s1] =	stream.indirect.scatter.add.f32 [tilespmem:s21], [sflag:$0x2], $0x80, s20, s19, $0xb8;
	[tilespmem:$0x17D80] =	vst v63  }
.LBB2_2:
0x2e: {  	s25 =	sshrl.u32 s25, $0x3  }
0x2f: {  	_ =	swait.ge [sflag:s18], $0x4000;
	s28 =	smov.u32 s26;
	s29 =	sadd.s32 $0x80, s26  }
0x30: {  	p0 =	sne.s32 s26, $0x2700;
	s25 =	sadd.s32 s5, s25;
	[sflag:s18] =	ssyncset.done $0x0  }
0x31: {  	[sflag:s18] =	ssyncadd.s32 $0xFFFFC000  }
0x32: {  	[tilespmem:s2], [sflag:$0x2] =	stream.linear.gather [hbm4b:s25+s2], $0x80, $0x38;
	[tilespmem:$0x17D80] =	vst v63  }
0x33: {  	_ =	swait.ge [sflag:s18], $0x80  }
0x34: {  	s24 =	sshrl.u32 s24, $0x3;
	[sflag:s18] =	ssyncset.done $0x0  }
0x35: {  	s25 =	sadd.s32 s6, s24;
	[sflag:s18] =	ssyncadd.s32 $0xFFFFFF80  }
0x36: {  	[tilespmem:s19], [sflag:$0x2] =	stream.linear.gather [hbm4b:s25+s2], $0x80, $0x38;
	[tilespmem:$0x17D80] =	vst v63  }
0x37: {  	_ =	swait.ge [sflag:s18], $0x80  }
0x38: {  	s24 =	sadd.s32 s7, s24;
	[sflag:s18] =	ssyncset.done $0x0  }
0x39: {  	[sflag:s18] =	ssyncadd.s32 $0xFFFFFF80  }
0x3a: {  	[tilespmem:s20], [sflag:$0x2] =	stream.linear.gather [hbm4b:s24+s2], $0x80, $0x38;
	[tilespmem:$0x17D80] =	vst v63  }
0x3b: {  	_ =	swait.ge [sflag:s18], $0x80  }
0x3c: {  	[sflag:s18] =	ssyncset.done $0x0  }
0x3d: {  	[sflag:s18] =	ssyncadd.s32 $0xFFFFFF80  }
0x3e: {  	[tilespmem:s21], [sflag:$0x1] =	stream.indirect.gather [hbm4b:s4+s19], $0x80, s2, s19, $0xb8;
	[tilespmem:$0x17D80] =	vst v63  }
0x3f: {  	_ =	swait.ge [sflag:s22], $0x4000  }
0x40: {  	[sflag:s22] =	ssyncset.done $0x0  }
0x41: {  	[sflag:s22] =	ssyncadd.s32 $0xFFFFC000  }
0x42: {  	[spmem:s1] =	stream.indirect.scatter.add.f32 [tilespmem:s21], [sflag:$0x2], $0x80, s19, s19, $0xb8;
	[tilespmem:$0x17D80] =	vst v63  }
.Ltmp0:
0x43: {  	_ =	swait.ge [sflag:s18], $0x4000;
	(pc) =	sbr.rel @p0 .LBB2_2-.Ltmp0, $4  }
0x44: {  	s26 =	sand.u32 $0x380, s28;
	s24 =	sand.u32 $0x3C00, s28;
	[sflag:s18] =	ssyncset.done $0x0  }
0x45: {  	s25 =	sadd.s32 s11, s24;
	s24 =	sadd.s32 s9, s24;
	[sflag:s18] =	ssyncadd.s32 $0xFFFFC000  }
0x46: {  	s25 =	sor.u32 s26, s25;
	s24 =	sor.u32 s26, s24;
	s26 =	smov.u32 s29  }
0x47: {  	[spmem:s1] =	stream.indirect.scatter.add.f32 [tilespmem:s21], [sflag:$0x2], $0x80, s20, s19, $0xb8;
	[tilespmem:$0x17D80] =	vst v63  }
0x48: {  	_ =	swait.ge [sflag:s18], $0x4000  }
0x49: {  	s25 =	sshrl.u32 s25, $0x3;
	[sflag:s18] =	ssyncset.done $0x0  }
0x4a: {  	s25 =	sadd.s32 s5, s25;
	[sflag:s18] =	ssyncadd.s32 $0xFFFFC000  }
0x4b: {  	[tilespmem:s2], [sflag:$0x2] =	stream.linear.gather [hbm4b:s25+s2], $0x80, $0x38;
	[tilespmem:$0x17D80] =	vst v63  }
0x4c: {  	_ =	swait.ge [sflag:s18], $0x80  }
0x4d: {  	s24 =	sshrl.u32 s24, $0x3;
	[sflag:s18] =	ssyncset.done $0x0  }
0x4e: {  	s31 =	sadd.s32 s6, s24;
	[sflag:s18] =	ssyncadd.s32 $0xFFFFFF80  }
0x4f: {  	[tilespmem:s19], [sflag:$0x2] =	stream.linear.gather [hbm4b:s31+s2], $0x80, $0x38;
	[tilespmem:$0x17D80] =	vst v63  }
0x50: {  	_ =	swait.ge [sflag:s18], $0x80  }
0x51: {  	[sflag:s18] =	ssyncset.done $0x0  }
0x52: {  	s24 =	sadd.s32 s7, s24;
	[sflag:s18] =	ssyncadd.s32 $0xFFFFFF80  }
0x53: {  	[tilespmem:s20], [sflag:$0x2] =	stream.linear.gather [hbm4b:s24+s2], $0x80, $0x38;
	[tilespmem:$0x17D80] =	vst v63  }
0x54: {  	_ =	swait.ge [sflag:s18], $0x80  }
0x55: {  	[sflag:s18] =	ssyncset.done $0x0  }
0x56: {  	[sflag:s18] =	ssyncadd.s32 $0xFFFFFF80  }
0x57: {  	[tilespmem:s21], [sflag:$0x1] =	stream.indirect.gather [hbm4b:s4+s19], $0x80, s2, s19, $0xb8;
	[tilespmem:$0x17D80] =	vst v63  }
0x58: {  	_ =	swait.ge [sflag:s22], $0x4000  }
0x59: {  	[sflag:s22] =	ssyncset.done $0x0  }
0x5a: {  	[sflag:s22] =	ssyncadd.s32 $0xFFFFC000  }
0x5b: {  	[spmem:s1] =	stream.indirect.scatter.add.f32 [tilespmem:s21], [sflag:$0x2], $0x80, s19, s19, $0xb8;
	[tilespmem:$0x17D80] =	vst v63  }
0x5c: {  	_ =	swait.ge [sflag:s18], $0x4000  }
0x5d: {  	[sflag:s18] =	ssyncset.done $0x0  }
0x5e: {  	[sflag:s18] =	ssyncadd.s32 $0xFFFFC000  }
0x5f: {  	[spmem:s1] =	stream.indirect.scatter.add.f32 [tilespmem:s21], [sflag:$0x2], $0x80, s20, s19, $0xb8;
	[tilespmem:$0x17D80] =	vst v63  }
0x60: {  	_ =	swait.ge [sflag:s18], $0x4000  }
0x61: {  	[sflag:s18] =	ssyncset.done $0x0  }
0x62: {  	[sflag:s18] =	ssyncadd.s32 $0xFFFFC000  }
0x63: {  	[bflag:$0x0] =	sbarrier.arrive $0xFFFF  }
0x64: {  	[hbm:s12], [sflag:s10] =	dma.local [spmem:s17], $0x2780  }
0x65: {  	_ =	swait.ge [sflag:s18], $0x2780  }
0x66: {  	[sflag:s18] =	ssyncset.done $0x0  }
0x67: {  	s26 =	simm.s32 $0x0;
	[sflag:s18] =	ssyncadd.s32 $0xFFFFD880  }
0x68: {  	s28 =	sand.u32 $0x3C00, s26;
	[bflag:$0x0] =	sbarrier.arrive $0xFFFF  }
0x69: {  	[spmem:s17], [sflag:s10] =	dma.local [hbm:s13], $0x2780  }
0x6a: {  	s24 =	sand.u32 $0x380, s26;
	s26 =	sadd.s32 s14, s28;
	_ =	swait.ge [sflag:s18], $0x2780  }
0x6b: {  	s26 =	sor.u32 s24, s26;
	[sflag:s18] =	ssyncset.done $0x0  }
0x6c: {  	s26 =	sshrl.u32 s26, $0x3;
	[sflag:s18] =	ssyncadd.s32 $0xFFFFD880  }
0x6d: {  	s25 =	sadd.s32 s9, s28;
	s26 =	sadd.s32 s5, s26;
	[bflag:$0x0] =	sbarrier.arrive $0xFFFF  }
0x6e: {  	[tilespmem:s2], [sflag:$0x2] =	stream.linear.gather [hbm4b:s26+s2], $0x80, $0x38;
	[tilespmem:$0x17D80] =	vst v63  }
0x6f: {  	s24 =	sor.u32 s24, s25;
	_ =	swait.ge [sflag:s18], $0x80  }
0x70: {  	s24 =	sshrl.u32 s24, $0x3;
	[sflag:s18] =	ssyncset.done $0x0  }
0x71: {  	s29 =	sadd.s32 s6, s24;
	[sflag:s18] =	ssyncadd.s32 $0xFFFFFF80  }
0x72: {  	[tilespmem:s19], [sflag:$0x2] =	stream.linear.gather [hbm4b:s29+s2], $0x80, $0x38;
	[tilespmem:$0x17D80] =	vst v63  }
0x73: {  	_ =	swait.ge [sflag:s18], $0x80  }
0x74: {  	[sflag:s18] =	ssyncset.done $0x0  }
0x75: {  	s24 =	sadd.s32 s7, s24;
	[sflag:s18] =	ssyncadd.s32 $0xFFFFFF80  }
0x76: {  	[tilespmem:s20], [sflag:$0x2] =	stream.linear.gather [hbm4b:s24+s2], $0x80, $0x38;
	[tilespmem:$0x17D80] =	vst v63  }
0x77: {  	_ =	swait.ge [sflag:s18], $0x80  }
0x78: {  	[sflag:s18] =	ssyncset.done $0x0  }
0x79: {  	[sflag:s18] =	ssyncadd.s32 $0xFFFFFF80  }
0x7a: {  	[tilespmem:s21], [sflag:$0x1] =	stream.indirect.gather [hbm4b:s4+s19], $0x80, s2, s19, $0xb8;
	[tilespmem:$0x17D80] =	vst v63  }
0x7b: {  	_ =	swait.ge [sflag:s22], $0x4000  }
0x7c: {  	s30 =	simm.s32 $0x80;
	[sflag:s22] =	ssyncset.done $0x0  }
0x7d: {  	s31 =	sand.u32 $0x3C00, s30;
	[sflag:s22] =	ssyncadd.s32 $0xFFFFC000  }
0x7e: {  	[spmem:s1] =	stream.indirect.scatter.add.f32 [tilespmem:s21], [sflag:$0x2], $0x80, s19, s19, $0xb8;
	[tilespmem:$0x17D80] =	vst v63  }
0x7f: {  	s28 =	sadd.s32 s14, s31;
	s26 =	simm.s32 $0x100;
	_ =	swait.ge [sflag:s18], $0x4000  }
0x80: {  	s29 =	sadd.s32 s9, s31;
	s24 =	sand.u32 $0x380, s30;
	[sflag:s18] =	ssyncset.done $0x0  }
0x81: {  	s25 =	sor.u32 s24, s28;
	s24 =	sor.u32 s24, s29;
	[sflag:s18] =	ssyncadd.s32 $0xFFFFC000  }
0x82: {  	[spmem:s1] =	stream.indirect.scatter.add.f32 [tilespmem:s21], [sflag:$0x2], $0x80, s20, s19, $0xb8;
	[tilespmem:$0x17D80] =	vst v63  }
.LBB2_4:
0x83: {  	s25 =	sshrl.u32 s25, $0x3  }
0x84: {  	_ =	swait.ge [sflag:s18], $0x4000;
	s28 =	smov.u32 s26;
	s29 =	sadd.s32 $0x80, s26  }
0x85: {  	p0 =	sne.s32 s26, $0x2700;
	s25 =	sadd.s32 s5, s25;
	[sflag:s18] =	ssyncset.done $0x0  }
0x86: {  	[sflag:s18] =	ssyncadd.s32 $0xFFFFC000  }
0x87: {  	[tilespmem:s2], [sflag:$0x2] =	stream.linear.gather [hbm4b:s25+s2], $0x80, $0x38;
	[tilespmem:$0x17D80] =	vst v63  }
0x88: {  	_ =	swait.ge [sflag:s18], $0x80  }
0x89: {  	s24 =	sshrl.u32 s24, $0x3;
	[sflag:s18] =	ssyncset.done $0x0  }
0x8a: {  	s25 =	sadd.s32 s6, s24;
	[sflag:s18] =	ssyncadd.s32 $0xFFFFFF80  }
0x8b: {  	[tilespmem:s19], [sflag:$0x2] =	stream.linear.gather [hbm4b:s25+s2], $0x80, $0x38;
	[tilespmem:$0x17D80] =	vst v63  }
0x8c: {  	_ =	swait.ge [sflag:s18], $0x80  }
0x8d: {  	s24 =	sadd.s32 s7, s24;
	[sflag:s18] =	ssyncset.done $0x0  }
0x8e: {  	[sflag:s18] =	ssyncadd.s32 $0xFFFFFF80  }
0x8f: {  	[tilespmem:s20], [sflag:$0x2] =	stream.linear.gather [hbm4b:s24+s2], $0x80, $0x38;
	[tilespmem:$0x17D80] =	vst v63  }
0x90: {  	_ =	swait.ge [sflag:s18], $0x80  }
0x91: {  	[sflag:s18] =	ssyncset.done $0x0  }
0x92: {  	[sflag:s18] =	ssyncadd.s32 $0xFFFFFF80  }
0x93: {  	[tilespmem:s21], [sflag:$0x1] =	stream.indirect.gather [hbm4b:s4+s19], $0x80, s2, s19, $0xb8;
	[tilespmem:$0x17D80] =	vst v63  }
0x94: {  	_ =	swait.ge [sflag:s22], $0x4000  }
0x95: {  	[sflag:s22] =	ssyncset.done $0x0  }
0x96: {  	[sflag:s22] =	ssyncadd.s32 $0xFFFFC000  }
0x97: {  	[spmem:s1] =	stream.indirect.scatter.add.f32 [tilespmem:s21], [sflag:$0x2], $0x80, s19, s19, $0xb8;
	[tilespmem:$0x17D80] =	vst v63  }
.Ltmp1:
0x98: {  	_ =	swait.ge [sflag:s18], $0x4000;
	(pc) =	sbr.rel @p0 .LBB2_4-.Ltmp1, $4  }
0x99: {  	s26 =	sand.u32 $0x380, s28;
	s24 =	sand.u32 $0x3C00, s28;
	[sflag:s18] =	ssyncset.done $0x0  }
0x9a: {  	s25 =	sadd.s32 s14, s24;
	s24 =	sadd.s32 s9, s24;
	[sflag:s18] =	ssyncadd.s32 $0xFFFFC000  }
0x9b: {  	s25 =	sor.u32 s26, s25;
	s24 =	sor.u32 s26, s24;
	s26 =	smov.u32 s29  }
0x9c: {  	[spmem:s1] =	stream.indirect.scatter.add.f32 [tilespmem:s21], [sflag:$0x2], $0x80, s20, s19, $0xb8;
	[tilespmem:$0x17D80] =	vst v63  }
0x9d: {  	_ =	swait.ge [sflag:s18], $0x4000  }
0x9e: {  	s25 =	sshrl.u32 s25, $0x3;
	[sflag:s18] =	ssyncset.done $0x0  }
0x9f: {  	s25 =	sadd.s32 s5, s25;
	[sflag:s18] =	ssyncadd.s32 $0xFFFFC000  }
0xa0: {  	[tilespmem:s2], [sflag:$0x2] =	stream.linear.gather [hbm4b:s25+s2], $0x80, $0x38;
	[tilespmem:$0x17D80] =	vst v63  }
0xa1: {  	_ =	swait.ge [sflag:s18], $0x80  }
0xa2: {  	s24 =	sshrl.u32 s24, $0x3;
	[sflag:s18] =	ssyncset.done $0x0  }
0xa3: {  	s31 =	sadd.s32 s6, s24;
	[sflag:s18] =	ssyncadd.s32 $0xFFFFFF80  }
0xa4: {  	[tilespmem:s19], [sflag:$0x2] =	stream.linear.gather [hbm4b:s31+s2], $0x80, $0x38;
	[tilespmem:$0x17D80] =	vst v63  }
0xa5: {  	_ =	swait.ge [sflag:s18], $0x80  }
0xa6: {  	[sflag:s18] =	ssyncset.done $0x0  }
0xa7: {  	s24 =	sadd.s32 s7, s24;
	[sflag:s18] =	ssyncadd.s32 $0xFFFFFF80  }
0xa8: {  	[tilespmem:s20], [sflag:$0x2] =	stream.linear.gather [hbm4b:s24+s2], $0x80, $0x38;
	[tilespmem:$0x17D80] =	vst v63  }
0xa9: {  	_ =	swait.ge [sflag:s18], $0x80  }
0xaa: {  	[sflag:s18] =	ssyncset.done $0x0  }
0xab: {  	[sflag:s18] =	ssyncadd.s32 $0xFFFFFF80  }
0xac: {  	[tilespmem:s21], [sflag:$0x1] =	stream.indirect.gather [hbm4b:s4+s19], $0x80, s2, s19, $0xb8;
	[tilespmem:$0x17D80] =	vst v63  }
0xad: {  	_ =	swait.ge [sflag:s22], $0x4000  }
0xae: {  	[sflag:s22] =	ssyncset.done $0x0  }
0xaf: {  	[sflag:s22] =	ssyncadd.s32 $0xFFFFC000  }
0xb0: {  	[spmem:s1] =	stream.indirect.scatter.add.f32 [tilespmem:s21], [sflag:$0x2], $0x80, s19, s19, $0xb8;
	[tilespmem:$0x17D80] =	vst v63  }
0xb1: {  	_ =	swait.ge [sflag:s18], $0x4000  }
0xb2: {  	[sflag:s18] =	ssyncset.done $0x0  }
0xb3: {  	[sflag:s18] =	ssyncadd.s32 $0xFFFFC000  }
0xb4: {  	[spmem:s1] =	stream.indirect.scatter.add.f32 [tilespmem:s21], [sflag:$0x2], $0x80, s20, s19, $0xb8;
	[tilespmem:$0x17D80] =	vst v63  }
0xb5: {  	_ =	swait.ge [sflag:s18], $0x4000  }
0xb6: {  	[sflag:s18] =	ssyncset.done $0x0  }
0xb7: {  	s23 =	sadd.s32 $0x1, s23;
	[sflag:s18] =	ssyncadd.s32 $0xFFFFC000  }
0xb8: {  	p0 =	sne.s32 s23, s16;
	[bflag:$0x0] =	sbarrier.arrive $0xFFFF  }
0xb9: {  	[hbm:s15], [sflag:s10] =	dma.local [spmem:s17], $0x2780  }
.Ltmp2:
0xba: {  	_ =	swait.ge [sflag:s18], $0x2780;
	(pc) =	sbr.rel @p0 .LBB2_1-.Ltmp2, $3  }
0xbb: {  	[sflag:s18] =	ssyncset.done $0x0  }
0xbc: {  	[sflag:s18] =	ssyncadd.s32 $0xFFFFD880  }
0xbd: {  	[bflag:$0x0] =	sbarrier.arrive $0xFFFF;
	_ =	sdelay $0x1  }
0xbe: {  	_ =	sfence.sel $0x180000  }
0xbf: {  	[bflag:$0x0] =	sbarrier.arrive $0xFFFF  }
0xc0: {  	p0 =	sne.s32 s3, $0x0;
	_ =	strace $0x90000047  }
0xc1: {  	s0 =	sadd.s32 @!p0 $0x100000, s0;
	[bflag:$0x2] =	sbarrier.arrive $0xFFFF  }
0xc2: {  	[sflag:s0] =	ssyncadd.tile.s32 @!p0 $0x1;
	_ =	shalt  }
.Lfunc_end2:
_tile_overlayer_lowered:
.L_overlay_start_2:
0xc3: {  	(tag) =	ssettag $0x2  }
0xc4: {  	s0 =	rddreg [dreg:$0x0];
	s2 =	stileid.u32  }
0xc5: {  	s1 =	rddreg [dreg:$0x1];
	p0 =	sne.s32 s2, $0x0  }
0xc6: {  	s3 =	rddreg [dreg:$0x2];
	[bflag:$0x3] =	sbarrier.arrive $0xFFFF;
	s2 =	simm.s32 @!p0 $0x1C02  }
0xc7: {  	[timem:s3], [sflag:s2] =	dma.local @!p0 [hbm:s0], s1  }
0xc8: {  	s0 =	simm.s32 @!p0 $0x2  }
0xc9: {  	_ =	swait.ge @!p0 [sflag:s0], s1  }
0xca: {  	s1 =	ssub.s32 @!p0 $0x0, s1;
	[sflag:s0] =	ssyncset.done @!p0 $0x0  }
0xcb: {  	[sflag:s0] =	ssyncadd.s32 @!p0 s1  }
0xcc: {  	[bflag:$0x3] =	sbarrier.arrive $0xFFFF  }
0xcd: {  	_ =	shalt  }

// kernel: kernel.15.cloned.1.call-start
scs
__scs_entry_jumppad:
0x0: {  	(pc) =	sbr.rel $0x88, $3  }
0x1: {  	(tag) =	ssettag $0x0;
	lr =	simm.s32 $0x1  }
0x2: {  	[smem:$0x3F91] =	sst lr;
	_ =	strace $0xD0000000  }
0x3: {  	_ = 	snop  }
0x4: {  	_ = 	snop  }
0x5: {  	_ = 	snop  }
0x6: {  	_ = 	snop  }
0x7: {  	_ = 	snop  }
__scs_overlays_trampoline_lowered:
0x8: {  	[smem:$0x3FA0] =	sst s0  }
0x9: {  	[smem:$0x3FA1] =	sst s1  }
0xa: {  	[smem:$0x3FA2] =	sst s2  }
0xb: {  	[smem:$0x3FA3] =	sst s3  }
0xc: {  	[smem:$0x3FA4] =	sst s4  }
0xd: {  	[smem:$0x3FA5] =	sst s5  }
0xe: {  	[smem:$0x3FA6] =	sst s6  }
0xf: {  	[smem:$0x3FA7] =	sst s7  }
0x10: {  	[smem:$0x3FA8] =	sst s8  }
0x11: {  	[smem:$0x3FA9] =	sst s9;
	s0 =	simm.s32 @!p0 $0x0  }
0x12: {  	s1 =	sld [smem:$0x3F8F];
	s0 =	simm.s32 @p0 $0x1  }
0x13: {  	[smem:$0x3FAA] =	sst s0;
	s0 =	simm.s32 @!p1 $0x0  }
0x14: {  	s2 =	sld [smem:$0x3F8E];
	s0 =	simm.s32 @p1 $0x1  }
0x15: {  	[smem:$0x3FAB] =	sst s0;
	s0 =	simm.s32 @!p2 $0x0  }
0x16: {  	s3 =	sld [smem:$0x3FDB];
	s0 =	simm.s32 @p2 $0x1  }
0x17: {  	s4 =	simm.s32 $0x1BF5;
	[smem:$0x3FAD] =	sst s0  }
0x18: {  	s0 =	sld [smem:$0x3F90];
	_ =	swait.ge [sflag:s4], $0x0  }
0x19: {  	s7 =	sld [smem:$0x3F91]  }
0x1a: {  	s8 =	sadd.s32 $0xFFFFE003, lr  }
0x1b: {  	s9 =	sadd.s32 $0xFFFFFEF7, lr;
	s5 =	simm.s32 $0xFFFFFFFF;
	p2 =	slt.u32 s8, $0xFFFFF086  }
0x1c: {  	p1 =	slt.u32 s9, $0xF7A;
	s5 =	simm.s32 @!p2 $0x0  }
0x1d: {  	s5 =	simm.s32 @p1 $0x1;
	p0 =	seq.s32 s7, s2  }
0x1e: {  	s7 =	smul.u32 @!p0 $0xF7A, s2;
	p2 =	seq.s32 @!p0 s5, $0x0  }
0x1f: {  	s9 =	smul.u32 $0xF7A, s1;
	s8 =	simm.s32 @!p0 $0x1BF5;
	p2 =	por !p2, p0  }
0x20: {  	[sflag:s8] =	ssyncset.s32 @!p0 $0xFFFFF086;
	s6 =	sadd.s32 @!p0 s3, s7;
	s7 =	simm.s32 @!p0 $0x108  }
0x21: {  	s3 =	sadd.s32 s3, s9;
	s6 =	sadd.s32 @!p0 $0x88, s6;
	s7 =	simm.s32 @p2 $0x1082  }
0x22: {  	[simem:s7], [sflag:s8] =	dma.local @!p0 [hbm:s6], $0xF7A  }
0x23: {  	s9 =	sor.u32 $0xD0000000, s2;
	s6 =	simm.s32 $0x108;
	_ =	swait.ge @!p0 [sflag:s8], $0x0  }
0x24: {  	s3 =	sadd.s32 $0x88, s3;
	s6 =	simm.s32 @!p1 $0x1082;
	[sflag:s4] =	ssyncset.s32 $0xFFFFF086  }
0x25: {  	[simem:s6], [sflag:s4] =	dma.local [hbm:s3], $0xF7A  }
0x26: {  	[smem:$0x3F91] =	sst s1;
	(tag) =	ssettag s2;
	_ =	strace s9  }
0x27: {  	s1 =	sld [smem:$0x3FA1]  }
0x28: {  	s2 =	sld [smem:$0x3FA2]  }
0x29: {  	s4 =	sld [smem:$0x3FA4]  }
0x2a: {  	p0 =	seq.s32 s5, $0x0;
	s5 =	sld [smem:$0x3FA5]  }
0x2b: {  	s6 =	sld [smem:$0x3FA6]  }
0x2c: {  	s7 =	sld [smem:$0x3FA7]  }
0x2d: {  	s3 =	simm.s32 $0x108;
	s8 =	sld [smem:$0x3FA8]  }
0x2e: {  	s3 =	simm.s32 @!p0 $0x1082;
	s9 =	sld [smem:$0x3FA9]  }
0x2f: {  	lr =	sadd.s32 s0, s3;
	s0 =	sld [smem:$0x3FA0]  }
0x30: {  	s3 =	sld [smem:$0x3FA3]  }
0x31: {  	[smem:$0x3FAC] =	sst s10  }
0x32: {  	s10 =	sld [smem:$0x3FAA];
	_ =	sdelay $0x3  }
0x33: {  	p0 =	seq.s32 s10, $0x1;
	s10 =	sld [smem:$0x3FAC];
	_ =	sdelay $0x3  }
0x34: {  	[smem:$0x3FAC] =	sst s10  }
0x35: {  	s10 =	sld [smem:$0x3FAB];
	_ =	sdelay $0x3  }
0x36: {  	p1 =	seq.s32 s10, $0x1;
	s10 =	sld [smem:$0x3FAC];
	_ =	sdelay $0x3  }
0x37: {  	[smem:$0x3FAC] =	sst s10  }
0x38: {  	s10 =	sld [smem:$0x3FAD]  }
0x39: {  	_ = 	snop;
	(pc) =	sbr.ind lr, $3  }
0x3a: {  	_ = 	snop  }
0x3b: {  	_ = 	snop  }
0x3c: {  	p2 =	seq.s32 s10, $0x1;
	s10 =	sld [smem:$0x3FAC]  }
0x3d: {  	_ =	shalt  }
0x3e: {  	_ =	shalt  }
0x3f: {  	_ =	shalt  }
0x40: {  	_ =	shalt  }
0x41: {  	_ =	shalt  }
0x42: {  	_ =	shalt  }
0x43: {  	_ =	shalt  }
0x44: {  	_ =	shalt  }
0x45: {  	_ =	shalt  }
0x46: {  	_ =	shalt  }
0x47: {  	_ =	shalt  }
0x48: {  	_ =	shalt  }
0x49: {  	_ =	shalt  }
0x4a: {  	_ =	shalt  }
0x4b: {  	_ =	shalt  }
0x4c: {  	_ =	shalt  }
0x4d: {  	_ =	shalt  }
0x4e: {  	_ =	shalt  }
0x4f: {  	_ =	shalt  }
0x50: {  	_ =	shalt  }
0x51: {  	_ =	shalt  }
0x52: {  	_ =	shalt  }
0x53: {  	_ =	shalt  }
0x54: {  	_ =	shalt  }
0x55: {  	_ =	shalt  }
0x56: {  	_ =	shalt  }
0x57: {  	_ =	shalt  }
0x58: {  	_ =	shalt  }
0x59: {  	_ =	shalt  }
0x5a: {  	_ =	shalt  }
0x5b: {  	_ =	shalt  }
0x5c: {  	_ =	shalt  }
0x5d: {  	_ =	shalt  }
0x5e: {  	_ =	shalt  }
0x5f: {  	_ =	shalt  }
0x60: {  	_ =	shalt  }
0x61: {  	_ =	shalt  }
0x62: {  	_ =	shalt  }
0x63: {  	_ =	shalt  }
0x64: {  	_ =	shalt  }
0x65: {  	_ =	shalt  }
0x66: {  	_ =	shalt  }
0x67: {  	_ =	shalt  }
0x68: {  	_ =	shalt  }
0x69: {  	_ =	shalt  }
0x6a: {  	_ =	shalt  }
0x6b: {  	_ =	shalt  }
0x6c: {  	_ =	shalt  }
0x6d: {  	_ =	shalt  }
0x6e: {  	_ =	shalt  }
0x6f: {  	_ =	shalt  }
0x70: {  	_ =	shalt  }
0x71: {  	_ =	shalt  }
0x72: {  	_ =	shalt  }
0x73: {  	_ =	shalt  }
0x74: {  	_ =	shalt  }
0x75: {  	_ =	shalt  }
0x76: {  	_ =	shalt  }
0x77: {  	_ =	shalt  }
0x78: {  	_ =	shalt  }
0x79: {  	_ =	shalt  }
0x7a: {  	_ =	shalt  }
0x7b: {  	_ =	shalt  }
0x7c: {  	_ =	shalt  }
0x7d: {  	_ =	shalt  }
0x7e: {  	_ =	shalt  }
0x7f: {  	_ =	shalt  }
0x80: {  	_ =	shalt  }
0x81: {  	_ =	shalt  }
0x82: {  	_ =	shalt  }
0x83: {  	_ =	shalt  }
0x84: {  	_ =	shalt  }
0x85: {  	_ =	shalt  }
0x86: {  	_ =	shalt  }
0x87: {  	_ =	shalt  }
.Lfunc_end0:
.L_simem_size_0:
called_computation.1_lowered:
.L_overlay_start_0:
0x88: {  	s2 =	sld [smem:$0x3FD9]  }
0x89: {  	s3 =	sld [smem:$0x3FFE];
	_ =	sdelay $0x1  }
0x8a: {  	s1 =	srdreg.scid  }
0x8b: {  	s0 =	sand.u32 $0x1, s1  }
0x8c: {  	s16 =	sshll.u32 s0, $0xA;
	s2 =	sadd.s32 s3, s2  }
0x8d: {  	s2 =	sadd.s32 s2, s16  }
0x8e: {  	[smem:$0x3FB8] =	sst s2  }
0x8f: {  	_ = 	snop  }
0x90: {  	(tm) =	ssettm $0x1  }
0x91: {  	s17 =	sld [smem:$0x3FFB];
	_ =	sdelay $0x3  }
0x92: {  	_ =	strace s17  }
0x93: {  	s2 =	sld [smem:$0x3FFC];
	_ =	sdelay $0x3  }
0x94: {  	_ =	strace s2  }
0x95: {  	s2 =	sld [smem:$0x3FFD];
	_ =	sdelay $0x3  }
0x96: {  	_ =	strace s2  }
0x97: {  	_ =	strace $0x8FFFFFFF  }
0x98: {  	s18 =	sld [smem:$0x3FDB];
	_ =	sdelay $0x1  }
0x99: {  	s19 =	simm.s32 $_scs_section_size  }
0x9a: {  	s4 =	simm.s32 $_size__tile_overlayer_lowered;
	s5 =	simm.s32 $_tile_overlayer_lowered  }
0x9b: {  	s22 =	simm.s32 $0x1BFF;
	s21 =	sshll.u32 s5, $0x1;
	s2 =	sadd.s32 s19, s18  }
0x9c: {  	s6 =	simm.s32 $0x0;
	s20 =	sshll.u32 s4, $0x1;
	s4 =	sadd.s32 s21, s2  }
0x9d: {  	[timem:s6], [sflag:s22] =	dma.local [hbm:s4], s20  }
0x9e: {  	_ =	swait.ge [sflag:s22], s20  }
0x9f: {  	s3 =	ssub.s32 $0x0, s20;
	[sflag:s22] =	ssyncset.done $0x0  }
0xa0: {  	[sflag:s22] =	ssyncadd.s32 s3;
	_ =	sdelay $0x1  }
0xa1: {  	s23 =	simm.s32 $0x1B8B  }
0xa2: {  	_ =	swait.ge [sflag:s23], $0x1  }
0xa3: {  	[sflag:s23] =	ssyncset.done $0x0  }
0xa4: {  	s25 =	simm.s32 $0x1B8E;
	s24 =	sld [smem:$0x3FFE];
	[sflag:s23] =	ssyncadd.s32 $0xFFFFFFFF  }
0xa5: {  	s26 =	simm.s32 $execute0_lowered;
	[smem:$0x3FD2] =	sst s25  }
0xa6: {  	s4 =	sshll.u32 s26, $0x1;
	_ =	strace $0x80000049;
	[dreg:$0x1] =	wrdreg $0xFFFFFFFF  }
0xa7: {  	s28 =	simm.s32 $_size_execute0_lowered;
	s2 =	sadd.s32 s2, s4;
	[dreg:$0x0] =	wrdreg $0x0  }
0xa8: {  	s4 =	sshll.u32 s28, $0x1;
	[dreg:$0x2] =	wrdreg s2  }
0xa9: {  	[dreg:$0x3] =	wrdreg s4  }
0xaa: {  	[dreg:$0x4] =	wrdreg $0xC0  }
0xab: {  	_ =	task [dreg:s6], $0x5FFFF  }
0xac: {  	[dreg:$0x1] =	wrdreg $0xFFFFFFFF  }
0xad: {  	[dreg:$0x0] =	wrdreg $0x60  }
0xae: {  	[dreg:$0x2] =	wrdreg s24  }
0xaf: {  	[dreg:$0x3] =	wrdreg $0x41000  }
0xb0: {  	[dreg:$0x4] =	wrdreg $0x9  }
0xb1: {  	_ =	task.clear_ibuf [dreg:s6], $0x5FFFF;
	_ =	strace $0x90000049  }
0xb2: {  	s29 =	simm.s32 $0x9;
	_ =	strace $0x8000004B  }
0xb3: {  	_ =	swait.ge [sflag:s29], $0x1  }
0xb4: {  	[sflag:s29] =	ssyncadd.s32 $0xFFFFFFFF  }
0xb5: {  	_ =	strace $0x9000004B  }
0xb6: {  	_ =	sfence  }
0xb7: {  	s30 =	sld [smem:$0x0];
	_ =	sdelay $0x2  }
0xb8: {  	s31 =	sshll.u32 s1, $0xD;
	s1 =	sshrl.u32 s1, $0x2  }
0xb9: {  	s3 =	sand.u32 $0x4000, s31;
	s1 =	sadd.s32 s1, s30  }
0xba: {  	s0 =	sor.u32 s3, s0;
	s1 =	sshll.u32 s1, $0x11  }
0xbb: {  	s0 =	sor.u32 s1, s0  }
0xbc: {  	s0 =	sadd.s32 $0x8F2B, s0  }
0xbd: {  	[sflag:s0] =	ssyncadd.remote.s32 $0x1  }
0xbe: {  	_ =	sfence.sel $0xFFFF  }
0xbf: {  	[dreg:$0x0] =	wrdreg $0xFFFFFFFF;
	(pc) =	sbr.abs _section_cstart, $3  }
0xc0: {  	[dreg:$0x1] =	wrdreg $0xFFFFFFFF  }
0xc1: {  	_ =	task.clear_ibuf [dreg:s6], $0x2FFFF;
	_ =	strace $0x9FFFFFFF  }
0xc2: {  	(tm) =	ssettm $0x7FFFFFFF  }
0xc3: {  	_ =	shalt  }
tec
execute0_lowered:
.L_overlay_start_1:
0x0: {  	(tag) =	ssettag $0x1  }
0x1: {  	s7 =	rddreg [dreg:$0x0]  }
0x2: {  	s1 =	rddreg [dreg:$0x1]  }
0x3: {  	s0 =	rddreg [dreg:$0x2];
	s2 =	simm.s32 $0x0  }
0x4: {  	s6 =	srdreg.scid;
	s3 =	stileid.u32;
	s19 =	simm.s32 $0x100  }
0x5: {  	s20 =	simm.s32 $0x1;
	s21 =	simm.s32 $0x0;
	s12 =	sadd.s32 $0x15BE00, s7  }
0x6: {  	[smem:$0x7FF] =	sst s2;
	s4 =	sadd.s32 $0x22BE00, s7;
	s9 =	smul.u32 $0x13C00, s3  }
0x7: {  	s5 =	sadd.s32 $0x203E00, s7;
	s8 =	sand.u32 $0x1, s6;
	s13 =	smul.u32 $0x4F000, s3  }
0x8: {  	s6 =	sadd.s32 $0x1F9E00, s7;
	s14 =	sadd.s32 $0x3A00, s7;
	s11 =	smul.u32 $0x278000, s8  }
0x9: {  	s18 =	sshll.u32 s3, $0x6;
	_ =	strace $0x8000004A;
	s30 =	smul.u32 $0xA0000, s8  }
0xa: {  	s10 =	ssub.s32 $0x2, s8;
	s26 =	sshllo.u32 s8, $0x1;
	s8 =	smul.u32 $0x5000, s3  }
0xb: {  	s24 =	sshrl.u32 s10, $0x1;
	s28 =	sshrl.u32 s13, $0x2;
	s16 =	smul.u32 $0x13C000, s26  }
0xc: {  	s31 =	smul.u32 $0x50000, s26;
	s15 =	ssub.s32 s10, s24;
	s25 =	sadd.s32 s9, s11  }
0xd: {  	s17 =	sadd.s32 s28, s1;
	s10 =	sadd.s32 s30, s8;
	s29 =	sshrl.u32 s25, $0x3  }
0xe: {  	s16 =	sadd.s32 s9, s16;
	s9 =	sor.u32 $0x1C02, s18;
	s13 =	sadd.s32 s31, s8  }
0xf: {  	s15 =	smax.u32 s15, $0x1;
	s18 =	simm.s32 $0x80;
	s16 =	sshrl.u32 s16, $0x3  }
0x10: {  	s7 =	sadd.s32 s12, s29;
	s11 =	sadd.s32 s14, s29;
	s12 =	sadd.s32 s12, s16  }
0x11: {  	s14 =	sadd.s32 s14, s16;
	s16 =	sshrl.u32 s17, $0x3;
	s17 =	simm.s32 $0x2  }
.LBB2_1:
0x12: {  	[spmem:s16], [sflag:s9] =	dma.local [hbm:s7], $0x2780  }
0x13: {  	s22 =	sand.u32 $0x7C00, s2  }
0x14: {  	s23 =	sand.u32 $0x380, s2;
	_ =	swait.ge [sflag:s17], $0x2780;
	s24 =	sadd.s32 s10, s22  }
0x15: {  	[sflag:s17] =	ssyncset.done $0x0;
	s24 =	sor.u32 s23, s24  }
0x16: {  	[sflag:s17] =	ssyncadd.s32 $0xFFFFD880;
	s24 =	sshrl.u32 s24, $0x3  }
0x17: {  	s22 =	sadd.s32 s8, s22;
	[bflag:$0x0] =	sbarrier.arrive $0xFFFF;
	s24 =	sadd.s32 s5, s24  }
0x18: {  	[tilespmem:s2], [sflag:$0x2] =	stream.linear.gather [hbm4b:s24+s2], $0x80, $0x38;
	[tilespmem:$0x17D00] =	vst v63  }
0x19: {  	s22 =	sor.u32 s23, s22;
	_ =	swait.ge [sflag:s17], $0x80  }
0x1a: {  	s22 =	sshrl.u32 s22, $0x3;
	[sflag:s17] =	ssyncset.done $0x0  }
0x1b: {  	s22 =	sadd.s32 s6, s22;
	[sflag:s17] =	ssyncadd.s32 $0xFFFFFF80  }
0x1c: {  	[tilespmem:s18], [sflag:$0x2] =	stream.linear.gather [hbm4b:s22+s2], $0x80, $0x38;
	[tilespmem:$0x17D00] =	vst v63  }
0x1d: {  	_ =	swait.ge [sflag:s17], $0x80  }
0x1e: {  	s29 =	simm.s32 $0x80;
	[sflag:s17] =	ssyncset.done $0x0  }
0x1f: {  	s30 =	sand.u32 $0x7C00, s29;
	[sflag:s17] =	ssyncadd.s32 $0xFFFFFF80  }
0x20: {  	[tilespmem:s19], [sflag:$0x1] =	stream.indirect.gather [hbm4b:s4+s18], $0x80, s2, s18, $0xb8;
	[tilespmem:$0x17D00] =	vst v63  }
0x21: {  	s31 =	sadd.s32 s10, s30;
	s25 =	sadd.s32 s8, s30;
	_ =	swait.ge [sflag:s20], $0x4000  }
0x22: {  	s23 =	simm.s32 $0x100;
	s22 =	sand.u32 $0x380, s29;
	[sflag:s20] =	ssyncset.done $0x0  }
0x23: {  	s24 =	sor.u32 s22, s31;
	s22 =	sor.u32 s22, s25;
	[sflag:s20] =	ssyncadd.s32 $0xFFFFC000  }
0x24: {  	[spmem:s1] =	stream.indirect.scatter.add.f32 [tilespmem:s19], [sflag:$0x2], $0x80, s18, s18, $0xb8;
	[tilespmem:$0x17D00] =	vst v63  }
.LBB2_2:
0x25: {  	s24 =	sshrl.u32 s24, $0x3  }
0x26: {  	s22 =	sshrl.u32 s22, $0x3;
	_ =	swait.ge [sflag:s17], $0x4000;
	s25 =	smov.u32 s23  }
0x27: {  	s26 =	sadd.s32 $0x80, s23;
	s24 =	sadd.s32 s5, s24;
	[sflag:s17] =	ssyncset.done $0x0  }
0x28: {  	p0 =	sne.s32 s23, $0x4E00;
	[sflag:s17] =	ssyncadd.s32 $0xFFFFC000  }
0x29: {  	[tilespmem:s2], [sflag:$0x2] =	stream.linear.gather [hbm4b:s24+s2], $0x80, $0x38;
	[tilespmem:$0x17D00] =	vst v63  }
0x2a: {  	_ =	swait.ge [sflag:s17], $0x80  }
0x2b: {  	[sflag:s17] =	ssyncset.done $0x0  }
0x2c: {  	s22 =	sadd.s32 s6, s22;
	[sflag:s17] =	ssyncadd.s32 $0xFFFFFF80  }
0x2d: {  	[tilespmem:s18], [sflag:$0x2] =	stream.linear.gather [hbm4b:s22+s2], $0x80, $0x38;
	[tilespmem:$0x17D00] =	vst v63  }
0x2e: {  	_ =	swait.ge [sflag:s17], $0x80  }
0x2f: {  	[sflag:s17] =	ssyncset.done $0x0  }
0x30: {  	[sflag:s17] =	ssyncadd.s32 $0xFFFFFF80  }
0x31: {  	[tilespmem:s19], [sflag:$0x1] =	stream.indirect.gather [hbm4b:s4+s18], $0x80, s2, s18, $0xb8;
	[tilespmem:$0x17D00] =	vst v63  }
.Ltmp0:
0x32: {  	_ =	swait.ge [sflag:s20], $0x4000;
	(pc) =	sbr.rel @p0 .LBB2_2-.Ltmp0, $4  }
0x33: {  	s23 =	sand.u32 $0x380, s25;
	s22 =	sand.u32 $0x7C00, s25;
	[sflag:s20] =	ssyncset.done $0x0  }
0x34: {  	s24 =	sadd.s32 s10, s22;
	s22 =	sadd.s32 s8, s22;
	[sflag:s20] =	ssyncadd.s32 $0xFFFFC000  }
0x35: {  	s24 =	sor.u32 s23, s24;
	s22 =	sor.u32 s23, s22;
	s23 =	smov.u32 s26  }
0x36: {  	[spmem:s1] =	stream.indirect.scatter.add.f32 [tilespmem:s19], [sflag:$0x2], $0x80, s18, s18, $0xb8;
	[tilespmem:$0x17D00] =	vst v63  }
0x37: {  	_ =	swait.ge [sflag:s17], $0x4000  }
0x38: {  	s23 =	sshrl.u32 s24, $0x3;
	[sflag:s17] =	ssyncset.done $0x0  }
0x39: {  	s23 =	sadd.s32 s5, s23;
	[sflag:s17] =	ssyncadd.s32 $0xFFFFC000  }
0x3a: {  	[tilespmem:s2], [sflag:$0x2] =	stream.linear.gather [hbm4b:s23+s2], $0x80, $0x38;
	[tilespmem:$0x17D00] =	vst v63  }
0x3b: {  	_ =	swait.ge [sflag:s17], $0x80  }
0x3c: {  	s22 =	sshrl.u32 s22, $0x3;
	[sflag:s17] =	ssyncset.done $0x0  }
0x3d: {  	s22 =	sadd.s32 s6, s22;
	[sflag:s17] =	ssyncadd.s32 $0xFFFFFF80  }
0x3e: {  	[tilespmem:s18], [sflag:$0x2] =	stream.linear.gather [hbm4b:s22+s2], $0x80, $0x38;
	[tilespmem:$0x17D00] =	vst v63  }
0x3f: {  	_ =	swait.ge [sflag:s17], $0x80  }
0x40: {  	[sflag:s17] =	ssyncset.done $0x0  }
0x41: {  	[sflag:s17] =	ssyncadd.s32 $0xFFFFFF80  }
0x42: {  	[tilespmem:s19], [sflag:$0x1] =	stream.indirect.gather [hbm4b:s4+s18], $0x80, s2, s18, $0xb8;
	[tilespmem:$0x17D00] =	vst v63  }
0x43: {  	_ =	swait.ge [sflag:s20], $0x4000  }
0x44: {  	[sflag:s20] =	ssyncset.done $0x0  }
0x45: {  	[sflag:s20] =	ssyncadd.s32 $0xFFFFC000  }
0x46: {  	[spmem:s1] =	stream.indirect.scatter.add.f32 [tilespmem:s19], [sflag:$0x2], $0x80, s18, s18, $0xb8;
	[tilespmem:$0x17D00] =	vst v63  }
0x47: {  	_ =	swait.ge [sflag:s17], $0x4000  }
0x48: {  	[sflag:s17] =	ssyncset.done $0x0  }
0x49: {  	[sflag:s17] =	ssyncadd.s32 $0xFFFFC000  }
0x4a: {  	[bflag:$0x0] =	sbarrier.arrive $0xFFFF  }
0x4b: {  	[hbm:s11], [sflag:s9] =	dma.local [spmem:s16], $0x2780  }
0x4c: {  	_ =	swait.ge [sflag:s17], $0x2780  }
0x4d: {  	[sflag:s17] =	ssyncset.done $0x0  }
0x4e: {  	s25 =	simm.s32 $0x0;
	[sflag:s17] =	ssyncadd.s32 $0xFFFFD880  }
0x4f: {  	s26 =	sand.u32 $0x7C00, s25;
	[bflag:$0x0] =	sbarrier.arrive $0xFFFF  }
0x50: {  	[spmem:s16], [sflag:s9] =	dma.local [hbm:s12], $0x2780  }
0x51: {  	s28 =	sadd.s32 s13, s26;
	s22 =	sand.u32 $0x380, s25;
	_ =	swait.ge [sflag:s17], $0x2780  }
0x52: {  	s24 =	sor.u32 s22, s28;
	[sflag:s17] =	ssyncset.done $0x0  }
0x53: {  	s24 =	sshrl.u32 s24, $0x3;
	[sflag:s17] =	ssyncadd.s32 $0xFFFFD880  }
0x54: {  	s23 =	sadd.s32 s8, s26;
	s24 =	sadd.s32 s5, s24;
	[bflag:$0x0] =	sbarrier.arrive $0xFFFF  }
0x55: {  	[tilespmem:s2], [sflag:$0x2] =	stream.linear.gather [hbm4b:s24+s2], $0x80, $0x38;
	[tilespmem:$0x17D00] =	vst v63  }
0x56: {  	s22 =	sor.u32 s22, s23;
	_ =	swait.ge [sflag:s17], $0x80  }
0x57: {  	s22 =	sshrl.u32 s22, $0x3;
	[sflag:s17] =	ssyncset.done $0x0  }
0x58: {  	s22 =	sadd.s32 s6, s22;
	[sflag:s17] =	ssyncadd.s32 $0xFFFFFF80  }
0x59: {  	[tilespmem:s18], [sflag:$0x2] =	stream.linear.gather [hbm4b:s22+s2], $0x80, $0x38;
	[tilespmem:$0x17D00] =	vst v63  }
0x5a: {  	_ =	swait.ge [sflag:s17], $0x80  }
0x5b: {  	s29 =	simm.s32 $0x80;
	[sflag:s17] =	ssyncset.done $0x0  }
0x5c: {  	s30 =	sand.u32 $0x7C00, s29;
	[sflag:s17] =	ssyncadd.s32 $0xFFFFFF80  }
0x5d: {  	[tilespmem:s19], [sflag:$0x1] =	stream.indirect.gather [hbm4b:s4+s18], $0x80, s2, s18, $0xb8;
	[tilespmem:$0x17D00] =	vst v63  }
0x5e: {  	s31 =	sadd.s32 s13, s30;
	s25 =	sadd.s32 s8, s30;
	_ =	swait.ge [sflag:s20], $0x4000  }
0x5f: {  	s23 =	simm.s32 $0x100;
	s22 =	sand.u32 $0x380, s29;
	[sflag:s20] =	ssyncset.done $0x0  }
0x60: {  	s24 =	sor.u32 s22, s31;
	s22 =	sor.u32 s22, s25;
	[sflag:s20] =	ssyncadd.s32 $0xFFFFC000  }
0x61: {  	[spmem:s1] =	stream.indirect.scatter.add.f32 [tilespmem:s19], [sflag:$0x2], $0x80, s18, s18, $0xb8;
	[tilespmem:$0x17D00] =	vst v63  }
.LBB2_4:
0x62: {  	s24 =	sshrl.u32 s24, $0x3  }
0x63: {  	s22 =	sshrl.u32 s22, $0x3;
	_ =	swait.ge [sflag:s17], $0x4000;
	s25 =	smov.u32 s23  }
0x64: {  	s26 =	sadd.s32 $0x80, s23;
	s24 =	sadd.s32 s5, s24;
	[sflag:s17] =	ssyncset.done $0x0  }
0x65: {  	p0 =	sne.s32 s23, $0x4E00;
	[sflag:s17] =	ssyncadd.s32 $0xFFFFC000  }
0x66: {  	[tilespmem:s2], [sflag:$0x2] =	stream.linear.gather [hbm4b:s24+s2], $0x80, $0x38;
	[tilespmem:$0x17D00] =	vst v63  }
0x67: {  	_ =	swait.ge [sflag:s17], $0x80  }
0x68: {  	[sflag:s17] =	ssyncset.done $0x0  }
0x69: {  	s22 =	sadd.s32 s6, s22;
	[sflag:s17] =	ssyncadd.s32 $0xFFFFFF80  }
0x6a: {  	[tilespmem:s18], [sflag:$0x2] =	stream.linear.gather [hbm4b:s22+s2], $0x80, $0x38;
	[tilespmem:$0x17D00] =	vst v63  }
0x6b: {  	_ =	swait.ge [sflag:s17], $0x80  }
0x6c: {  	[sflag:s17] =	ssyncset.done $0x0  }
0x6d: {  	[sflag:s17] =	ssyncadd.s32 $0xFFFFFF80  }
0x6e: {  	[tilespmem:s19], [sflag:$0x1] =	stream.indirect.gather [hbm4b:s4+s18], $0x80, s2, s18, $0xb8;
	[tilespmem:$0x17D00] =	vst v63  }
.Ltmp1:
0x6f: {  	_ =	swait.ge [sflag:s20], $0x4000;
	(pc) =	sbr.rel @p0 .LBB2_4-.Ltmp1, $4  }
0x70: {  	s23 =	sand.u32 $0x380, s25;
	s22 =	sand.u32 $0x7C00, s25;
	[sflag:s20] =	ssyncset.done $0x0  }
0x71: {  	s24 =	sadd.s32 s13, s22;
	s22 =	sadd.s32 s8, s22;
	[sflag:s20] =	ssyncadd.s32 $0xFFFFC000  }
0x72: {  	s24 =	sor.u32 s23, s24;
	s22 =	sor.u32 s23, s22;
	s23 =	smov.u32 s26  }
0x73: {  	[spmem:s1] =	stream.indirect.scatter.add.f32 [tilespmem:s19], [sflag:$0x2], $0x80, s18, s18, $0xb8;
	[tilespmem:$0x17D00] =	vst v63  }
0x74: {  	_ =	swait.ge [sflag:s17], $0x4000  }
0x75: {  	s23 =	sshrl.u32 s24, $0x3;
	[sflag:s17] =	ssyncset.done $0x0  }
0x76: {  	s23 =	sadd.s32 s5, s23;
	[sflag:s17] =	ssyncadd.s32 $0xFFFFC000  }
0x77: {  	[tilespmem:s2], [sflag:$0x2] =	stream.linear.gather [hbm4b:s23+s2], $0x80, $0x38;
	[tilespmem:$0x17D00] =	vst v63  }
0x78: {  	_ =	swait.ge [sflag:s17], $0x80  }
0x79: {  	s22 =	sshrl.u32 s22, $0x3;
	[sflag:s17] =	ssyncset.done $0x0  }
0x7a: {  	s22 =	sadd.s32 s6, s22;
	[sflag:s17] =	ssyncadd.s32 $0xFFFFFF80  }
0x7b: {  	[tilespmem:s18], [sflag:$0x2] =	stream.linear.gather [hbm4b:s22+s2], $0x80, $0x38;
	[tilespmem:$0x17D00] =	vst v63  }
0x7c: {  	_ =	swait.ge [sflag:s17], $0x80  }
0x7d: {  	[sflag:s17] =	ssyncset.done $0x0  }
0x7e: {  	[sflag:s17] =	ssyncadd.s32 $0xFFFFFF80  }
0x7f: {  	[tilespmem:s19], [sflag:$0x1] =	stream.indirect.gather [hbm4b:s4+s18], $0x80, s2, s18, $0xb8;
	[tilespmem:$0x17D00] =	vst v63  }
0x80: {  	_ =	swait.ge [sflag:s20], $0x4000  }
0x81: {  	[sflag:s20] =	ssyncset.done $0x0  }
0x82: {  	[sflag:s20] =	ssyncadd.s32 $0xFFFFC000  }
0x83: {  	[spmem:s1] =	stream.indirect.scatter.add.f32 [tilespmem:s19], [sflag:$0x2], $0x80, s18, s18, $0xb8;
	[tilespmem:$0x17D00] =	vst v63  }
0x84: {  	_ =	swait.ge [sflag:s17], $0x4000  }
0x85: {  	[sflag:s17] =	ssyncset.done $0x0  }
0x86: {  	s21 =	sadd.s32 $0x1, s21;
	[sflag:s17] =	ssyncadd.s32 $0xFFFFC000  }
0x87: {  	p0 =	sne.s32 s21, s15;
	[bflag:$0x0] =	sbarrier.arrive $0xFFFF  }
0x88: {  	[hbm:s14], [sflag:s9] =	dma.local [spmem:s16], $0x2780  }
.Ltmp2:
0x89: {  	_ =	swait.ge [sflag:s17], $0x2780;
	(pc) =	sbr.rel @p0 .LBB2_1-.Ltmp2, $3  }
0x8a: {  	[sflag:s17] =	ssyncset.done $0x0  }
0x8b: {  	[sflag:s17] =	ssyncadd.s32 $0xFFFFD880  }
0x8c: {  	[bflag:$0x0] =	sbarrier.arrive $0xFFFF;
	_ =	sdelay $0x1  }
0x8d: {  	_ =	sfence.sel $0x180000  }
0x8e: {  	[bflag:$0x0] =	sbarrier.arrive $0xFFFF  }
0x8f: {  	p0 =	sne.s32 s3, $0x0;
	_ =	strace $0x9000004A  }
0x90: {  	s0 =	sadd.s32 @!p0 $0x100000, s0;
	[bflag:$0x2] =	sbarrier.arrive $0xFFFF  }
0x91: {  	[sflag:s0] =	ssyncadd.tile.s32 @!p0 $0x1;
	_ =	shalt  }
.Lfunc_end2:
_tile_overlayer_lowered:
.L_overlay_start_2:
0x92: {  	(tag) =	ssettag $0x2  }
0x93: {  	s0 =	rddreg [dreg:$0x0];
	s2 =	stileid.u32  }
0x94: {  	s1 =	rddreg [dreg:$0x1];
	p0 =	sne.s32 s2, $0x0  }
0x95: {  	s3 =	rddreg [dreg:$0x2];
	[bflag:$0x3] =	sbarrier.arrive $0xFFFF;
	s2 =	simm.s32 @!p0 $0x1C02  }
0x96: {  	[timem:s3], [sflag:s2] =	dma.local @!p0 [hbm:s0], s1  }
0x97: {  	s0 =	simm.s32 @!p0 $0x2  }
0x98: {  	_ =	swait.ge @!p0 [sflag:s0], s1  }
0x99: {  	s1 =	ssub.s32 @!p0 $0x0, s1;
	[sflag:s0] =	ssyncset.done @!p0 $0x0  }
0x9a: {  	[sflag:s0] =	ssyncadd.s32 @!p0 s1  }
0x9b: {  	[bflag:$0x3] =	sbarrier.arrive $0xFFFF  }
0x9c: {  	_ =	shalt  }

// kernel: kernel.18.cloned.1.call-start
scs
__scs_entry_jumppad:
0x0: {  	(pc) =	sbr.rel $0x88, $3  }
0x1: {  	(tag) =	ssettag $0x0;
	lr =	simm.s32 $0x1  }
0x2: {  	[smem:$0x3F91] =	sst lr;
	_ =	strace $0xD0000000  }
0x3: {  	_ = 	snop  }
0x4: {  	_ = 	snop  }
0x5: {  	_ = 	snop  }
0x6: {  	_ = 	snop  }
0x7: {  	_ = 	snop  }
__scs_overlays_trampoline_lowered:
0x8: {  	[smem:$0x3FA0] =	sst s0  }
0x9: {  	[smem:$0x3FA1] =	sst s1  }
0xa: {  	[smem:$0x3FA2] =	sst s2  }
0xb: {  	[smem:$0x3FA3] =	sst s3  }
0xc: {  	[smem:$0x3FA4] =	sst s4  }
0xd: {  	[smem:$0x3FA5] =	sst s5  }
0xe: {  	[smem:$0x3FA6] =	sst s6  }
0xf: {  	[smem:$0x3FA7] =	sst s7  }
0x10: {  	[smem:$0x3FA8] =	sst s8  }
0x11: {  	[smem:$0x3FA9] =	sst s9;
	s0 =	simm.s32 @!p0 $0x0  }
0x12: {  	s1 =	sld [smem:$0x3F8F];
	s0 =	simm.s32 @p0 $0x1  }
0x13: {  	[smem:$0x3FAA] =	sst s0;
	s0 =	simm.s32 @!p1 $0x0  }
0x14: {  	s2 =	sld [smem:$0x3F8E];
	s0 =	simm.s32 @p1 $0x1  }
0x15: {  	[smem:$0x3FAB] =	sst s0;
	s0 =	simm.s32 @!p2 $0x0  }
0x16: {  	s3 =	sld [smem:$0x3FDB];
	s0 =	simm.s32 @p2 $0x1  }
0x17: {  	s4 =	simm.s32 $0x1BF5;
	[smem:$0x3FAD] =	sst s0  }
0x18: {  	s0 =	sld [smem:$0x3F90];
	_ =	swait.ge [sflag:s4], $0x0  }
0x19: {  	s7 =	sld [smem:$0x3F91]  }
0x1a: {  	s8 =	sadd.s32 $0xFFFFE003, lr  }
0x1b: {  	s9 =	sadd.s32 $0xFFFFFEF7, lr;
	s5 =	simm.s32 $0xFFFFFFFF;
	p2 =	slt.u32 s8, $0xFFFFF086  }
0x1c: {  	p1 =	slt.u32 s9, $0xF7A;
	s5 =	simm.s32 @!p2 $0x0  }
0x1d: {  	s5 =	simm.s32 @p1 $0x1;
	p0 =	seq.s32 s7, s2  }
0x1e: {  	s7 =	smul.u32 @!p0 $0xF7A, s2;
	p2 =	seq.s32 @!p0 s5, $0x0  }
0x1f: {  	s9 =	smul.u32 $0xF7A, s1;
	s8 =	simm.s32 @!p0 $0x1BF5;
	p2 =	por !p2, p0  }
0x20: {  	[sflag:s8] =	ssyncset.s32 @!p0 $0xFFFFF086;
	s6 =	sadd.s32 @!p0 s3, s7;
	s7 =	simm.s32 @!p0 $0x108  }
0x21: {  	s3 =	sadd.s32 s3, s9;
	s6 =	sadd.s32 @!p0 $0x88, s6;
	s7 =	simm.s32 @p2 $0x1082  }
0x22: {  	[simem:s7], [sflag:s8] =	dma.local @!p0 [hbm:s6], $0xF7A  }
0x23: {  	s9 =	sor.u32 $0xD0000000, s2;
	s6 =	simm.s32 $0x108;
	_ =	swait.ge @!p0 [sflag:s8], $0x0  }
0x24: {  	s3 =	sadd.s32 $0x88, s3;
	s6 =	simm.s32 @!p1 $0x1082;
	[sflag:s4] =	ssyncset.s32 $0xFFFFF086  }
0x25: {  	[simem:s6], [sflag:s4] =	dma.local [hbm:s3], $0xF7A  }
0x26: {  	[smem:$0x3F91] =	sst s1;
	(tag) =	ssettag s2;
	_ =	strace s9  }
0x27: {  	s1 =	sld [smem:$0x3FA1]  }
0x28: {  	s2 =	sld [smem:$0x3FA2]  }
0x29: {  	s4 =	sld [smem:$0x3FA4]  }
0x2a: {  	p0 =	seq.s32 s5, $0x0;
	s5 =	sld [smem:$0x3FA5]  }
0x2b: {  	s6 =	sld [smem:$0x3FA6]  }
0x2c: {  	s7 =	sld [smem:$0x3FA7]  }
0x2d: {  	s3 =	simm.s32 $0x108;
	s8 =	sld [smem:$0x3FA8]  }
0x2e: {  	s3 =	simm.s32 @!p0 $0x1082;
	s9 =	sld [smem:$0x3FA9]  }
0x2f: {  	lr =	sadd.s32 s0, s3;
	s0 =	sld [smem:$0x3FA0]  }
0x30: {  	s3 =	sld [smem:$0x3FA3]  }
0x31: {  	[smem:$0x3FAC] =	sst s10  }
0x32: {  	s10 =	sld [smem:$0x3FAA];
	_ =	sdelay $0x3  }
0x33: {  	p0 =	seq.s32 s10, $0x1;
	s10 =	sld [smem:$0x3FAC];
	_ =	sdelay $0x3  }
0x34: {  	[smem:$0x3FAC] =	sst s10  }
0x35: {  	s10 =	sld [smem:$0x3FAB];
	_ =	sdelay $0x3  }
0x36: {  	p1 =	seq.s32 s10, $0x1;
	s10 =	sld [smem:$0x3FAC];
	_ =	sdelay $0x3  }
0x37: {  	[smem:$0x3FAC] =	sst s10  }
0x38: {  	s10 =	sld [smem:$0x3FAD]  }
0x39: {  	_ = 	snop;
	(pc) =	sbr.ind lr, $3  }
0x3a: {  	_ = 	snop  }
0x3b: {  	_ = 	snop  }
0x3c: {  	p2 =	seq.s32 s10, $0x1;
	s10 =	sld [smem:$0x3FAC]  }
0x3d: {  	_ =	shalt  }
0x3e: {  	_ =	shalt  }
0x3f: {  	_ =	shalt  }
0x40: {  	_ =	shalt  }
0x41: {  	_ =	shalt  }
0x42: {  	_ =	shalt  }
0x43: {  	_ =	shalt  }
0x44: {  	_ =	shalt  }
0x45: {  	_ =	shalt  }
0x46: {  	_ =	shalt  }
0x47: {  	_ =	shalt  }
0x48: {  	_ =	shalt  }
0x49: {  	_ =	shalt  }
0x4a: {  	_ =	shalt  }
0x4b: {  	_ =	shalt  }
0x4c: {  	_ =	shalt  }
0x4d: {  	_ =	shalt  }
0x4e: {  	_ =	shalt  }
0x4f: {  	_ =	shalt  }
0x50: {  	_ =	shalt  }
0x51: {  	_ =	shalt  }
0x52: {  	_ =	shalt  }
0x53: {  	_ =	shalt  }
0x54: {  	_ =	shalt  }
0x55: {  	_ =	shalt  }
0x56: {  	_ =	shalt  }
0x57: {  	_ =	shalt  }
0x58: {  	_ =	shalt  }
0x59: {  	_ =	shalt  }
0x5a: {  	_ =	shalt  }
0x5b: {  	_ =	shalt  }
0x5c: {  	_ =	shalt  }
0x5d: {  	_ =	shalt  }
0x5e: {  	_ =	shalt  }
0x5f: {  	_ =	shalt  }
0x60: {  	_ =	shalt  }
0x61: {  	_ =	shalt  }
0x62: {  	_ =	shalt  }
0x63: {  	_ =	shalt  }
0x64: {  	_ =	shalt  }
0x65: {  	_ =	shalt  }
0x66: {  	_ =	shalt  }
0x67: {  	_ =	shalt  }
0x68: {  	_ =	shalt  }
0x69: {  	_ =	shalt  }
0x6a: {  	_ =	shalt  }
0x6b: {  	_ =	shalt  }
0x6c: {  	_ =	shalt  }
0x6d: {  	_ =	shalt  }
0x6e: {  	_ =	shalt  }
0x6f: {  	_ =	shalt  }
0x70: {  	_ =	shalt  }
0x71: {  	_ =	shalt  }
0x72: {  	_ =	shalt  }
0x73: {  	_ =	shalt  }
0x74: {  	_ =	shalt  }
0x75: {  	_ =	shalt  }
0x76: {  	_ =	shalt  }
0x77: {  	_ =	shalt  }
0x78: {  	_ =	shalt  }
0x79: {  	_ =	shalt  }
0x7a: {  	_ =	shalt  }
0x7b: {  	_ =	shalt  }
0x7c: {  	_ =	shalt  }
0x7d: {  	_ =	shalt  }
0x7e: {  	_ =	shalt  }
0x7f: {  	_ =	shalt  }
0x80: {  	_ =	shalt  }
0x81: {  	_ =	shalt  }
0x82: {  	_ =	shalt  }
0x83: {  	_ =	shalt  }
0x84: {  	_ =	shalt  }
0x85: {  	_ =	shalt  }
0x86: {  	_ =	shalt  }
0x87: {  	_ =	shalt  }
.Lfunc_end0:
.L_simem_size_0:
called_computation.2_lowered:
.L_overlay_start_0:
0x88: {  	s2 =	sld [smem:$0x3FD9]  }
0x89: {  	s3 =	sld [smem:$0x3FFE];
	_ =	sdelay $0x1  }
0x8a: {  	s1 =	srdreg.scid  }
0x8b: {  	s0 =	sand.u32 $0x1, s1  }
0x8c: {  	s16 =	sshll.u32 s0, $0xA;
	s2 =	sadd.s32 s3, s2  }
0x8d: {  	s2 =	sadd.s32 s2, s16  }
0x8e: {  	[smem:$0x3FB8] =	sst s2  }
0x8f: {  	_ = 	snop  }
0x90: {  	(tm) =	ssettm $0x1  }
0x91: {  	s17 =	sld [smem:$0x3FFB];
	_ =	sdelay $0x3  }
0x92: {  	_ =	strace s17  }
0x93: {  	s2 =	sld [smem:$0x3FFC];
	_ =	sdelay $0x3  }
0x94: {  	_ =	strace s2  }
0x95: {  	s2 =	sld [smem:$0x3FFD];
	_ =	sdelay $0x3  }
0x96: {  	_ =	strace s2  }
0x97: {  	_ =	strace $0x8FFFFFFF  }
0x98: {  	s18 =	sld [smem:$0x3FDB];
	_ =	sdelay $0x1  }
0x99: {  	s19 =	simm.s32 $_scs_section_size  }
0x9a: {  	s4 =	simm.s32 $_size__tile_overlayer_lowered;
	s5 =	simm.s32 $_tile_overlayer_lowered  }
0x9b: {  	s22 =	simm.s32 $0x1BFF;
	s21 =	sshll.u32 s5, $0x1;
	s2 =	sadd.s32 s19, s18  }
0x9c: {  	s6 =	simm.s32 $0x0;
	s20 =	sshll.u32 s4, $0x1;
	s4 =	sadd.s32 s21, s2  }
0x9d: {  	[timem:s6], [sflag:s22] =	dma.local [hbm:s4], s20  }
0x9e: {  	_ =	swait.ge [sflag:s22], s20  }
0x9f: {  	s3 =	ssub.s32 $0x0, s20;
	[sflag:s22] =	ssyncset.done $0x0  }
0xa0: {  	[sflag:s22] =	ssyncadd.s32 s3;
	_ =	sdelay $0x1  }
0xa1: {  	s23 =	simm.s32 $0x1B8B  }
0xa2: {  	_ =	swait.ge [sflag:s23], $0x1  }
0xa3: {  	[sflag:s23] =	ssyncset.done $0x0  }
0xa4: {  	s25 =	simm.s32 $0x1B8E;
	s24 =	sld [smem:$0x3FFE];
	[sflag:s23] =	ssyncadd.s32 $0xFFFFFFFF  }
0xa5: {  	s26 =	simm.s32 $execute0_lowered;
	[smem:$0x3FD2] =	sst s25  }
0xa6: {  	s4 =	sshll.u32 s26, $0x1;
	_ =	strace $0x8000004C;
	[dreg:$0x1] =	wrdreg $0xFFFFFFFF  }
0xa7: {  	s28 =	simm.s32 $_size_execute0_lowered;
	s2 =	sadd.s32 s2, s4;
	[dreg:$0x0] =	wrdreg $0x0  }
0xa8: {  	s4 =	sshll.u32 s28, $0x1;
	[dreg:$0x2] =	wrdreg s2  }
0xa9: {  	[dreg:$0x3] =	wrdreg s4  }
0xaa: {  	[dreg:$0x4] =	wrdreg $0xC0  }
0xab: {  	_ =	task [dreg:s6], $0x5FFFF  }
0xac: {  	[dreg:$0x1] =	wrdreg $0xFFFFFFFF  }
0xad: {  	[dreg:$0x0] =	wrdreg $0x60  }
0xae: {  	[dreg:$0x2] =	wrdreg s24  }
0xaf: {  	[dreg:$0x3] =	wrdreg $0x41000  }
0xb0: {  	[dreg:$0x4] =	wrdreg $0x9  }
0xb1: {  	_ =	task.clear_ibuf [dreg:s6], $0x5FFFF;
	_ =	strace $0x9000004C  }
0xb2: {  	s29 =	simm.s32 $0x9;
	_ =	strace $0x8000004E  }
0xb3: {  	_ =	swait.ge [sflag:s29], $0x1  }
0xb4: {  	[sflag:s29] =	ssyncadd.s32 $0xFFFFFFFF  }
0xb5: {  	_ =	strace $0x9000004E  }
0xb6: {  	_ =	sfence  }
0xb7: {  	s30 =	sld [smem:$0x0];
	_ =	sdelay $0x2  }
0xb8: {  	s31 =	sshll.u32 s1, $0xD;
	s1 =	sshrl.u32 s1, $0x2  }
0xb9: {  	s3 =	sand.u32 $0x4000, s31;
	s1 =	sadd.s32 s1, s30  }
0xba: {  	s0 =	sor.u32 s3, s0;
	s1 =	sshll.u32 s1, $0x11  }
0xbb: {  	s0 =	sor.u32 s1, s0  }
0xbc: {  	s0 =	sadd.s32 $0x8F2B, s0  }
0xbd: {  	[sflag:s0] =	ssyncadd.remote.s32 $0x1  }
0xbe: {  	_ =	sfence.sel $0xFFFF  }
0xbf: {  	[dreg:$0x0] =	wrdreg $0xFFFFFFFF;
	(pc) =	sbr.abs _section_cstart, $3  }
0xc0: {  	[dreg:$0x1] =	wrdreg $0xFFFFFFFF  }
0xc1: {  	_ =	task.clear_ibuf [dreg:s6], $0x2FFFF;
	_ =	strace $0x9FFFFFFF  }
0xc2: {  	(tm) =	ssettm $0x7FFFFFFF  }
0xc3: {  	_ =	shalt  }
tec
execute0_lowered:
.L_overlay_start_1:
0x0: {  	(tag) =	ssettag $0x1  }
0x1: {  	s7 =	rddreg [dreg:$0x0]  }
0x2: {  	s1 =	rddreg [dreg:$0x1]  }
0x3: {  	s0 =	rddreg [dreg:$0x2];
	s2 =	simm.s32 $0x0  }
0x4: {  	s6 =	srdreg.scid;
	s3 =	stileid.u32;
	s19 =	simm.s32 $0x100  }
0x5: {  	s20 =	simm.s32 $0x1;
	s21 =	simm.s32 $0x0;
	[smem:$0x7FF] =	sst s2  }
0x6: {  	s12 =	sadd.s32 $0x15BE00, s7;
	s4 =	sadd.s32 $0x3A00, s7;
	s9 =	smul.u32 $0x13C00, s3  }
0x7: {  	s5 =	sadd.s32 $0x203E00, s7;
	s8 =	sand.u32 $0x1, s6;
	s13 =	smul.u32 $0x4F000, s3  }
0x8: {  	s6 =	sadd.s32 $0x1F9E00, s7;
	s14 =	sadd.s32 $0x9FE00, s7;
	s11 =	smul.u32 $0x278000, s8  }
0x9: {  	s18 =	sshll.u32 s3, $0x6;
	_ =	strace $0x8000004D;
	s30 =	smul.u32 $0xA0000, s8  }
0xa: {  	s10 =	ssub.s32 $0x2, s8;
	s26 =	sshllo.u32 s8, $0x1;
	s8 =	smul.u32 $0x5000, s3  }
0xb: {  	s24 =	sshrl.u32 s10, $0x1;
	s28 =	sshrl.u32 s13, $0x2;
	s16 =	smul.u32 $0x13C000, s26  }
0xc: {  	s31 =	smul.u32 $0x50000, s26;
	s15 =	ssub.s32 s10, s24;
	s25 =	sadd.s32 s9, s11  }
0xd: {  	s17 =	sadd.s32 s28, s1;
	s10 =	sadd.s32 s30, s8;
	s29 =	sshrl.u32 s25, $0x3  }
0xe: {  	s16 =	sadd.s32 s9, s16;
	s9 =	sor.u32 $0x1C02, s18;
	s13 =	sadd.s32 s31, s8  }
0xf: {  	s15 =	smax.u32 s15, $0x1;
	s18 =	simm.s32 $0x80;
	s16 =	sshrl.u32 s16, $0x3  }
0x10: {  	s7 =	sadd.s32 s12, s29;
	s11 =	sadd.s32 s14, s29;
	s12 =	sadd.s32 s12, s16  }
0x11: {  	s14 =	sadd.s32 s14, s16;
	s16 =	sshrl.u32 s17, $0x3;
	s17 =	simm.s32 $0x2  }
.LBB2_1:
0x12: {  	[spmem:s16], [sflag:s9] =	dma.local [hbm:s7], $0x2780  }
0x13: {  	s22 =	sand.u32 $0x7C00, s2  }
0x14: {  	s23 =	sand.u32 $0x380, s2;
	_ =	swait.ge [sflag:s17], $0x2780;
	s24 =	sadd.s32 s10, s22  }
0x15: {  	[sflag:s17] =	ssyncset.done $0x0;
	s24 =	sor.u32 s23, s24  }
0x16: {  	[sflag:s17] =	ssyncadd.s32 $0xFFFFD880;
	s24 =	sshrl.u32 s24, $0x3  }
0x17: {  	s22 =	sadd.s32 s8, s22;
	[bflag:$0x0] =	sbarrier.arrive $0xFFFF;
	s24 =	sadd.s32 s5, s24  }
0x18: {  	[tilespmem:s2], [sflag:$0x2] =	stream.linear.gather [hbm4b:s24+s2], $0x80, $0x38;
	[tilespmem:$0x17D00] =	vst v63  }
0x19: {  	s22 =	sor.u32 s23, s22;
	_ =	swait.ge [sflag:s17], $0x80  }
0x1a: {  	s22 =	sshrl.u32 s22, $0x3;
	[sflag:s17] =	ssyncset.done $0x0  }
0x1b: {  	s22 =	sadd.s32 s6, s22;
	[sflag:s17] =	ssyncadd.s32 $0xFFFFFF80  }
0x1c: {  	[tilespmem:s18], [sflag:$0x2] =	stream.linear.gather [hbm4b:s22+s2], $0x80, $0x38;
	[tilespmem:$0x17D00] =	vst v63  }
0x1d: {  	_ =	swait.ge [sflag:s17], $0x80  }
0x1e: {  	s29 =	simm.s32 $0x80;
	[sflag:s17] =	ssyncset.done $0x0  }
0x1f: {  	s30 =	sand.u32 $0x7C00, s29;
	[sflag:s17] =	ssyncadd.s32 $0xFFFFFF80  }
0x20: {  	[tilespmem:s19], [sflag:$0x1] =	stream.indirect.gather [hbm4b:s4+s18], $0x80, s2, s18, $0xb8;
	[tilespmem:$0x17D00] =	vst v63  }
0x21: {  	s31 =	sadd.s32 s10, s30;
	s25 =	sadd.s32 s8, s30;
	_ =	swait.ge [sflag:s20], $0x4000  }
0x22: {  	s23 =	simm.s32 $0x100;
	s22 =	sand.u32 $0x380, s29;
	[sflag:s20] =	ssyncset.done $0x0  }
0x23: {  	s24 =	sor.u32 s22, s31;
	s22 =	sor.u32 s22, s25;
	[sflag:s20] =	ssyncadd.s32 $0xFFFFC000  }
0x24: {  	[spmem:s1] =	stream.indirect.scatter.add.f32 [tilespmem:s19], [sflag:$0x2], $0x80, s18, s18, $0xb8;
	[tilespmem:$0x17D00] =	vst v63  }
.LBB2_2:
0x25: {  	s24 =	sshrl.u32 s24, $0x3  }
0x26: {  	s22 =	sshrl.u32 s22, $0x3;
	_ =	swait.ge [sflag:s17], $0x4000;
	s25 =	smov.u32 s23  }
0x27: {  	s26 =	sadd.s32 $0x80, s23;
	s24 =	sadd.s32 s5, s24;
	[sflag:s17] =	ssyncset.done $0x0  }
0x28: {  	p0 =	sne.s32 s23, $0x4E00;
	[sflag:s17] =	ssyncadd.s32 $0xFFFFC000  }
0x29: {  	[tilespmem:s2], [sflag:$0x2] =	stream.linear.gather [hbm4b:s24+s2], $0x80, $0x38;
	[tilespmem:$0x17D00] =	vst v63  }
0x2a: {  	_ =	swait.ge [sflag:s17], $0x80  }
0x2b: {  	[sflag:s17] =	ssyncset.done $0x0  }
0x2c: {  	s22 =	sadd.s32 s6, s22;
	[sflag:s17] =	ssyncadd.s32 $0xFFFFFF80  }
0x2d: {  	[tilespmem:s18], [sflag:$0x2] =	stream.linear.gather [hbm4b:s22+s2], $0x80, $0x38;
	[tilespmem:$0x17D00] =	vst v63  }
0x2e: {  	_ =	swait.ge [sflag:s17], $0x80  }
0x2f: {  	[sflag:s17] =	ssyncset.done $0x0  }
0x30: {  	[sflag:s17] =	ssyncadd.s32 $0xFFFFFF80  }
0x31: {  	[tilespmem:s19], [sflag:$0x1] =	stream.indirect.gather [hbm4b:s4+s18], $0x80, s2, s18, $0xb8;
	[tilespmem:$0x17D00] =	vst v63  }
.Ltmp0:
0x32: {  	_ =	swait.ge [sflag:s20], $0x4000;
	(pc) =	sbr.rel @p0 .LBB2_2-.Ltmp0, $4  }
0x33: {  	s23 =	sand.u32 $0x380, s25;
	s22 =	sand.u32 $0x7C00, s25;
	[sflag:s20] =	ssyncset.done $0x0  }
0x34: {  	s24 =	sadd.s32 s10, s22;
	s22 =	sadd.s32 s8, s22;
	[sflag:s20] =	ssyncadd.s32 $0xFFFFC000  }
0x35: {  	s24 =	sor.u32 s23, s24;
	s22 =	sor.u32 s23, s22;
	s23 =	smov.u32 s26  }
0x36: {  	[spmem:s1] =	stream.indirect.scatter.add.f32 [tilespmem:s19], [sflag:$0x2], $0x80, s18, s18, $0xb8;
	[tilespmem:$0x17D00] =	vst v63  }
0x37: {  	_ =	swait.ge [sflag:s17], $0x4000  }
0x38: {  	s23 =	sshrl.u32 s24, $0x3;
	[sflag:s17] =	ssyncset.done $0x0  }
0x39: {  	s23 =	sadd.s32 s5, s23;
	[sflag:s17] =	ssyncadd.s32 $0xFFFFC000  }
0x3a: {  	[tilespmem:s2], [sflag:$0x2] =	stream.linear.gather [hbm4b:s23+s2], $0x80, $0x38;
	[tilespmem:$0x17D00] =	vst v63  }
0x3b: {  	_ =	swait.ge [sflag:s17], $0x80  }
0x3c: {  	s22 =	sshrl.u32 s22, $0x3;
	[sflag:s17] =	ssyncset.done $0x0  }
0x3d: {  	s22 =	sadd.s32 s6, s22;
	[sflag:s17] =	ssyncadd.s32 $0xFFFFFF80  }
0x3e: {  	[tilespmem:s18], [sflag:$0x2] =	stream.linear.gather [hbm4b:s22+s2], $0x80, $0x38;
	[tilespmem:$0x17D00] =	vst v63  }
0x3f: {  	_ =	swait.ge [sflag:s17], $0x80  }
0x40: {  	[sflag:s17] =	ssyncset.done $0x0  }
0x41: {  	[sflag:s17] =	ssyncadd.s32 $0xFFFFFF80  }
0x42: {  	[tilespmem:s19], [sflag:$0x1] =	stream.indirect.gather [hbm4b:s4+s18], $0x80, s2, s18, $0xb8;
	[tilespmem:$0x17D00] =	vst v63  }
0x43: {  	_ =	swait.ge [sflag:s20], $0x4000  }
0x44: {  	[sflag:s20] =	ssyncset.done $0x0  }
0x45: {  	[sflag:s20] =	ssyncadd.s32 $0xFFFFC000  }
0x46: {  	[spmem:s1] =	stream.indirect.scatter.add.f32 [tilespmem:s19], [sflag:$0x2], $0x80, s18, s18, $0xb8;
	[tilespmem:$0x17D00] =	vst v63  }
0x47: {  	_ =	swait.ge [sflag:s17], $0x4000  }
0x48: {  	[sflag:s17] =	ssyncset.done $0x0  }
0x49: {  	[sflag:s17] =	ssyncadd.s32 $0xFFFFC000  }
0x4a: {  	[bflag:$0x0] =	sbarrier.arrive $0xFFFF  }
0x4b: {  	[hbm:s11], [sflag:s9] =	dma.local [spmem:s16], $0x2780  }
0x4c: {  	_ =	swait.ge [sflag:s17], $0x2780  }
0x4d: {  	[sflag:s17] =	ssyncset.done $0x0  }
0x4e: {  	s25 =	simm.s32 $0x0;
	[sflag:s17] =	ssyncadd.s32 $0xFFFFD880  }
0x4f: {  	s26 =	sand.u32 $0x7C00, s25;
	[bflag:$0x0] =	sbarrier.arrive $0xFFFF  }
0x50: {  	[spmem:s16], [sflag:s9] =	dma.local [hbm:s12], $0x2780  }
0x51: {  	s28 =	sadd.s32 s13, s26;
	s22 =	sand.u32 $0x380, s25;
	_ =	swait.ge [sflag:s17], $0x2780  }
0x52: {  	s24 =	sor.u32 s22, s28;
	[sflag:s17] =	ssyncset.done $0x0  }
0x53: {  	s24 =	sshrl.u32 s24, $0x3;
	[sflag:s17] =	ssyncadd.s32 $0xFFFFD880  }
0x54: {  	s23 =	sadd.s32 s8, s26;
	s24 =	sadd.s32 s5, s24;
	[bflag:$0x0] =	sbarrier.arrive $0xFFFF  }
0x55: {  	[tilespmem:s2], [sflag:$0x2] =	stream.linear.gather [hbm4b:s24+s2], $0x80, $0x38;
	[tilespmem:$0x17D00] =	vst v63  }
0x56: {  	s22 =	sor.u32 s22, s23;
	_ =	swait.ge [sflag:s17], $0x80  }
0x57: {  	s22 =	sshrl.u32 s22, $0x3;
	[sflag:s17] =	ssyncset.done $0x0  }
0x58: {  	s22 =	sadd.s32 s6, s22;
	[sflag:s17] =	ssyncadd.s32 $0xFFFFFF80  }
0x59: {  	[tilespmem:s18], [sflag:$0x2] =	stream.linear.gather [hbm4b:s22+s2], $0x80, $0x38;
	[tilespmem:$0x17D00] =	vst v63  }
0x5a: {  	_ =	swait.ge [sflag:s17], $0x80  }
0x5b: {  	s29 =	simm.s32 $0x80;
	[sflag:s17] =	ssyncset.done $0x0  }
0x5c: {  	s30 =	sand.u32 $0x7C00, s29;
	[sflag:s17] =	ssyncadd.s32 $0xFFFFFF80  }
0x5d: {  	[tilespmem:s19], [sflag:$0x1] =	stream.indirect.gather [hbm4b:s4+s18], $0x80, s2, s18, $0xb8;
	[tilespmem:$0x17D00] =	vst v63  }
0x5e: {  	s31 =	sadd.s32 s13, s30;
	s25 =	sadd.s32 s8, s30;
	_ =	swait.ge [sflag:s20], $0x4000  }
0x5f: {  	s23 =	simm.s32 $0x100;
	s22 =	sand.u32 $0x380, s29;
	[sflag:s20] =	ssyncset.done $0x0  }
0x60: {  	s24 =	sor.u32 s22, s31;
	s22 =	sor.u32 s22, s25;
	[sflag:s20] =	ssyncadd.s32 $0xFFFFC000  }
0x61: {  	[spmem:s1] =	stream.indirect.scatter.add.f32 [tilespmem:s19], [sflag:$0x2], $0x80, s18, s18, $0xb8;
	[tilespmem:$0x17D00] =	vst v63  }
.LBB2_4:
0x62: {  	s24 =	sshrl.u32 s24, $0x3  }
0x63: {  	s22 =	sshrl.u32 s22, $0x3;
	_ =	swait.ge [sflag:s17], $0x4000;
	s25 =	smov.u32 s23  }
0x64: {  	s26 =	sadd.s32 $0x80, s23;
	s24 =	sadd.s32 s5, s24;
	[sflag:s17] =	ssyncset.done $0x0  }
0x65: {  	p0 =	sne.s32 s23, $0x4E00;
	[sflag:s17] =	ssyncadd.s32 $0xFFFFC000  }
0x66: {  	[tilespmem:s2], [sflag:$0x2] =	stream.linear.gather [hbm4b:s24+s2], $0x80, $0x38;
	[tilespmem:$0x17D00] =	vst v63  }
0x67: {  	_ =	swait.ge [sflag:s17], $0x80  }
0x68: {  	[sflag:s17] =	ssyncset.done $0x0  }
0x69: {  	s22 =	sadd.s32 s6, s22;
	[sflag:s17] =	ssyncadd.s32 $0xFFFFFF80  }
0x6a: {  	[tilespmem:s18], [sflag:$0x2] =	stream.linear.gather [hbm4b:s22+s2], $0x80, $0x38;
	[tilespmem:$0x17D00] =	vst v63  }
0x6b: {  	_ =	swait.ge [sflag:s17], $0x80  }
0x6c: {  	[sflag:s17] =	ssyncset.done $0x0  }
0x6d: {  	[sflag:s17] =	ssyncadd.s32 $0xFFFFFF80  }
0x6e: {  	[tilespmem:s19], [sflag:$0x1] =	stream.indirect.gather [hbm4b:s4+s18], $0x80, s2, s18, $0xb8;
	[tilespmem:$0x17D00] =	vst v63  }
.Ltmp1:
0x6f: {  	_ =	swait.ge [sflag:s20], $0x4000;
	(pc) =	sbr.rel @p0 .LBB2_4-.Ltmp1, $4  }
0x70: {  	s23 =	sand.u32 $0x380, s25;
	s22 =	sand.u32 $0x7C00, s25;
	[sflag:s20] =	ssyncset.done $0x0  }
0x71: {  	s24 =	sadd.s32 s13, s22;
	s22 =	sadd.s32 s8, s22;
	[sflag:s20] =	ssyncadd.s32 $0xFFFFC000  }
0x72: {  	s24 =	sor.u32 s23, s24;
	s22 =	sor.u32 s23, s22;
	s23 =	smov.u32 s26  }
0x73: {  	[spmem:s1] =	stream.indirect.scatter.add.f32 [tilespmem:s19], [sflag:$0x2], $0x80, s18, s18, $0xb8;
	[tilespmem:$0x17D00] =	vst v63  }
0x74: {  	_ =	swait.ge [sflag:s17], $0x4000  }
0x75: {  	s23 =	sshrl.u32 s24, $0x3;
	[sflag:s17] =	ssyncset.done $0x0  }
0x76: {  	s23 =	sadd.s32 s5, s23;
	[sflag:s17] =	ssyncadd.s32 $0xFFFFC000  }
0x77: {  	[tilespmem:s2], [sflag:$0x2] =	stream.linear.gather [hbm4b:s23+s2], $0x80, $0x38;
	[tilespmem:$0x17D00] =	vst v63  }
0x78: {  	_ =	swait.ge [sflag:s17], $0x80  }
0x79: {  	s22 =	sshrl.u32 s22, $0x3;
	[sflag:s17] =	ssyncset.done $0x0  }
0x7a: {  	s22 =	sadd.s32 s6, s22;
	[sflag:s17] =	ssyncadd.s32 $0xFFFFFF80  }
0x7b: {  	[tilespmem:s18], [sflag:$0x2] =	stream.linear.gather [hbm4b:s22+s2], $0x80, $0x38;
	[tilespmem:$0x17D00] =	vst v63  }
0x7c: {  	_ =	swait.ge [sflag:s17], $0x80  }
0x7d: {  	[sflag:s17] =	ssyncset.done $0x0  }
0x7e: {  	[sflag:s17] =	ssyncadd.s32 $0xFFFFFF80  }
0x7f: {  	[tilespmem:s19], [sflag:$0x1] =	stream.indirect.gather [hbm4b:s4+s18], $0x80, s2, s18, $0xb8;
	[tilespmem:$0x17D00] =	vst v63  }
0x80: {  	_ =	swait.ge [sflag:s20], $0x4000  }
0x81: {  	[sflag:s20] =	ssyncset.done $0x0  }
0x82: {  	[sflag:s20] =	ssyncadd.s32 $0xFFFFC000  }
0x83: {  	[spmem:s1] =	stream.indirect.scatter.add.f32 [tilespmem:s19], [sflag:$0x2], $0x80, s18, s18, $0xb8;
	[tilespmem:$0x17D00] =	vst v63  }
0x84: {  	_ =	swait.ge [sflag:s17], $0x4000  }
0x85: {  	[sflag:s17] =	ssyncset.done $0x0  }
0x86: {  	s21 =	sadd.s32 $0x1, s21;
	[sflag:s17] =	ssyncadd.s32 $0xFFFFC000  }
0x87: {  	p0 =	sne.s32 s21, s15;
	[bflag:$0x0] =	sbarrier.arrive $0xFFFF  }
0x88: {  	[hbm:s14], [sflag:s9] =	dma.local [spmem:s16], $0x2780  }
.Ltmp2:
0x89: {  	_ =	swait.ge [sflag:s17], $0x2780;
	(pc) =	sbr.rel @p0 .LBB2_1-.Ltmp2, $3  }
0x8a: {  	[sflag:s17] =	ssyncset.done $0x0  }
0x8b: {  	[sflag:s17] =	ssyncadd.s32 $0xFFFFD880  }
0x8c: {  	[bflag:$0x0] =	sbarrier.arrive $0xFFFF;
	_ =	sdelay $0x1  }
0x8d: {  	_ =	sfence.sel $0x180000  }
0x8e: {  	[bflag:$0x0] =	sbarrier.arrive $0xFFFF  }
0x8f: {  	p0 =	sne.s32 s3, $0x0;
	_ =	strace $0x9000004D  }
0x90: {  	s0 =	sadd.s32 @!p0 $0x100000, s0;
	[bflag:$0x2] =	sbarrier.arrive $0xFFFF  }
0x91: {  	[sflag:s0] =	ssyncadd.tile.s32 @!p0 $0x1;
	_ =	shalt  }
.Lfunc_end2:
_tile_overlayer_lowered:
.L_overlay_start_2:
0x92: {  	(tag) =	ssettag $0x2  }
0x93: {  	s0 =	rddreg [dreg:$0x0];
	s2 =	stileid.u32  }
0x94: {  	s1 =	rddreg [dreg:$0x1];
	p0 =	sne.s32 s2, $0x0  }
0x95: {  	s3 =	rddreg [dreg:$0x2];
	[bflag:$0x3] =	sbarrier.arrive $0xFFFF;
	s2 =	simm.s32 @!p0 $0x1C02  }
0x96: {  	[timem:s3], [sflag:s2] =	dma.local @!p0 [hbm:s0], s1  }
0x97: {  	s0 =	simm.s32 @!p0 $0x2  }
0x98: {  	_ =	swait.ge @!p0 [sflag:s0], s1  }
0x99: {  	s1 =	ssub.s32 @!p0 $0x0, s1;
	[sflag:s0] =	ssyncset.done @!p0 $0x0  }
0x9a: {  	[sflag:s0] =	ssyncadd.s32 @!p0 s1  }
0x9b: {  	[bflag:$0x3] =	sbarrier.arrive $0xFFFF  }
0x9c: {  	_ =	shalt  }

// kernel: kernel.21.cloned.1.call-start
scs
__scs_entry_jumppad:
0x0: {  	(pc) =	sbr.rel $0x88, $3  }
0x1: {  	(tag) =	ssettag $0x0;
	lr =	simm.s32 $0x1  }
0x2: {  	[smem:$0x3F91] =	sst lr;
	_ =	strace $0xD0000000  }
0x3: {  	_ = 	snop  }
0x4: {  	_ = 	snop  }
0x5: {  	_ = 	snop  }
0x6: {  	_ = 	snop  }
0x7: {  	_ = 	snop  }
__scs_overlays_trampoline_lowered:
0x8: {  	[smem:$0x3FA0] =	sst s0  }
0x9: {  	[smem:$0x3FA1] =	sst s1  }
0xa: {  	[smem:$0x3FA2] =	sst s2  }
0xb: {  	[smem:$0x3FA3] =	sst s3  }
0xc: {  	[smem:$0x3FA4] =	sst s4  }
0xd: {  	[smem:$0x3FA5] =	sst s5  }
0xe: {  	[smem:$0x3FA6] =	sst s6  }
0xf: {  	[smem:$0x3FA7] =	sst s7  }
0x10: {  	[smem:$0x3FA8] =	sst s8  }
0x11: {  	[smem:$0x3FA9] =	sst s9;
	s0 =	simm.s32 @!p0 $0x0  }
0x12: {  	s1 =	sld [smem:$0x3F8F];
	s0 =	simm.s32 @p0 $0x1  }
0x13: {  	[smem:$0x3FAA] =	sst s0;
	s0 =	simm.s32 @!p1 $0x0  }
0x14: {  	s2 =	sld [smem:$0x3F8E];
	s0 =	simm.s32 @p1 $0x1  }
0x15: {  	[smem:$0x3FAB] =	sst s0;
	s0 =	simm.s32 @!p2 $0x0  }
0x16: {  	s3 =	sld [smem:$0x3FDB];
	s0 =	simm.s32 @p2 $0x1  }
0x17: {  	s4 =	simm.s32 $0x1BF5;
	[smem:$0x3FAD] =	sst s0  }
0x18: {  	s0 =	sld [smem:$0x3F90];
	_ =	swait.ge [sflag:s4], $0x0  }
0x19: {  	s7 =	sld [smem:$0x3F91]  }
0x1a: {  	s8 =	sadd.s32 $0xFFFFE003, lr  }
0x1b: {  	s9 =	sadd.s32 $0xFFFFFEF7, lr;
	s5 =	simm.s32 $0xFFFFFFFF;
	p2 =	slt.u32 s8, $0xFFFFF086  }
0x1c: {  	p1 =	slt.u32 s9, $0xF7A;
	s5 =	simm.s32 @!p2 $0x0  }
0x1d: {  	s5 =	simm.s32 @p1 $0x1;
	p0 =	seq.s32 s7, s2  }
0x1e: {  	s7 =	smul.u32 @!p0 $0xF7A, s2;
	p2 =	seq.s32 @!p0 s5, $0x0  }
0x1f: {  	s9 =	smul.u32 $0xF7A, s1;
	s8 =	simm.s32 @!p0 $0x1BF5;
	p2 =	por !p2, p0  }
0x20: {  	[sflag:s8] =	ssyncset.s32 @!p0 $0xFFFFF086;
	s6 =	sadd.s32 @!p0 s3, s7;
	s7 =	simm.s32 @!p0 $0x108  }
0x21: {  	s3 =	sadd.s32 s3, s9;
	s6 =	sadd.s32 @!p0 $0x88, s6;
	s7 =	simm.s32 @p2 $0x1082  }
0x22: {  	[simem:s7], [sflag:s8] =	dma.local @!p0 [hbm:s6], $0xF7A  }
0x23: {  	s9 =	sor.u32 $0xD0000000, s2;
	s6 =	simm.s32 $0x108;
	_ =	swait.ge @!p0 [sflag:s8], $0x0  }
0x24: {  	s3 =	sadd.s32 $0x88, s3;
	s6 =	simm.s32 @!p1 $0x1082;
	[sflag:s4] =	ssyncset.s32 $0xFFFFF086  }
0x25: {  	[simem:s6], [sflag:s4] =	dma.local [hbm:s3], $0xF7A  }
0x26: {  	[smem:$0x3F91] =	sst s1;
	(tag) =	ssettag s2;
	_ =	strace s9  }
0x27: {  	s1 =	sld [smem:$0x3FA1]  }
0x28: {  	s2 =	sld [smem:$0x3FA2]  }
0x29: {  	s4 =	sld [smem:$0x3FA4]  }
0x2a: {  	p0 =	seq.s32 s5, $0x0;
	s5 =	sld [smem:$0x3FA5]  }
0x2b: {  	s6 =	sld [smem:$0x3FA6]  }
0x2c: {  	s7 =	sld [smem:$0x3FA7]  }
0x2d: {  	s3 =	simm.s32 $0x108;
	s8 =	sld [smem:$0x3FA8]  }
0x2e: {  	s3 =	simm.s32 @!p0 $0x1082;
	s9 =	sld [smem:$0x3FA9]  }
0x2f: {  	lr =	sadd.s32 s0, s3;
	s0 =	sld [smem:$0x3FA0]  }
0x30: {  	s3 =	sld [smem:$0x3FA3]  }
0x31: {  	[smem:$0x3FAC] =	sst s10  }
0x32: {  	s10 =	sld [smem:$0x3FAA];
	_ =	sdelay $0x3  }
0x33: {  	p0 =	seq.s32 s10, $0x1;
	s10 =	sld [smem:$0x3FAC];
	_ =	sdelay $0x3  }
0x34: {  	[smem:$0x3FAC] =	sst s10  }
0x35: {  	s10 =	sld [smem:$0x3FAB];
	_ =	sdelay $0x3  }
0x36: {  	p1 =	seq.s32 s10, $0x1;
	s10 =	sld [smem:$0x3FAC];
	_ =	sdelay $0x3  }
0x37: {  	[smem:$0x3FAC] =	sst s10  }
0x38: {  	s10 =	sld [smem:$0x3FAD]  }
0x39: {  	_ = 	snop;
	(pc) =	sbr.ind lr, $3  }
0x3a: {  	_ = 	snop  }
0x3b: {  	_ = 	snop  }
0x3c: {  	p2 =	seq.s32 s10, $0x1;
	s10 =	sld [smem:$0x3FAC]  }
0x3d: {  	_ =	shalt  }
0x3e: {  	_ =	shalt  }
0x3f: {  	_ =	shalt  }
0x40: {  	_ =	shalt  }
0x41: {  	_ =	shalt  }
0x42: {  	_ =	shalt  }
0x43: {  	_ =	shalt  }
0x44: {  	_ =	shalt  }
0x45: {  	_ =	shalt  }
0x46: {  	_ =	shalt  }
0x47: {  	_ =	shalt  }
0x48: {  	_ =	shalt  }
0x49: {  	_ =	shalt  }
0x4a: {  	_ =	shalt  }
0x4b: {  	_ =	shalt  }
0x4c: {  	_ =	shalt  }
0x4d: {  	_ =	shalt  }
0x4e: {  	_ =	shalt  }
0x4f: {  	_ =	shalt  }
0x50: {  	_ =	shalt  }
0x51: {  	_ =	shalt  }
0x52: {  	_ =	shalt  }
0x53: {  	_ =	shalt  }
0x54: {  	_ =	shalt  }
0x55: {  	_ =	shalt  }
0x56: {  	_ =	shalt  }
0x57: {  	_ =	shalt  }
0x58: {  	_ =	shalt  }
0x59: {  	_ =	shalt  }
0x5a: {  	_ =	shalt  }
0x5b: {  	_ =	shalt  }
0x5c: {  	_ =	shalt  }
0x5d: {  	_ =	shalt  }
0x5e: {  	_ =	shalt  }
0x5f: {  	_ =	shalt  }
0x60: {  	_ =	shalt  }
0x61: {  	_ =	shalt  }
0x62: {  	_ =	shalt  }
0x63: {  	_ =	shalt  }
0x64: {  	_ =	shalt  }
0x65: {  	_ =	shalt  }
0x66: {  	_ =	shalt  }
0x67: {  	_ =	shalt  }
0x68: {  	_ =	shalt  }
0x69: {  	_ =	shalt  }
0x6a: {  	_ =	shalt  }
0x6b: {  	_ =	shalt  }
0x6c: {  	_ =	shalt  }
0x6d: {  	_ =	shalt  }
0x6e: {  	_ =	shalt  }
0x6f: {  	_ =	shalt  }
0x70: {  	_ =	shalt  }
0x71: {  	_ =	shalt  }
0x72: {  	_ =	shalt  }
0x73: {  	_ =	shalt  }
0x74: {  	_ =	shalt  }
0x75: {  	_ =	shalt  }
0x76: {  	_ =	shalt  }
0x77: {  	_ =	shalt  }
0x78: {  	_ =	shalt  }
0x79: {  	_ =	shalt  }
0x7a: {  	_ =	shalt  }
0x7b: {  	_ =	shalt  }
0x7c: {  	_ =	shalt  }
0x7d: {  	_ =	shalt  }
0x7e: {  	_ =	shalt  }
0x7f: {  	_ =	shalt  }
0x80: {  	_ =	shalt  }
0x81: {  	_ =	shalt  }
0x82: {  	_ =	shalt  }
0x83: {  	_ =	shalt  }
0x84: {  	_ =	shalt  }
0x85: {  	_ =	shalt  }
0x86: {  	_ =	shalt  }
0x87: {  	_ =	shalt  }
.Lfunc_end0:
.L_simem_size_0:
called_computation.3_lowered:
.L_overlay_start_0:
0x88: {  	s2 =	sld [smem:$0x3FD9]  }
0x89: {  	s3 =	sld [smem:$0x3FFE];
	_ =	sdelay $0x1  }
0x8a: {  	s1 =	srdreg.scid  }
0x8b: {  	s0 =	sand.u32 $0x1, s1  }
0x8c: {  	s16 =	sshll.u32 s0, $0xA;
	s2 =	sadd.s32 s3, s2  }
0x8d: {  	s2 =	sadd.s32 s2, s16  }
0x8e: {  	[smem:$0x3FB8] =	sst s2  }
0x8f: {  	_ = 	snop  }
0x90: {  	(tm) =	ssettm $0x1  }
0x91: {  	s17 =	sld [smem:$0x3FFB];
	_ =	sdelay $0x3  }
0x92: {  	_ =	strace s17  }
0x93: {  	s2 =	sld [smem:$0x3FFC];
	_ =	sdelay $0x3  }
0x94: {  	_ =	strace s2  }
0x95: {  	s2 =	sld [smem:$0x3FFD];
	_ =	sdelay $0x3  }
0x96: {  	_ =	strace s2  }
0x97: {  	_ =	strace $0x8FFFFFFF  }
0x98: {  	s18 =	sld [smem:$0x3FDB];
	_ =	sdelay $0x1  }
0x99: {  	s19 =	simm.s32 $_scs_section_size  }
0x9a: {  	s4 =	simm.s32 $_size__tile_overlayer_lowered;
	s5 =	simm.s32 $_tile_overlayer_lowered  }
0x9b: {  	s22 =	simm.s32 $0x1BFF;
	s21 =	sshll.u32 s5, $0x1;
	s2 =	sadd.s32 s19, s18  }
0x9c: {  	s6 =	simm.s32 $0x0;
	s20 =	sshll.u32 s4, $0x1;
	s4 =	sadd.s32 s21, s2  }
0x9d: {  	[timem:s6], [sflag:s22] =	dma.local [hbm:s4], s20  }
0x9e: {  	_ =	swait.ge [sflag:s22], s20  }
0x9f: {  	s3 =	ssub.s32 $0x0, s20;
	[sflag:s22] =	ssyncset.done $0x0  }
0xa0: {  	[sflag:s22] =	ssyncadd.s32 s3;
	_ =	sdelay $0x1  }
0xa1: {  	s23 =	simm.s32 $0x1B8B  }
0xa2: {  	_ =	swait.ge [sflag:s23], $0x1  }
0xa3: {  	[sflag:s23] =	ssyncset.done $0x0  }
0xa4: {  	s25 =	simm.s32 $0x1B8E;
	s24 =	sld [smem:$0x3FFE];
	[sflag:s23] =	ssyncadd.s32 $0xFFFFFFFF  }
0xa5: {  	s26 =	simm.s32 $execute0_lowered;
	[smem:$0x3FD2] =	sst s25  }
0xa6: {  	s4 =	sshll.u32 s26, $0x1;
	_ =	strace $0x8000004F;
	[dreg:$0x1] =	wrdreg $0xFFFFFFFF  }
0xa7: {  	s28 =	simm.s32 $_size_execute0_lowered;
	s2 =	sadd.s32 s2, s4;
	[dreg:$0x0] =	wrdreg $0x0  }
0xa8: {  	s4 =	sshll.u32 s28, $0x1;
	[dreg:$0x2] =	wrdreg s2  }
0xa9: {  	[dreg:$0x3] =	wrdreg s4  }
0xaa: {  	[dreg:$0x4] =	wrdreg $0xC0  }
0xab: {  	_ =	task [dreg:s6], $0x5FFFF  }
0xac: {  	[dreg:$0x1] =	wrdreg $0xFFFFFFFF  }
0xad: {  	[dreg:$0x0] =	wrdreg $0x60  }
0xae: {  	[dreg:$0x2] =	wrdreg s24  }
0xaf: {  	[dreg:$0x3] =	wrdreg $0x41000  }
0xb0: {  	[dreg:$0x4] =	wrdreg $0x9  }
0xb1: {  	_ =	task.clear_ibuf [dreg:s6], $0x5FFFF;
	_ =	strace $0x9000004F  }
0xb2: {  	s29 =	simm.s32 $0x9;
	_ =	strace $0x80000051  }
0xb3: {  	_ =	swait.ge [sflag:s29], $0x1  }
0xb4: {  	[sflag:s29] =	ssyncadd.s32 $0xFFFFFFFF  }
0xb5: {  	_ =	strace $0x90000051  }
0xb6: {  	_ =	sfence  }
0xb7: {  	s30 =	sld [smem:$0x0];
	_ =	sdelay $0x2  }
0xb8: {  	s31 =	sshll.u32 s1, $0xD;
	s1 =	sshrl.u32 s1, $0x2  }
0xb9: {  	s3 =	sand.u32 $0x4000, s31;
	s1 =	sadd.s32 s1, s30  }
0xba: {  	s0 =	sor.u32 s3, s0;
	s1 =	sshll.u32 s1, $0x11  }
0xbb: {  	s0 =	sor.u32 s1, s0  }
0xbc: {  	s0 =	sadd.s32 $0x8F2B, s0  }
0xbd: {  	[sflag:s0] =	ssyncadd.remote.s32 $0x1  }
0xbe: {  	_ =	sfence.sel $0xFFFF  }
0xbf: {  	[dreg:$0x0] =	wrdreg $0xFFFFFFFF;
	(pc) =	sbr.abs _section_cstart, $3  }
0xc0: {  	[dreg:$0x1] =	wrdreg $0xFFFFFFFF  }
0xc1: {  	_ =	task.clear_ibuf [dreg:s6], $0x2FFFF;
	_ =	strace $0x9FFFFFFF  }
0xc2: {  	(tm) =	ssettm $0x7FFFFFFF  }
0xc3: {  	_ =	shalt  }
tec
execute0_lowered:
.L_overlay_start_1:
0x0: {  	(tag) =	ssettag $0x1  }
0x1: {  	s7 =	rddreg [dreg:$0x0]  }
0x2: {  	s1 =	rddreg [dreg:$0x1]  }
0x3: {  	s0 =	rddreg [dreg:$0x2];
	s2 =	simm.s32 $0x0  }
0x4: {  	s6 =	srdreg.scid;
	s3 =	stileid.u32;
	s19 =	simm.s32 $0x100  }
0x5: {  	s20 =	simm.s32 $0x1;
	s21 =	simm.s32 $0x0;
	[smem:$0x7FF] =	sst s2  }
0x6: {  	s12 =	sadd.s32 $0x15BE00, s7;
	s4 =	sadd.s32 $0x3A00, s7;
	s9 =	smul.u32 $0x13C00, s3  }
0x7: {  	s5 =	sadd.s32 $0x203E00, s7;
	s8 =	sand.u32 $0x1, s6;
	s13 =	smul.u32 $0x4F000, s3  }
0x8: {  	s6 =	sadd.s32 $0x1F9E00, s7;
	s14 =	sadd.s32 $0x9FE00, s7;
	s11 =	smul.u32 $0x278000, s8  }
0x9: {  	s18 =	sshll.u32 s3, $0x6;
	_ =	strace $0x80000050;
	s30 =	smul.u32 $0xA0000, s8  }
0xa: {  	s10 =	ssub.s32 $0x2, s8;
	s26 =	sshllo.u32 s8, $0x1;
	s8 =	smul.u32 $0x5000, s3  }
0xb: {  	s24 =	sshrl.u32 s10, $0x1;
	s28 =	sshrl.u32 s13, $0x2;
	s16 =	smul.u32 $0x13C000, s26  }
0xc: {  	s31 =	smul.u32 $0x50000, s26;
	s15 =	ssub.s32 s10, s24;
	s25 =	sadd.s32 s9, s11  }
0xd: {  	s17 =	sadd.s32 s28, s1;
	s10 =	sadd.s32 s30, s8;
	s29 =	sshrl.u32 s25, $0x3  }
0xe: {  	s16 =	sadd.s32 s9, s16;
	s9 =	sor.u32 $0x1C02, s18;
	s13 =	sadd.s32 s31, s8  }
0xf: {  	s15 =	smax.u32 s15, $0x1;
	s18 =	simm.s32 $0x80;
	s16 =	sshrl.u32 s16, $0x3  }
0x10: {  	s7 =	sadd.s32 s12, s29;
	s11 =	sadd.s32 s14, s29;
	s12 =	sadd.s32 s12, s16  }
0x11: {  	s14 =	sadd.s32 s14, s16;
	s16 =	sshrl.u32 s17, $0x3;
	s17 =	simm.s32 $0x2  }
.LBB2_1:
0x12: {  	[spmem:s16], [sflag:s9] =	dma.local [hbm:s7], $0x2780  }
0x13: {  	s22 =	sand.u32 $0x7C00, s2  }
0x14: {  	s23 =	sand.u32 $0x380, s2;
	_ =	swait.ge [sflag:s17], $0x2780;
	s24 =	sadd.s32 s10, s22  }
0x15: {  	[sflag:s17] =	ssyncset.done $0x0;
	s24 =	sor.u32 s23, s24  }
0x16: {  	[sflag:s17] =	ssyncadd.s32 $0xFFFFD880;
	s24 =	sshrl.u32 s24, $0x3  }
0x17: {  	s22 =	sadd.s32 s8, s22;
	[bflag:$0x0] =	sbarrier.arrive $0xFFFF;
	s24 =	sadd.s32 s5, s24  }
0x18: {  	[tilespmem:s2], [sflag:$0x2] =	stream.linear.gather [hbm4b:s24+s2], $0x80, $0x38;
	[tilespmem:$0x17D00] =	vst v63  }
0x19: {  	s22 =	sor.u32 s23, s22;
	_ =	swait.ge [sflag:s17], $0x80  }
0x1a: {  	s22 =	sshrl.u32 s22, $0x3;
	[sflag:s17] =	ssyncset.done $0x0  }
0x1b: {  	s22 =	sadd.s32 s6, s22;
	[sflag:s17] =	ssyncadd.s32 $0xFFFFFF80  }
0x1c: {  	[tilespmem:s18], [sflag:$0x2] =	stream.linear.gather [hbm4b:s22+s2], $0x80, $0x38;
	[tilespmem:$0x17D00] =	vst v63  }
0x1d: {  	_ =	swait.ge [sflag:s17], $0x80  }
0x1e: {  	s29 =	simm.s32 $0x80;
	[sflag:s17] =	ssyncset.done $0x0  }
0x1f: {  	s30 =	sand.u32 $0x7C00, s29;
	[sflag:s17] =	ssyncadd.s32 $0xFFFFFF80  }
0x20: {  	[tilespmem:s19], [sflag:$0x1] =	stream.indirect.gather [hbm4b:s4+s18], $0x80, s2, s18, $0xb8;
	[tilespmem:$0x17D00] =	vst v63  }
0x21: {  	s31 =	sadd.s32 s10, s30;
	s25 =	sadd.s32 s8, s30;
	_ =	swait.ge [sflag:s20], $0x4000  }
0x22: {  	s23 =	simm.s32 $0x100;
	s22 =	sand.u32 $0x380, s29;
	[sflag:s20] =	ssyncset.done $0x0  }
0x23: {  	s24 =	sor.u32 s22, s31;
	s22 =	sor.u32 s22, s25;
	[sflag:s20] =	ssyncadd.s32 $0xFFFFC000  }
0x24: {  	[spmem:s1] =	stream.indirect.scatter.add.f32 [tilespmem:s19], [sflag:$0x2], $0x80, s18, s18, $0xb8;
	[tilespmem:$0x17D00] =	vst v63  }
.LBB2_2:
0x25: {  	s24 =	sshrl.u32 s24, $0x3  }
0x26: {  	s22 =	sshrl.u32 s22, $0x3;
	_ =	swait.ge [sflag:s17], $0x4000;
	s25 =	smov.u32 s23  }
0x27: {  	s26 =	sadd.s32 $0x80, s23;
	s24 =	sadd.s32 s5, s24;
	[sflag:s17] =	ssyncset.done $0x0  }
0x28: {  	p0 =	sne.s32 s23, $0x4E00;
	[sflag:s17] =	ssyncadd.s32 $0xFFFFC000  }
0x29: {  	[tilespmem:s2], [sflag:$0x2] =	stream.linear.gather [hbm4b:s24+s2], $0x80, $0x38;
	[tilespmem:$0x17D00] =	vst v63  }
0x2a: {  	_ =	swait.ge [sflag:s17], $0x80  }
0x2b: {  	[sflag:s17] =	ssyncset.done $0x0  }
0x2c: {  	s22 =	sadd.s32 s6, s22;
	[sflag:s17] =	ssyncadd.s32 $0xFFFFFF80  }
0x2d: {  	[tilespmem:s18], [sflag:$0x2] =	stream.linear.gather [hbm4b:s22+s2], $0x80, $0x38;
	[tilespmem:$0x17D00] =	vst v63  }
0x2e: {  	_ =	swait.ge [sflag:s17], $0x80  }
0x2f: {  	[sflag:s17] =	ssyncset.done $0x0  }
0x30: {  	[sflag:s17] =	ssyncadd.s32 $0xFFFFFF80  }
0x31: {  	[tilespmem:s19], [sflag:$0x1] =	stream.indirect.gather [hbm4b:s4+s18], $0x80, s2, s18, $0xb8;
	[tilespmem:$0x17D00] =	vst v63  }
.Ltmp0:
0x32: {  	_ =	swait.ge [sflag:s20], $0x4000;
	(pc) =	sbr.rel @p0 .LBB2_2-.Ltmp0, $4  }
0x33: {  	s23 =	sand.u32 $0x380, s25;
	s22 =	sand.u32 $0x7C00, s25;
	[sflag:s20] =	ssyncset.done $0x0  }
0x34: {  	s24 =	sadd.s32 s10, s22;
	s22 =	sadd.s32 s8, s22;
	[sflag:s20] =	ssyncadd.s32 $0xFFFFC000  }
0x35: {  	s24 =	sor.u32 s23, s24;
	s22 =	sor.u32 s23, s22;
	s23 =	smov.u32 s26  }
0x36: {  	[spmem:s1] =	stream.indirect.scatter.add.f32 [tilespmem:s19], [sflag:$0x2], $0x80, s18, s18, $0xb8;
	[tilespmem:$0x17D00] =	vst v63  }
0x37: {  	_ =	swait.ge [sflag:s17], $0x4000  }
0x38: {  	s23 =	sshrl.u32 s24, $0x3;
	[sflag:s17] =	ssyncset.done $0x0  }
0x39: {  	s23 =	sadd.s32 s5, s23;
	[sflag:s17] =	ssyncadd.s32 $0xFFFFC000  }
0x3a: {  	[tilespmem:s2], [sflag:$0x2] =	stream.linear.gather [hbm4b:s23+s2], $0x80, $0x38;
	[tilespmem:$0x17D00] =	vst v63  }
0x3b: {  	_ =	swait.ge [sflag:s17], $0x80  }
0x3c: {  	s22 =	sshrl.u32 s22, $0x3;
	[sflag:s17] =	ssyncset.done $0x0  }
0x3d: {  	s22 =	sadd.s32 s6, s22;
	[sflag:s17] =	ssyncadd.s32 $0xFFFFFF80  }
0x3e: {  	[tilespmem:s18], [sflag:$0x2] =	stream.linear.gather [hbm4b:s22+s2], $0x80, $0x38;
	[tilespmem:$0x17D00] =	vst v63  }
0x3f: {  	_ =	swait.ge [sflag:s17], $0x80  }
0x40: {  	[sflag:s17] =	ssyncset.done $0x0  }
0x41: {  	[sflag:s17] =	ssyncadd.s32 $0xFFFFFF80  }
0x42: {  	[tilespmem:s19], [sflag:$0x1] =	stream.indirect.gather [hbm4b:s4+s18], $0x80, s2, s18, $0xb8;
	[tilespmem:$0x17D00] =	vst v63  }
0x43: {  	_ =	swait.ge [sflag:s20], $0x4000  }
0x44: {  	[sflag:s20] =	ssyncset.done $0x0  }
0x45: {  	[sflag:s20] =	ssyncadd.s32 $0xFFFFC000  }
0x46: {  	[spmem:s1] =	stream.indirect.scatter.add.f32 [tilespmem:s19], [sflag:$0x2], $0x80, s18, s18, $0xb8;
	[tilespmem:$0x17D00] =	vst v63  }
0x47: {  	_ =	swait.ge [sflag:s17], $0x4000  }
0x48: {  	[sflag:s17] =	ssyncset.done $0x0  }
0x49: {  	[sflag:s17] =	ssyncadd.s32 $0xFFFFC000  }
0x4a: {  	[bflag:$0x0] =	sbarrier.arrive $0xFFFF  }
0x4b: {  	[hbm:s11], [sflag:s9] =	dma.local [spmem:s16], $0x2780  }
0x4c: {  	_ =	swait.ge [sflag:s17], $0x2780  }
0x4d: {  	[sflag:s17] =	ssyncset.done $0x0  }
0x4e: {  	s25 =	simm.s32 $0x0;
	[sflag:s17] =	ssyncadd.s32 $0xFFFFD880  }
0x4f: {  	s26 =	sand.u32 $0x7C00, s25;
	[bflag:$0x0] =	sbarrier.arrive $0xFFFF  }
0x50: {  	[spmem:s16], [sflag:s9] =	dma.local [hbm:s12], $0x2780  }
0x51: {  	s28 =	sadd.s32 s13, s26;
	s22 =	sand.u32 $0x380, s25;
	_ =	swait.ge [sflag:s17], $0x2780  }
0x52: {  	s24 =	sor.u32 s22, s28;
	[sflag:s17] =	ssyncset.done $0x0  }
0x53: {  	s24 =	sshrl.u32 s24, $0x3;
	[sflag:s17] =	ssyncadd.s32 $0xFFFFD880  }
0x54: {  	s23 =	sadd.s32 s8, s26;
	s24 =	sadd.s32 s5, s24;
	[bflag:$0x0] =	sbarrier.arrive $0xFFFF  }
0x55: {  	[tilespmem:s2], [sflag:$0x2] =	stream.linear.gather [hbm4b:s24+s2], $0x80, $0x38;
	[tilespmem:$0x17D00] =	vst v63  }
0x56: {  	s22 =	sor.u32 s22, s23;
	_ =	swait.ge [sflag:s17], $0x80  }
0x57: {  	s22 =	sshrl.u32 s22, $0x3;
	[sflag:s17] =	ssyncset.done $0x0  }
0x58: {  	s22 =	sadd.s32 s6, s22;
	[sflag:s17] =	ssyncadd.s32 $0xFFFFFF80  }
0x59: {  	[tilespmem:s18], [sflag:$0x2] =	stream.linear.gather [hbm4b:s22+s2], $0x80, $0x38;
	[tilespmem:$0x17D00] =	vst v63  }
0x5a: {  	_ =	swait.ge [sflag:s17], $0x80  }
0x5b: {  	s29 =	simm.s32 $0x80;
	[sflag:s17] =	ssyncset.done $0x0  }
0x5c: {  	s30 =	sand.u32 $0x7C00, s29;
	[sflag:s17] =	ssyncadd.s32 $0xFFFFFF80  }
0x5d: {  	[tilespmem:s19], [sflag:$0x1] =	stream.indirect.gather [hbm4b:s4+s18], $0x80, s2, s18, $0xb8;
	[tilespmem:$0x17D00] =	vst v63  }
0x5e: {  	s31 =	sadd.s32 s13, s30;
	s25 =	sadd.s32 s8, s30;
	_ =	swait.ge [sflag:s20], $0x4000  }
0x5f: {  	s23 =	simm.s32 $0x100;
	s22 =	sand.u32 $0x380, s29;
	[sflag:s20] =	ssyncset.done $0x0  }
0x60: {  	s24 =	sor.u32 s22, s31;
	s22 =	sor.u32 s22, s25;
	[sflag:s20] =	ssyncadd.s32 $0xFFFFC000  }
0x61: {  	[spmem:s1] =	stream.indirect.scatter.add.f32 [tilespmem:s19], [sflag:$0x2], $0x80, s18, s18, $0xb8;
	[tilespmem:$0x17D00] =	vst v63  }
.LBB2_4:
0x62: {  	s24 =	sshrl.u32 s24, $0x3  }
0x63: {  	s22 =	sshrl.u32 s22, $0x3;
	_ =	swait.ge [sflag:s17], $0x4000;
	s25 =	smov.u32 s23  }
0x64: {  	s26 =	sadd.s32 $0x80, s23;
	s24 =	sadd.s32 s5, s24;
	[sflag:s17] =	ssyncset.done $0x0  }
0x65: {  	p0 =	sne.s32 s23, $0x4E00;
	[sflag:s17] =	ssyncadd.s32 $0xFFFFC000  }
0x66: {  	[tilespmem:s2], [sflag:$0x2] =	stream.linear.gather [hbm4b:s24+s2], $0x80, $0x38;
	[tilespmem:$0x17D00] =	vst v63  }
0x67: {  	_ =	swait.ge [sflag:s17], $0x80  }
0x68: {  	[sflag:s17] =	ssyncset.done $0x0  }
0x69: {  	s22 =	sadd.s32 s6, s22;
	[sflag:s17] =	ssyncadd.s32 $0xFFFFFF80  }
0x6a: {  	[tilespmem:s18], [sflag:$0x2] =	stream.linear.gather [hbm4b:s22+s2], $0x80, $0x38;
	[tilespmem:$0x17D00] =	vst v63  }
0x6b: {  	_ =	swait.ge [sflag:s17], $0x80  }
0x6c: {  	[sflag:s17] =	ssyncset.done $0x0  }
0x6d: {  	[sflag:s17] =	ssyncadd.s32 $0xFFFFFF80  }
0x6e: {  	[tilespmem:s19], [sflag:$0x1] =	stream.indirect.gather [hbm4b:s4+s18], $0x80, s2, s18, $0xb8;
	[tilespmem:$0x17D00] =	vst v63  }
.Ltmp1:
0x6f: {  	_ =	swait.ge [sflag:s20], $0x4000;
	(pc) =	sbr.rel @p0 .LBB2_4-.Ltmp1, $4  }
0x70: {  	s23 =	sand.u32 $0x380, s25;
	s22 =	sand.u32 $0x7C00, s25;
	[sflag:s20] =	ssyncset.done $0x0  }
0x71: {  	s24 =	sadd.s32 s13, s22;
	s22 =	sadd.s32 s8, s22;
	[sflag:s20] =	ssyncadd.s32 $0xFFFFC000  }
0x72: {  	s24 =	sor.u32 s23, s24;
	s22 =	sor.u32 s23, s22;
	s23 =	smov.u32 s26  }
0x73: {  	[spmem:s1] =	stream.indirect.scatter.add.f32 [tilespmem:s19], [sflag:$0x2], $0x80, s18, s18, $0xb8;
	[tilespmem:$0x17D00] =	vst v63  }
0x74: {  	_ =	swait.ge [sflag:s17], $0x4000  }
0x75: {  	s23 =	sshrl.u32 s24, $0x3;
	[sflag:s17] =	ssyncset.done $0x0  }
0x76: {  	s23 =	sadd.s32 s5, s23;
	[sflag:s17] =	ssyncadd.s32 $0xFFFFC000  }
0x77: {  	[tilespmem:s2], [sflag:$0x2] =	stream.linear.gather [hbm4b:s23+s2], $0x80, $0x38;
	[tilespmem:$0x17D00] =	vst v63  }
0x78: {  	_ =	swait.ge [sflag:s17], $0x80  }
0x79: {  	s22 =	sshrl.u32 s22, $0x3;
	[sflag:s17] =	ssyncset.done $0x0  }
0x7a: {  	s22 =	sadd.s32 s6, s22;
	[sflag:s17] =	ssyncadd.s32 $0xFFFFFF80  }
0x7b: {  	[tilespmem:s18], [sflag:$0x2] =	stream.linear.gather [hbm4b:s22+s2], $0x80, $0x38;
	[tilespmem:$0x17D00] =	vst v63  }
0x7c: {  	_ =	swait.ge [sflag:s17], $0x80  }
0x7d: {  	[sflag:s17] =	ssyncset.done $0x0  }
0x7e: {  	[sflag:s17] =	ssyncadd.s32 $0xFFFFFF80  }
0x7f: {  	[tilespmem:s19], [sflag:$0x1] =	stream.indirect.gather [hbm4b:s4+s18], $0x80, s2, s18, $0xb8;
	[tilespmem:$0x17D00] =	vst v63  }
0x80: {  	_ =	swait.ge [sflag:s20], $0x4000  }
0x81: {  	[sflag:s20] =	ssyncset.done $0x0  }
0x82: {  	[sflag:s20] =	ssyncadd.s32 $0xFFFFC000  }
0x83: {  	[spmem:s1] =	stream.indirect.scatter.add.f32 [tilespmem:s19], [sflag:$0x2], $0x80, s18, s18, $0xb8;
	[tilespmem:$0x17D00] =	vst v63  }
0x84: {  	_ =	swait.ge [sflag:s17], $0x4000  }
0x85: {  	[sflag:s17] =	ssyncset.done $0x0  }
0x86: {  	s21 =	sadd.s32 $0x1, s21;
	[sflag:s17] =	ssyncadd.s32 $0xFFFFC000  }
0x87: {  	p0 =	sne.s32 s21, s15;
	[bflag:$0x0] =	sbarrier.arrive $0xFFFF  }
0x88: {  	[hbm:s14], [sflag:s9] =	dma.local [spmem:s16], $0x2780  }
.Ltmp2:
0x89: {  	_ =	swait.ge [sflag:s17], $0x2780;
	(pc) =	sbr.rel @p0 .LBB2_1-.Ltmp2, $3  }
0x8a: {  	[sflag:s17] =	ssyncset.done $0x0  }
0x8b: {  	[sflag:s17] =	ssyncadd.s32 $0xFFFFD880  }
0x8c: {  	[bflag:$0x0] =	sbarrier.arrive $0xFFFF;
	_ =	sdelay $0x1  }
0x8d: {  	_ =	sfence.sel $0x180000  }
0x8e: {  	[bflag:$0x0] =	sbarrier.arrive $0xFFFF  }
0x8f: {  	p0 =	sne.s32 s3, $0x0;
	_ =	strace $0x90000050  }
0x90: {  	s0 =	sadd.s32 @!p0 $0x100000, s0;
	[bflag:$0x2] =	sbarrier.arrive $0xFFFF  }
0x91: {  	[sflag:s0] =	ssyncadd.tile.s32 @!p0 $0x1;
	_ =	shalt  }
.Lfunc_end2:
_tile_overlayer_lowered:
.L_overlay_start_2:
0x92: {  	(tag) =	ssettag $0x2  }
0x93: {  	s0 =	rddreg [dreg:$0x0];
	s2 =	stileid.u32  }
0x94: {  	s1 =	rddreg [dreg:$0x1];
	p0 =	sne.s32 s2, $0x0  }
0x95: {  	s3 =	rddreg [dreg:$0x2];
	[bflag:$0x3] =	sbarrier.arrive $0xFFFF;
	s2 =	simm.s32 @!p0 $0x1C02  }
0x96: {  	[timem:s3], [sflag:s2] =	dma.local @!p0 [hbm:s0], s1  }
0x97: {  	s0 =	simm.s32 @!p0 $0x2  }
0x98: {  	_ =	swait.ge @!p0 [sflag:s0], s1  }
0x99: {  	s1 =	ssub.s32 @!p0 $0x0, s1;
	[sflag:s0] =	ssyncset.done @!p0 $0x0  }
0x9a: {  	[sflag:s0] =	ssyncadd.s32 @!p0 s1  }
0x9b: {  	[bflag:$0x3] =	sbarrier.arrive $0xFFFF  }
0x9c: {  	_ =	shalt  }

</sc_bundles>
